<compile_context>
chip_gen: v7x
topology: tpu7x:2x2x1
jax: 0.10.2.dev20260603
libtpu: 0.0.44.dev20260713+nightly
codegen_flags: <defaults>
</compile_context>

<pallas_src>
import jax
import jax.numpy as jnp
from jax import lax
from jax.experimental import pallas as pl
from jax.experimental.pallas import tpu as pltpu
from jax.experimental.pallas import tpu_sc as plsc

N_NODES = 10000
N_EDGES = 320000
D = 128
NC = 2
NS = 16
L = 16
NW = NC * NS
EPW = N_EDGES // NW
K = 80
NCHUNK = EPW // K
ZCH = 80
NZ = N_NODES // ZCH
NZI = (NZ + NS - 1) // NS
DV = D // L


def _edge_body(h_hbm, eflat_hbm, norm_hbm, out_hbm,
               sall, dstage, nstage, rows3, acc,
               gsem0, gsem1, gsem2, ssem0, ssem1, ssem2,
               nsem0, nsem1, nsem2):
    cid = lax.axis_index("c")
    sid = lax.axis_index("s")
    wid = sid * NC + cid
    gsems = (gsem0, gsem1, gsem2)
    ssems = (ssem0, ssem1, ssem2)
    nsems = (nsem0, nsem1, nsem2)
    ebase = wid * EPW

    def start_nd(c, b):
        off = ebase + c * K
        pltpu.async_copy(eflat_hbm.at[pl.ds(N_EDGES + off, K)],
                         dstage.at[b], nsems[b])
        pltpu.async_copy(norm_hbm.at[pl.ds(off, K)], nstage.at[b], nsems[b])

    pltpu.async_copy(eflat_hbm.at[pl.ds(ebase, EPW)], sall, ssem0)
    start_nd(0, 0)
    start_nd(1, 1)
    start_nd(2, 2)

    zero = jnp.zeros((L,), jnp.float32)

    def zrow(i, _):
        for j in range(DV):
            rows3[0, i, pl.ds(j * L, L)] = zero
        return 0

    lax.fori_loop(0, ZCH, zrow, 0)

    for i in range(NZI):
        c = i * NS + sid

        @pl.when(c < NZ)
        def _():
            pltpu.async_copy(rows3.at[0], acc.at[pl.ds(c * ZCH, ZCH)],
                             gsems[i % 3])

    for i in range(NZI):
        c = i * NS + sid

        @pl.when(c < NZ)
        def _():
            pltpu.make_async_copy(rows3.at[0], acc.at[pl.ds(c * ZCH, ZCH)],
                                  gsems[i % 3]).wait()


    def start_gather(c, b):
        pltpu.async_copy(h_hbm.at[sall.at[pl.ds(c * K, K)]],
                         rows3.at[b], gsems[b])

    def wait_gather(b):
        pltpu.make_async_copy(h_hbm.at[sall.at[pl.ds(0, K)]],
                              rows3.at[b], gsems[b]).wait()

    def start_scatter(c, b):
        pltpu.async_copy(rows3.at[b], acc.at[dstage.at[b]], ssems[b],
                         add=True)

    def wait_scatter(b):
        pltpu.make_async_copy(rows3.at[b], acc.at[dstage.at[b]],
                              ssems[b]).wait()

    def wait_nd(b):
        pltpu.make_async_copy(eflat_hbm.at[pl.ds(0, K)], dstage.at[b],
                              nsems[b]).wait()
        pltpu.make_async_copy(norm_hbm.at[pl.ds(0, K)], nstage.at[b],
                              nsems[b]).wait()

    def compute(c, b):
        bvec = jnp.full((L,), b, jnp.int32)

        @plsc.parallel_loop(0, K, 1, unroll=4)
        def _(e):
            nb = plsc.load_gather(
                nstage, [bvec, jnp.zeros((L,), jnp.int32) + e])
            for j in range(DV):
                rows3[b, e, pl.ds(j * L, L)] = (
                    rows3[b, e, pl.ds(j * L, L)] * nb)

    def step(c, b):
        wait_gather(b)
        wait_nd(b)
        compute(c, b)
        start_scatter(c, b)
        wait_scatter((b + 2) % 3)

        @pl.when(c + 2 < NCHUNK)
        def _():
            start_nd(c + 2, (b + 2) % 3)
            start_gather(c + 2, (b + 2) % 3)

    pltpu.make_async_copy(eflat_hbm.at[pl.ds(ebase, EPW)], sall,
                          ssem0).wait()
    start_gather(0, 0)
    start_gather(1, 1)
    start_gather(2, 2)
    plsc.subcore_barrier()

    wait_gather(0)
    wait_nd(0)
    compute(0, 0)
    start_scatter(0, 0)

    def triple(i, _):
        c = 3 * i + 1
        step(c, 1)
        step(c + 1, 2)
        step(c + 2, 0)
        return 0

    lax.fori_loop(0, (NCHUNK - 2) // 3, triple, 0)

    wait_gather(1)
    wait_nd(1)
    compute(NCHUNK - 1, 1)
    start_scatter(NCHUNK - 1, 1)
    wait_scatter(0)
    wait_scatter(1)
    plsc.subcore_barrier()

    for i in range(NZI):
        c = i * NS + sid

        @pl.when(c < NZ)
        def _():
            pltpu.async_copy(acc.at[pl.ds(c * ZCH, ZCH)],
                             out_hbm.at[cid, pl.ds(c * ZCH, ZCH)],
                             gsems[i % 3])

    for i in range(NZI):
        c = i * NS + sid

        @pl.when(c < NZ)
        def _():
            pltpu.make_async_copy(acc.at[pl.ds(c * ZCH, ZCH)],
                                  out_hbm.at[cid, pl.ds(c * ZCH, ZCH)],
                                  gsems[i % 3]).wait()


@jax.jit
def _edge_pass(h, eflat, normf):
    mesh = plsc.VectorSubcoreMesh(core_axis_name="c", subcore_axis_name="s")
    return pl.kernel(
        _edge_body,
        out_type=jax.ShapeDtypeStruct((NC, N_NODES, D), jnp.float32),
        mesh=mesh,
        scratch_types=[
            pltpu.VMEM((EPW,), jnp.int32),
            pltpu.VMEM((3, K), jnp.int32),
            pltpu.VMEM((3, K), jnp.float32),
            pltpu.VMEM((3, K, D), jnp.float32),
            pltpu.VMEM_SHARED((N_NODES, D), jnp.float32),
            pltpu.SemaphoreType.DMA,
            pltpu.SemaphoreType.DMA,
            pltpu.SemaphoreType.DMA,
            pltpu.SemaphoreType.DMA,
            pltpu.SemaphoreType.DMA,
            pltpu.SemaphoreType.DMA,
            pltpu.SemaphoreType.DMA,
            pltpu.SemaphoreType.DMA,
            pltpu.SemaphoreType.DMA,
        ],
        compiler_params=pltpu.CompilerParams(needs_layout_passes=False),
    )(h, eflat, normf)


def _matmul_body(h_ref, w_ref, b_ref, o_ref):
    o_ref[...] = jnp.dot(h_ref[...], w_ref[...],
                         preferred_element_type=jnp.float32) + b_ref[...]


def _combine_body(p0_ref, p1_ref, lm_ref, o_ref):
    o_ref[...] = jax.nn.relu(p0_ref[...] + p1_ref[...] + lm_ref[...])


@jax.jit
def _dense_and_edges(h, eflat, normf, w, b2d):
    blk = 2000
    grid = N_NODES // blk
    row_spec = pl.BlockSpec((blk, D), lambda i: (i, 0))
    full_spec = pl.BlockSpec((D, D), lambda i: (0, 0))
    bias_spec = pl.BlockSpec((1, D), lambda i: (0, 0))
    loop_msg = pl.pallas_call(
        _matmul_body,
        out_shape=jax.ShapeDtypeStruct((N_NODES, D), jnp.float32),
        grid=(grid,),
        in_specs=[row_spec, full_spec, bias_spec],
        out_specs=row_spec,
    )(h, w, b2d)
    parts = _edge_pass(h, eflat, normf)
    part_spec0 = pl.BlockSpec((None, blk, D), lambda i: (0, i, 0))
    part_spec1 = pl.BlockSpec((None, blk, D), lambda i: (1, i, 0))
    return pl.pallas_call(
        _combine_body,
        out_shape=jax.ShapeDtypeStruct((N_NODES, D), jnp.float32),
        grid=(grid,),
        in_specs=[part_spec0, part_spec1, row_spec],
        out_specs=row_spec,
    )(parts, parts, loop_msg)


def kernel(h, edge_index, r, norm, loop_weight, h_bias):
    eflat = edge_index.reshape(-1)
    normf = norm.reshape(-1)
    return _dense_and_edges(h, eflat, normf, loop_weight,
                            h_bias.reshape(1, D))

# --- scband reference (transcript-rebuilt; emitter-appended) ---
"""Pipeline reference for scband-base-rel-graph-conv-86938728005789 (READ-ONLY COPY).

The authoritative reference and input builder live on the scoring server;
editing this copy changes nothing except your own understanding.
"""

import jax, jax.numpy as jnp
import numpy as np

N_NODES = 10000
N_EDGES = 320000
D = 128
NUM_RELS = 8


def setup_inputs(seed: int = 0) -> dict:
    key = jax.random.key(seed)
    k1, k2, k3, k4, k5 = jax.random.split(key, 5)
    h = jax.random.normal(k1, (N_NODES, D), dtype=jnp.float32)
    edge_index = jax.random.randint(k2, (2, N_EDGES), 0, N_NODES, dtype=jnp.int32)
    r = jax.random.randint(k3, (N_EDGES,), 0, NUM_RELS, dtype=jnp.int32)
    norm = jax.random.uniform(k4, (N_EDGES, 1), dtype=jnp.float32)
    # loop_weight: xavier_uniform with relu gain
    gain = float(np.sqrt(2.0))
    limit = gain * float(np.sqrt(6.0 / (D + D)))
    loop_weight = jax.random.uniform(k5, (D, D), dtype=jnp.float32, minval=-limit, maxval=limit)
    h_bias = jnp.zeros((D,), dtype=jnp.float32)
    return {"h": h, "edge_index": edge_index, "r": r, "norm": norm,
            "loop_weight": loop_weight, "h_bias": h_bias}


def reference(h, edge_index, r, norm, loop_weight, h_bias):
    src = edge_index[0]
    dst = edge_index[1]
    # self-loop message: h @ loop_weight (dropout p=0.0 -> identity in eval)
    loop_message = jnp.dot(h, loop_weight)
    # message: copy source feature scaled by edge norm (base-class concrete msg)
    msg = jnp.take(h, src, axis=0) * norm
    # fn.sum aggregation: scatter-add messages into dst nodes
    node_repr = jax.ops.segment_sum(msg, dst, num_segments=N_NODES)
    node_repr = node_repr + h_bias
    node_repr = node_repr + loop_message
    node_repr = jax.nn.relu(node_repr)
    return node_repr

if __name__ == "__main__":
    import jax
    _d = setup_inputs()
    print(jax.jit(kernel)(*tuple(_d.values())))

</pallas_src>

<mosaic_0001>
#map = affine_map<(d0, d1) -> (0, 0)>
#map1 = affine_map<(d0, d1) -> (0)>
#map2 = affine_map<(d0, d1) -> (0, 0, 0)>
module attributes {stable_mosaic.version = 14 : i64} {
  func.func @_edge_body(%arg0: i32, %arg1: i32, %arg2: memref<10000x128xf32, #tpu.memory_space<hbm>>, %arg3: memref<640000xi32, #tpu.memory_space<hbm>>, %arg4: memref<320000xf32, #tpu.memory_space<hbm>>, %arg5: memref<2x10000x128xf32, #tpu.memory_space<hbm>>, %arg6: memref<10000xi32, #tpu.memory_space<vmem>>, %arg7: memref<3x80xi32, #tpu.memory_space<vmem>>, %arg8: memref<3x80xf32, #tpu.memory_space<vmem>>, %arg9: memref<3x80x128xf32, #tpu.memory_space<vmem>>, %arg10: memref<10000x128xf32, #tpu.memory_space<vmem_shared>>, %arg11: memref<!tpu.dma_semaphore, #tpu.memory_space<semaphore_mem>>, %arg12: memref<!tpu.dma_semaphore, #tpu.memory_space<semaphore_mem>>, %arg13: memref<!tpu.dma_semaphore, #tpu.memory_space<semaphore_mem>>, %arg14: memref<!tpu.dma_semaphore, #tpu.memory_space<semaphore_mem>>, %arg15: memref<!tpu.dma_semaphore, #tpu.memory_space<semaphore_mem>>, %arg16: memref<!tpu.dma_semaphore, #tpu.memory_space<semaphore_mem>>, %arg17: memref<!tpu.dma_semaphore, #tpu.memory_space<semaphore_mem>>, %arg18: memref<!tpu.dma_semaphore, #tpu.memory_space<semaphore_mem>>, %arg19: memref<!tpu.dma_semaphore, #tpu.memory_space<semaphore_mem>>) attributes {dimension_semantics = [#tpu.dimension_semantics<core_parallel>, #tpu.dimension_semantics<subcore_parallel>], iteration_bounds = array<i64: 2, 16>, scalar_prefetch = 0 : i64, scratch_operands = 14 : i64, tpu.core_type = #tpu.core_type<sc_vector_subcore>, window_params = [{transform_indices = #map}, {transform_indices = #map1}, {transform_indices = #map1}, {transform_indices = #map2}]} {
    %mul3A = arith.constant 2 : i32
    %mul3A_0 = arith.muli %arg1, %mul3A : i32
    %add3A = arith.addi %mul3A_0, %arg0 : i32
    %mul3A_1 = arith.constant 10000 : i32
    %mul3A_2 = arith.muli %add3A, %mul3A_1 : i32
    %dma_start3A = tpu.memref_slice %arg3[%mul3A_2] : memref<640000xi32, #tpu.memory_space<hbm>> -> memref<10000xi32, #tpu.memory_space<hbm>>
    %dma_start3A_3 = tpu.memref_slice %arg3[%mul3A_2] : memref<640000xi32, #tpu.memory_space<hbm>> -> memref<10000xi32, #tpu.memory_space<hbm>>
    tpu.enqueue_dma source(%dma_start3A_3 : memref<10000xi32, #tpu.memory_space<hbm>>) target(%arg6 : memref<10000xi32, #tpu.memory_space<vmem>>) target_semaphore(%arg14 : memref<!tpu.dma_semaphore, #tpu.memory_space<semaphore_mem>>)
    %add3A_4 = arith.constant 0 : i32
    %add3A_5 = arith.addi %mul3A_2, %add3A_4 : i32
    %add3A_6 = arith.constant 320000 : i32
    %add3A_7 = arith.addi %add3A_6, %add3A_5 : i32
    %dma_start3A_8 = arith.constant 0 : i32
    %dma_start3A_9 = arith.constant 0 : i32
    %dma_start3A_10 = tpu.memref_slice %arg7[%dma_start3A_8, %dma_start3A_9] : memref<3x80xi32, #tpu.memory_space<vmem>> -> memref<1x80xi32, #tpu.memory_space<vmem>>
    %dma_start3A_11 = tpu.memref_squeeze %dma_start3A_10 : memref<1x80xi32, #tpu.memory_space<vmem>> -> memref<80xi32, #tpu.memory_space<vmem>>
    %dma_start3A_12 = tpu.memref_slice %arg3[%add3A_7] : memref<640000xi32, #tpu.memory_space<hbm>> -> memref<80xi32, #tpu.memory_space<hbm>>
    %dma_start3A_13 = arith.constant 0 : i32
    %dma_start3A_14 = tpu.memref_slice %arg7[%dma_start3A_8, %dma_start3A_13] : memref<3x80xi32, #tpu.memory_space<vmem>> -> memref<1x80xi32, #tpu.memory_space<vmem>>
    %dma_start3A_15 = tpu.memref_squeeze %dma_start3A_14 : memref<1x80xi32, #tpu.memory_space<vmem>> -> memref<80xi32, #tpu.memory_space<vmem>>
    %dma_start3A_16 = tpu.memref_slice %arg3[%add3A_7] : memref<640000xi32, #tpu.memory_space<hbm>> -> memref<80xi32, #tpu.memory_space<hbm>>
    tpu.enqueue_dma source(%dma_start3A_16 : memref<80xi32, #tpu.memory_space<hbm>>) target(%dma_start3A_15 : memref<80xi32, #tpu.memory_space<vmem>>) target_semaphore(%arg17 : memref<!tpu.dma_semaphore, #tpu.memory_space<semaphore_mem>>)
    %dma_start3A_17 = arith.constant 0 : i32
    %dma_start3A_18 = arith.constant 0 : i32
    %dma_start3A_19 = tpu.memref_slice %arg8[%dma_start3A_17, %dma_start3A_18] : memref<3x80xf32, #tpu.memory_space<vmem>> -> memref<1x80xf32, #tpu.memory_space<vmem>>
    %dma_start3A_20 = tpu.memref_squeeze %dma_start3A_19 : memref<1x80xf32, #tpu.memory_space<vmem>> -> memref<80xf32, #tpu.memory_space<vmem>>
    %dma_start3A_21 = tpu.memref_slice %arg4[%add3A_5] : memref<320000xf32, #tpu.memory_space<hbm>> -> memref<80xf32, #tpu.memory_space<hbm>>
    %dma_start3A_22 = arith.constant 0 : i32
    %dma_start3A_23 = tpu.memref_slice %arg8[%dma_start3A_17, %dma_start3A_22] : memref<3x80xf32, #tpu.memory_space<vmem>> -> memref<1x80xf32, #tpu.memory_space<vmem>>
    %dma_start3A_24 = tpu.memref_squeeze %dma_start3A_23 : memref<1x80xf32, #tpu.memory_space<vmem>> -> memref<80xf32, #tpu.memory_space<vmem>>
    %dma_start3A_25 = tpu.memref_slice %arg4[%add3A_5] : memref<320000xf32, #tpu.memory_space<hbm>> -> memref<80xf32, #tpu.memory_space<hbm>>
    tpu.enqueue_dma source(%dma_start3A_25 : memref<80xf32, #tpu.memory_space<hbm>>) target(%dma_start3A_24 : memref<80xf32, #tpu.memory_space<vmem>>) target_semaphore(%arg17 : memref<!tpu.dma_semaphore, #tpu.memory_space<semaphore_mem>>)
    %add3A_26 = arith.constant 80 : i32
    %add3A_27 = arith.addi %mul3A_2, %add3A_26 : i32
    %add3A_28 = arith.constant 320000 : i32
    %add3A_29 = arith.addi %add3A_28, %add3A_27 : i32
    %dma_start3A_30 = arith.constant 1 : i32
    %dma_start3A_31 = arith.constant 0 : i32
    %dma_start3A_32 = tpu.memref_slice %arg7[%dma_start3A_30, %dma_start3A_31] : memref<3x80xi32, #tpu.memory_space<vmem>> -> memref<1x80xi32, #tpu.memory_space<vmem>>
    %dma_start3A_33 = tpu.memref_squeeze %dma_start3A_32 : memref<1x80xi32, #tpu.memory_space<vmem>> -> memref<80xi32, #tpu.memory_space<vmem>>
    %dma_start3A_34 = tpu.memref_slice %arg3[%add3A_29] : memref<640000xi32, #tpu.memory_space<hbm>> -> memref<80xi32, #tpu.memory_space<hbm>>
    %dma_start3A_35 = arith.constant 0 : i32
    %dma_start3A_36 = tpu.memref_slice %arg7[%dma_start3A_30, %dma_start3A_35] : memref<3x80xi32, #tpu.memory_space<vmem>> -> memref<1x80xi32, #tpu.memory_space<vmem>>
    %dma_start3A_37 = tpu.memref_squeeze %dma_start3A_36 : memref<1x80xi32, #tpu.memory_space<vmem>> -> memref<80xi32, #tpu.memory_space<vmem>>
    %dma_start3A_38 = tpu.memref_slice %arg3[%add3A_29] : memref<640000xi32, #tpu.memory_space<hbm>> -> memref<80xi32, #tpu.memory_space<hbm>>
    tpu.enqueue_dma source(%dma_start3A_38 : memref<80xi32, #tpu.memory_space<hbm>>) target(%dma_start3A_37 : memref<80xi32, #tpu.memory_space<vmem>>) target_semaphore(%arg18 : memref<!tpu.dma_semaphore, #tpu.memory_space<semaphore_mem>>)
    %dma_start3A_39 = arith.constant 1 : i32
    %dma_start3A_40 = arith.constant 0 : i32
    %dma_start3A_41 = tpu.memref_slice %arg8[%dma_start3A_39, %dma_start3A_40] : memref<3x80xf32, #tpu.memory_space<vmem>> -> memref<1x80xf32, #tpu.memory_space<vmem>>
    %dma_start3A_42 = tpu.memref_squeeze %dma_start3A_41 : memref<1x80xf32, #tpu.memory_space<vmem>> -> memref<80xf32, #tpu.memory_space<vmem>>
    %dma_start3A_43 = tpu.memref_slice %arg4[%add3A_27] : memref<320000xf32, #tpu.memory_space<hbm>> -> memref<80xf32, #tpu.memory_space<hbm>>
    %dma_start3A_44 = arith.constant 0 : i32
    %dma_start3A_45 = tpu.memref_slice %arg8[%dma_start3A_39, %dma_start3A_44] : memref<3x80xf32, #tpu.memory_space<vmem>> -> memref<1x80xf32, #tpu.memory_space<vmem>>
    %dma_start3A_46 = tpu.memref_squeeze %dma_start3A_45 : memref<1x80xf32, #tpu.memory_space<vmem>> -> memref<80xf32, #tpu.memory_space<vmem>>
    %dma_start3A_47 = tpu.memref_slice %arg4[%add3A_27] : memref<320000xf32, #tpu.memory_space<hbm>> -> memref<80xf32, #tpu.memory_space<hbm>>
    tpu.enqueue_dma source(%dma_start3A_47 : memref<80xf32, #tpu.memory_space<hbm>>) target(%dma_start3A_46 : memref<80xf32, #tpu.memory_space<vmem>>) target_semaphore(%arg18 : memref<!tpu.dma_semaphore, #tpu.memory_space<semaphore_mem>>)
    %add3A_48 = arith.constant 160 : i32
    %add3A_49 = arith.addi %mul3A_2, %add3A_48 : i32
    %add3A_50 = arith.constant 320000 : i32
    %add3A_51 = arith.addi %add3A_50, %add3A_49 : i32
    %dma_start3A_52 = arith.constant 2 : i32
    %dma_start3A_53 = arith.constant 0 : i32
    %dma_start3A_54 = tpu.memref_slice %arg7[%dma_start3A_52, %dma_start3A_53] : memref<3x80xi32, #tpu.memory_space<vmem>> -> memref<1x80xi32, #tpu.memory_space<vmem>>
    %dma_start3A_55 = tpu.memref_squeeze %dma_start3A_54 : memref<1x80xi32, #tpu.memory_space<vmem>> -> memref<80xi32, #tpu.memory_space<vmem>>
    %dma_start3A_56 = tpu.memref_slice %arg3[%add3A_51] : memref<640000xi32, #tpu.memory_space<hbm>> -> memref<80xi32, #tpu.memory_space<hbm>>
    %dma_start3A_57 = arith.constant 0 : i32
    %dma_start3A_58 = tpu.memref_slice %arg7[%dma_start3A_52, %dma_start3A_57] : memref<3x80xi32, #tpu.memory_space<vmem>> -> memref<1x80xi32, #tpu.memory_space<vmem>>
    %dma_start3A_59 = tpu.memref_squeeze %dma_start3A_58 : memref<1x80xi32, #tpu.memory_space<vmem>> -> memref<80xi32, #tpu.memory_space<vmem>>
    %dma_start3A_60 = tpu.memref_slice %arg3[%add3A_51] : memref<640000xi32, #tpu.memory_space<hbm>> -> memref<80xi32, #tpu.memory_space<hbm>>
    tpu.enqueue_dma source(%dma_start3A_60 : memref<80xi32, #tpu.memory_space<hbm>>) target(%dma_start3A_59 : memref<80xi32, #tpu.memory_space<vmem>>) target_semaphore(%arg19 : memref<!tpu.dma_semaphore, #tpu.memory_space<semaphore_mem>>)
    %dma_start3A_61 = arith.constant 2 : i32
    %dma_start3A_62 = arith.constant 0 : i32
    %dma_start3A_63 = tpu.memref_slice %arg8[%dma_start3A_61, %dma_start3A_62] : memref<3x80xf32, #tpu.memory_space<vmem>> -> memref<1x80xf32, #tpu.memory_space<vmem>>
    %dma_start3A_64 = tpu.memref_squeeze %dma_start3A_63 : memref<1x80xf32, #tpu.memory_space<vmem>> -> memref<80xf32, #tpu.memory_space<vmem>>
    %dma_start3A_65 = tpu.memref_slice %arg4[%add3A_49] : memref<320000xf32, #tpu.memory_space<hbm>> -> memref<80xf32, #tpu.memory_space<hbm>>
    %dma_start3A_66 = arith.constant 0 : i32
    %dma_start3A_67 = tpu.memref_slice %arg8[%dma_start3A_61, %dma_start3A_66] : memref<3x80xf32, #tpu.memory_space<vmem>> -> memref<1x80xf32, #tpu.memory_space<vmem>>
    %dma_start3A_68 = tpu.memref_squeeze %dma_start3A_67 : memref<1x80xf32, #tpu.memory_space<vmem>> -> memref<80xf32, #tpu.memory_space<vmem>>
    %dma_start3A_69 = tpu.memref_slice %arg4[%add3A_49] : memref<320000xf32, #tpu.memory_space<hbm>> -> memref<80xf32, #tpu.memory_space<hbm>>
    tpu.enqueue_dma source(%dma_start3A_69 : memref<80xf32, #tpu.memory_space<hbm>>) target(%dma_start3A_68 : memref<80xf32, #tpu.memory_space<vmem>>) target_semaphore(%arg19 : memref<!tpu.dma_semaphore, #tpu.memory_space<semaphore_mem>>)
    %broadcast_in_dim3A = arith.constant 0.000000e+00 : f32
    %broadcast_in_dim3A_70 = vector.broadcast %broadcast_in_dim3A : f32 to vector<16xf32>
    %scan3A = arith.constant 0 : i32
    %scan3A_71 = arith.constant 0 : i32
    %scan3A_72 = arith.constant 80 : i32
    %scan3A_73 = arith.addi %scan3A_71, %scan3A_72 : i32
    %scan3A_74 = arith.constant 1 : i32
    %scan3A_75 = scf.for %scan3A_458 = %scan3A_71 to %scan3A_73 step %scan3A_74 iter_args(%scan3A_459 = %scan3A) -> (i32)  : i32 {
      %swap3A = arith.constant 0 : i32
      %swap3A_460 = arith.index_cast %swap3A : i32 to index
      %swap3A_461 = arith.index_cast %scan3A_458 : i32 to index
      %swap3A_462 = arith.constant 0 : index
      %swap3A_463 = tpu.vector_load %arg9[%swap3A_460, %swap3A_461, %swap3A_462] {strides = array<i32>} : memref<3x80x128xf32, #tpu.memory_space<vmem>>, vector<16xf32>,
      tpu.vector_store %arg9[%swap3A_460, %swap3A_461, %swap3A_462], %broadcast_in_dim3A_70 {strides = array<i32>} : memref<3x80x128xf32, #tpu.memory_space<vmem>>, vector<16xf32>,
      %swap3A_464 = arith.constant 0 : i32
      %swap3A_465 = arith.index_cast %swap3A_464 : i32 to index
      %swap3A_466 = arith.index_cast %scan3A_458 : i32 to index
      %swap3A_467 = arith.constant 16 : index
      %swap3A_468 = tpu.vector_load %arg9[%swap3A_465, %swap3A_466, %swap3A_467] {strides = array<i32>} : memref<3x80x128xf32, #tpu.memory_space<vmem>>, vector<16xf32>,
      tpu.vector_store %arg9[%swap3A_465, %swap3A_466, %swap3A_467], %broadcast_in_dim3A_70 {strides = array<i32>} : memref<3x80x128xf32, #tpu.memory_space<vmem>>, vector<16xf32>,
      %swap3A_469 = arith.constant 0 : i32
      %swap3A_470 = arith.index_cast %swap3A_469 : i32 to index
      %swap3A_471 = arith.index_cast %scan3A_458 : i32 to index
      %swap3A_472 = arith.constant 32 : index
      %swap3A_473 = tpu.vector_load %arg9[%swap3A_470, %swap3A_471, %swap3A_472] {strides = array<i32>} : memref<3x80x128xf32, #tpu.memory_space<vmem>>, vector<16xf32>,
      tpu.vector_store %arg9[%swap3A_470, %swap3A_471, %swap3A_472], %broadcast_in_dim3A_70 {strides = array<i32>} : memref<3x80x128xf32, #tpu.memory_space<vmem>>, vector<16xf32>,
      %swap3A_474 = arith.constant 0 : i32
      %swap3A_475 = arith.index_cast %swap3A_474 : i32 to index
      %swap3A_476 = arith.index_cast %scan3A_458 : i32 to index
      %swap3A_477 = arith.constant 48 : index
      %swap3A_478 = tpu.vector_load %arg9[%swap3A_475, %swap3A_476, %swap3A_477] {strides = array<i32>} : memref<3x80x128xf32, #tpu.memory_space<vmem>>, vector<16xf32>,
      tpu.vector_store %arg9[%swap3A_475, %swap3A_476, %swap3A_477], %broadcast_in_dim3A_70 {strides = array<i32>} : memref<3x80x128xf32, #tpu.memory_space<vmem>>, vector<16xf32>,
      %swap3A_479 = arith.constant 0 : i32
      %swap3A_480 = arith.index_cast %swap3A_479 : i32 to index
      %swap3A_481 = arith.index_cast %scan3A_458 : i32 to index
      %swap3A_482 = arith.constant 64 : index
      %swap3A_483 = tpu.vector_load %arg9[%swap3A_480, %swap3A_481, %swap3A_482] {strides = array<i32>} : memref<3x80x128xf32, #tpu.memory_space<vmem>>, vector<16xf32>,
      tpu.vector_store %arg9[%swap3A_480, %swap3A_481, %swap3A_482], %broadcast_in_dim3A_70 {strides = array<i32>} : memref<3x80x128xf32, #tpu.memory_space<vmem>>, vector<16xf32>,
      %swap3A_484 = arith.constant 0 : i32
      %swap3A_485 = arith.index_cast %swap3A_484 : i32 to index
      %swap3A_486 = arith.index_cast %scan3A_458 : i32 to index
      %swap3A_487 = arith.constant 80 : index
      %swap3A_488 = tpu.vector_load %arg9[%swap3A_485, %swap3A_486, %swap3A_487] {strides = array<i32>} : memref<3x80x128xf32, #tpu.memory_space<vmem>>, vector<16xf32>,
      tpu.vector_store %arg9[%swap3A_485, %swap3A_486, %swap3A_487], %broadcast_in_dim3A_70 {strides = array<i32>} : memref<3x80x128xf32, #tpu.memory_space<vmem>>, vector<16xf32>,
      %swap3A_489 = arith.constant 0 : i32
      %swap3A_490 = arith.index_cast %swap3A_489 : i32 to index
      %swap3A_491 = arith.index_cast %scan3A_458 : i32 to index
      %swap3A_492 = arith.constant 96 : index
      %swap3A_493 = tpu.vector_load %arg9[%swap3A_490, %swap3A_491, %swap3A_492] {strides = array<i32>} : memref<3x80x128xf32, #tpu.memory_space<vmem>>, vector<16xf32>,
      tpu.vector_store %arg9[%swap3A_490, %swap3A_491, %swap3A_492], %broadcast_in_dim3A_70 {strides = array<i32>} : memref<3x80x128xf32, #tpu.memory_space<vmem>>, vector<16xf32>,
      %swap3A_494 = arith.constant 0 : i32
      %swap3A_495 = arith.index_cast %swap3A_494 : i32 to index
      %swap3A_496 = arith.index_cast %scan3A_458 : i32 to index
      %swap3A_497 = arith.constant 112 : index
      %swap3A_498 = tpu.vector_load %arg9[%swap3A_495, %swap3A_496, %swap3A_497] {strides = array<i32>} : memref<3x80x128xf32, #tpu.memory_space<vmem>>, vector<16xf32>,
      tpu.vector_store %arg9[%swap3A_495, %swap3A_496, %swap3A_497], %broadcast_in_dim3A_70 {strides = array<i32>} : memref<3x80x128xf32, #tpu.memory_space<vmem>>, vector<16xf32>,
      %scan3A_499 = arith.constant 0 : i32
      scf.yield %scan3A_499 : i32
    }
    %scan3A_76 = arith.constant 80 : i32
    %add3A_77 = arith.constant 0 : i32
    %add3A_78 = arith.addi %add3A_77, %arg1 : i32
    %lt3A = arith.constant 125 : i32
    %lt3A_79 = arith.cmpi slt, %add3A_78, %lt3A : i32
    %convert_element_type3A = arith.extui %lt3A_79 : i1 to i32
    %cond3A = arith.constant 0 : i32
    %cond3A_80 = arith.cmpi ne, %convert_element_type3A, %cond3A : i32
    scf.if %cond3A_80 {
      %mul3A_458 = arith.constant 80 : i32
      %mul3A_459 = arith.muli %add3A_78, %mul3A_458 : i32
      %dma_start3A_460 = arith.constant 0 : i32
      %dma_start3A_461 = arith.constant 0 : i32
      %dma_start3A_462 = arith.constant 0 : i32
      %dma_start3A_463 = tpu.memref_slice %arg9[%dma_start3A_460, %dma_start3A_461, %dma_start3A_462] : memref<3x80x128xf32, #tpu.memory_space<vmem>> -> memref<1x80x128xf32, #tpu.memory_space<vmem>>
      %dma_start3A_464 = tpu.memref_squeeze %dma_start3A_463 : memref<1x80x128xf32, #tpu.memory_space<vmem>> -> memref<80x128xf32, #tpu.memory_space<vmem>>
      %dma_start3A_465 = arith.constant 0 : i32
      %dma_start3A_466 = tpu.memref_slice %arg10[%mul3A_459, %dma_start3A_465] : memref<10000x128xf32, #tpu.memory_space<vmem_shared>> -> memref<80x128xf32, #tpu.memory_space<vmem_shared>>
      %dma_start3A_467 = arith.constant 0 : i32
      %dma_start3A_468 = tpu.memref_slice %arg10[%mul3A_459, %dma_start3A_467] : memref<10000x128xf32, #tpu.memory_space<vmem_shared>> -> memref<80x128xf32, #tpu.memory_space<vmem_shared>>
      %dma_start3A_469 = arith.constant 0 : i32
      %dma_start3A_470 = arith.constant 0 : i32
      %dma_start3A_471 = tpu.memref_slice %arg9[%dma_start3A_460, %dma_start3A_469, %dma_start3A_470] : memref<3x80x128xf32, #tpu.memory_space<vmem>> -> memref<1x80x128xf32, #tpu.memory_space<vmem>>
      %dma_start3A_472 = tpu.memref_squeeze %dma_start3A_471 : memref<1x80x128xf32, #tpu.memory_space<vmem>> -> memref<80x128xf32, #tpu.memory_space<vmem>>
      tpu.enqueue_dma source(%dma_start3A_472 : memref<80x128xf32, #tpu.memory_space<vmem>>) target(%dma_start3A_468 : memref<80x128xf32, #tpu.memory_space<vmem_shared>>) target_semaphore(%arg11 : memref<!tpu.dma_semaphore, #tpu.memory_space<semaphore_mem>>)
    } else {
    }
    %add3A_81 = arith.constant 16 : i32
    %add3A_82 = arith.addi %add3A_81, %arg1 : i32
    %lt3A_83 = arith.constant 125 : i32
    %lt3A_84 = arith.cmpi slt, %add3A_82, %lt3A_83 : i32
    %convert_element_type3A_85 = arith.extui %lt3A_84 : i1 to i32
    %cond3A_86 = arith.constant 0 : i32
    %cond3A_87 = arith.cmpi ne, %convert_element_type3A_85, %cond3A_86 : i32
    scf.if %cond3A_87 {
      %mul3A_458 = arith.constant 80 : i32
      %mul3A_459 = arith.muli %add3A_82, %mul3A_458 : i32
      %dma_start3A_460 = arith.constant 0 : i32
      %dma_start3A_461 = arith.constant 0 : i32
      %dma_start3A_462 = arith.constant 0 : i32
      %dma_start3A_463 = tpu.memref_slice %arg9[%dma_start3A_460, %dma_start3A_461, %dma_start3A_462] : memref<3x80x128xf32, #tpu.memory_space<vmem>> -> memref<1x80x128xf32, #tpu.memory_space<vmem>>
      %dma_start3A_464 = tpu.memref_squeeze %dma_start3A_463 : memref<1x80x128xf32, #tpu.memory_space<vmem>> -> memref<80x128xf32, #tpu.memory_space<vmem>>
      %dma_start3A_465 = arith.constant 0 : i32
      %dma_start3A_466 = tpu.memref_slice %arg10[%mul3A_459, %dma_start3A_465] : memref<10000x128xf32, #tpu.memory_space<vmem_shared>> -> memref<80x128xf32, #tpu.memory_space<vmem_shared>>
      %dma_start3A_467 = arith.constant 0 : i32
      %dma_start3A_468 = tpu.memref_slice %arg10[%mul3A_459, %dma_start3A_467] : memref<10000x128xf32, #tpu.memory_space<vmem_shared>> -> memref<80x128xf32, #tpu.memory_space<vmem_shared>>
      %dma_start3A_469 = arith.constant 0 : i32
      %dma_start3A_470 = arith.constant 0 : i32
      %dma_start3A_471 = tpu.memref_slice %arg9[%dma_start3A_460, %dma_start3A_469, %dma_start3A_470] : memref<3x80x128xf32, #tpu.memory_space<vmem>> -> memref<1x80x128xf32, #tpu.memory_space<vmem>>
      %dma_start3A_472 = tpu.memref_squeeze %dma_start3A_471 : memref<1x80x128xf32, #tpu.memory_space<vmem>> -> memref<80x128xf32, #tpu.memory_space<vmem>>
      tpu.enqueue_dma source(%dma_start3A_472 : memref<80x128xf32, #tpu.memory_space<vmem>>) target(%dma_start3A_468 : memref<80x128xf32, #tpu.memory_space<vmem_shared>>) target_semaphore(%arg12 : memref<!tpu.dma_semaphore, #tpu.memory_space<semaphore_mem>>)
    } else {
    }
    %add3A_88 = arith.constant 32 : i32
    %add3A_89 = arith.addi %add3A_88, %arg1 : i32
    %lt3A_90 = arith.constant 125 : i32
    %lt3A_91 = arith.cmpi slt, %add3A_89, %lt3A_90 : i32
    %convert_element_type3A_92 = arith.extui %lt3A_91 : i1 to i32
    %cond3A_93 = arith.constant 0 : i32
    %cond3A_94 = arith.cmpi ne, %convert_element_type3A_92, %cond3A_93 : i32
    scf.if %cond3A_94 {
      %mul3A_458 = arith.constant 80 : i32
      %mul3A_459 = arith.muli %add3A_89, %mul3A_458 : i32
      %dma_start3A_460 = arith.constant 0 : i32
      %dma_start3A_461 = arith.constant 0 : i32
      %dma_start3A_462 = arith.constant 0 : i32
      %dma_start3A_463 = tpu.memref_slice %arg9[%dma_start3A_460, %dma_start3A_461, %dma_start3A_462] : memref<3x80x128xf32, #tpu.memory_space<vmem>> -> memref<1x80x128xf32, #tpu.memory_space<vmem>>
      %dma_start3A_464 = tpu.memref_squeeze %dma_start3A_463 : memref<1x80x128xf32, #tpu.memory_space<vmem>> -> memref<80x128xf32, #tpu.memory_space<vmem>>
      %dma_start3A_465 = arith.constant 0 : i32
      %dma_start3A_466 = tpu.memref_slice %arg10[%mul3A_459, %dma_start3A_465] : memref<10000x128xf32, #tpu.memory_space<vmem_shared>> -> memref<80x128xf32, #tpu.memory_space<vmem_shared>>
      %dma_start3A_467 = arith.constant 0 : i32
      %dma_start3A_468 = tpu.memref_slice %arg10[%mul3A_459, %dma_start3A_467] : memref<10000x128xf32, #tpu.memory_space<vmem_shared>> -> memref<80x128xf32, #tpu.memory_space<vmem_shared>>
      %dma_start3A_469 = arith.constant 0 : i32
      %dma_start3A_470 = arith.constant 0 : i32
      %dma_start3A_471 = tpu.memref_slice %arg9[%dma_start3A_460, %dma_start3A_469, %dma_start3A_470] : memref<3x80x128xf32, #tpu.memory_space<vmem>> -> memref<1x80x128xf32, #tpu.memory_space<vmem>>
      %dma_start3A_472 = tpu.memref_squeeze %dma_start3A_471 : memref<1x80x128xf32, #tpu.memory_space<vmem>> -> memref<80x128xf32, #tpu.memory_space<vmem>>
      tpu.enqueue_dma source(%dma_start3A_472 : memref<80x128xf32, #tpu.memory_space<vmem>>) target(%dma_start3A_468 : memref<80x128xf32, #tpu.memory_space<vmem_shared>>) target_semaphore(%arg13 : memref<!tpu.dma_semaphore, #tpu.memory_space<semaphore_mem>>)
    } else {
    }
    %add3A_95 = arith.constant 48 : i32
    %add3A_96 = arith.addi %add3A_95, %arg1 : i32
    %lt3A_97 = arith.constant 125 : i32
    %lt3A_98 = arith.cmpi slt, %add3A_96, %lt3A_97 : i32
    %convert_element_type3A_99 = arith.extui %lt3A_98 : i1 to i32
    %cond3A_100 = arith.constant 0 : i32
    %cond3A_101 = arith.cmpi ne, %convert_element_type3A_99, %cond3A_100 : i32
    scf.if %cond3A_101 {
      %mul3A_458 = arith.constant 80 : i32
      %mul3A_459 = arith.muli %add3A_96, %mul3A_458 : i32
      %dma_start3A_460 = arith.constant 0 : i32
      %dma_start3A_461 = arith.constant 0 : i32
      %dma_start3A_462 = arith.constant 0 : i32
      %dma_start3A_463 = tpu.memref_slice %arg9[%dma_start3A_460, %dma_start3A_461, %dma_start3A_462] : memref<3x80x128xf32, #tpu.memory_space<vmem>> -> memref<1x80x128xf32, #tpu.memory_space<vmem>>
      %dma_start3A_464 = tpu.memref_squeeze %dma_start3A_463 : memref<1x80x128xf32, #tpu.memory_space<vmem>> -> memref<80x128xf32, #tpu.memory_space<vmem>>
      %dma_start3A_465 = arith.constant 0 : i32
      %dma_start3A_466 = tpu.memref_slice %arg10[%mul3A_459, %dma_start3A_465] : memref<10000x128xf32, #tpu.memory_space<vmem_shared>> -> memref<80x128xf32, #tpu.memory_space<vmem_shared>>
      %dma_start3A_467 = arith.constant 0 : i32
      %dma_start3A_468 = tpu.memref_slice %arg10[%mul3A_459, %dma_start3A_467] : memref<10000x128xf32, #tpu.memory_space<vmem_shared>> -> memref<80x128xf32, #tpu.memory_space<vmem_shared>>
      %dma_start3A_469 = arith.constant 0 : i32
      %dma_start3A_470 = arith.constant 0 : i32
      %dma_start3A_471 = tpu.memref_slice %arg9[%dma_start3A_460, %dma_start3A_469, %dma_start3A_470] : memref<3x80x128xf32, #tpu.memory_space<vmem>> -> memref<1x80x128xf32, #tpu.memory_space<vmem>>
      %dma_start3A_472 = tpu.memref_squeeze %dma_start3A_471 : memref<1x80x128xf32, #tpu.memory_space<vmem>> -> memref<80x128xf32, #tpu.memory_space<vmem>>
      tpu.enqueue_dma source(%dma_start3A_472 : memref<80x128xf32, #tpu.memory_space<vmem>>) target(%dma_start3A_468 : memref<80x128xf32, #tpu.memory_space<vmem_shared>>) target_semaphore(%arg11 : memref<!tpu.dma_semaphore, #tpu.memory_space<semaphore_mem>>)
    } else {
    }
    %add3A_102 = arith.constant 64 : i32
    %add3A_103 = arith.addi %add3A_102, %arg1 : i32
    %lt3A_104 = arith.constant 125 : i32
    %lt3A_105 = arith.cmpi slt, %add3A_103, %lt3A_104 : i32
    %convert_element_type3A_106 = arith.extui %lt3A_105 : i1 to i32
    %cond3A_107 = arith.constant 0 : i32
    %cond3A_108 = arith.cmpi ne, %convert_element_type3A_106, %cond3A_107 : i32
    scf.if %cond3A_108 {
      %mul3A_458 = arith.constant 80 : i32
      %mul3A_459 = arith.muli %add3A_103, %mul3A_458 : i32
      %dma_start3A_460 = arith.constant 0 : i32
      %dma_start3A_461 = arith.constant 0 : i32
      %dma_start3A_462 = arith.constant 0 : i32
      %dma_start3A_463 = tpu.memref_slice %arg9[%dma_start3A_460, %dma_start3A_461, %dma_start3A_462] : memref<3x80x128xf32, #tpu.memory_space<vmem>> -> memref<1x80x128xf32, #tpu.memory_space<vmem>>
      %dma_start3A_464 = tpu.memref_squeeze %dma_start3A_463 : memref<1x80x128xf32, #tpu.memory_space<vmem>> -> memref<80x128xf32, #tpu.memory_space<vmem>>
      %dma_start3A_465 = arith.constant 0 : i32
      %dma_start3A_466 = tpu.memref_slice %arg10[%mul3A_459, %dma_start3A_465] : memref<10000x128xf32, #tpu.memory_space<vmem_shared>> -> memref<80x128xf32, #tpu.memory_space<vmem_shared>>
      %dma_start3A_467 = arith.constant 0 : i32
      %dma_start3A_468 = tpu.memref_slice %arg10[%mul3A_459, %dma_start3A_467] : memref<10000x128xf32, #tpu.memory_space<vmem_shared>> -> memref<80x128xf32, #tpu.memory_space<vmem_shared>>
      %dma_start3A_469 = arith.constant 0 : i32
      %dma_start3A_470 = arith.constant 0 : i32
      %dma_start3A_471 = tpu.memref_slice %arg9[%dma_start3A_460, %dma_start3A_469, %dma_start3A_470] : memref<3x80x128xf32, #tpu.memory_space<vmem>> -> memref<1x80x128xf32, #tpu.memory_space<vmem>>
      %dma_start3A_472 = tpu.memref_squeeze %dma_start3A_471 : memref<1x80x128xf32, #tpu.memory_space<vmem>> -> memref<80x128xf32, #tpu.memory_space<vmem>>
      tpu.enqueue_dma source(%dma_start3A_472 : memref<80x128xf32, #tpu.memory_space<vmem>>) target(%dma_start3A_468 : memref<80x128xf32, #tpu.memory_space<vmem_shared>>) target_semaphore(%arg12 : memref<!tpu.dma_semaphore, #tpu.memory_space<semaphore_mem>>)
    } else {
    }
    %add3A_109 = arith.constant 80 : i32
    %add3A_110 = arith.addi %add3A_109, %arg1 : i32
    %lt3A_111 = arith.constant 125 : i32
    %lt3A_112 = arith.cmpi slt, %add3A_110, %lt3A_111 : i32
    %convert_element_type3A_113 = arith.extui %lt3A_112 : i1 to i32
    %cond3A_114 = arith.constant 0 : i32
    %cond3A_115 = arith.cmpi ne, %convert_element_type3A_113, %cond3A_114 : i32
    scf.if %cond3A_115 {
      %mul3A_458 = arith.constant 80 : i32
      %mul3A_459 = arith.muli %add3A_110, %mul3A_458 : i32
      %dma_start3A_460 = arith.constant 0 : i32
      %dma_start3A_461 = arith.constant 0 : i32
      %dma_start3A_462 = arith.constant 0 : i32
      %dma_start3A_463 = tpu.memref_slice %arg9[%dma_start3A_460, %dma_start3A_461, %dma_start3A_462] : memref<3x80x128xf32, #tpu.memory_space<vmem>> -> memref<1x80x128xf32, #tpu.memory_space<vmem>>
      %dma_start3A_464 = tpu.memref_squeeze %dma_start3A_463 : memref<1x80x128xf32, #tpu.memory_space<vmem>> -> memref<80x128xf32, #tpu.memory_space<vmem>>
      %dma_start3A_465 = arith.constant 0 : i32
      %dma_start3A_466 = tpu.memref_slice %arg10[%mul3A_459, %dma_start3A_465] : memref<10000x128xf32, #tpu.memory_space<vmem_shared>> -> memref<80x128xf32, #tpu.memory_space<vmem_shared>>
      %dma_start3A_467 = arith.constant 0 : i32
      %dma_start3A_468 = tpu.memref_slice %arg10[%mul3A_459, %dma_start3A_467] : memref<10000x128xf32, #tpu.memory_space<vmem_shared>> -> memref<80x128xf32, #tpu.memory_space<vmem_shared>>
      %dma_start3A_469 = arith.constant 0 : i32
      %dma_start3A_470 = arith.constant 0 : i32
      %dma_start3A_471 = tpu.memref_slice %arg9[%dma_start3A_460, %dma_start3A_469, %dma_start3A_470] : memref<3x80x128xf32, #tpu.memory_space<vmem>> -> memref<1x80x128xf32, #tpu.memory_space<vmem>>
      %dma_start3A_472 = tpu.memref_squeeze %dma_start3A_471 : memref<1x80x128xf32, #tpu.memory_space<vmem>> -> memref<80x128xf32, #tpu.memory_space<vmem>>
      tpu.enqueue_dma source(%dma_start3A_472 : memref<80x128xf32, #tpu.memory_space<vmem>>) target(%dma_start3A_468 : memref<80x128xf32, #tpu.memory_space<vmem_shared>>) target_semaphore(%arg13 : memref<!tpu.dma_semaphore, #tpu.memory_space<semaphore_mem>>)
    } else {
    }
    %add3A_116 = arith.constant 96 : i32
    %add3A_117 = arith.addi %add3A_116, %arg1 : i32
    %lt3A_118 = arith.constant 125 : i32
    %lt3A_119 = arith.cmpi slt, %add3A_117, %lt3A_118 : i32
    %convert_element_type3A_120 = arith.extui %lt3A_119 : i1 to i32
    %cond3A_121 = arith.constant 0 : i32
    %cond3A_122 = arith.cmpi ne, %convert_element_type3A_120, %cond3A_121 : i32
    scf.if %cond3A_122 {
      %mul3A_458 = arith.constant 80 : i32
      %mul3A_459 = arith.muli %add3A_117, %mul3A_458 : i32
      %dma_start3A_460 = arith.constant 0 : i32
      %dma_start3A_461 = arith.constant 0 : i32
      %dma_start3A_462 = arith.constant 0 : i32
      %dma_start3A_463 = tpu.memref_slice %arg9[%dma_start3A_460, %dma_start3A_461, %dma_start3A_462] : memref<3x80x128xf32, #tpu.memory_space<vmem>> -> memref<1x80x128xf32, #tpu.memory_space<vmem>>
      %dma_start3A_464 = tpu.memref_squeeze %dma_start3A_463 : memref<1x80x128xf32, #tpu.memory_space<vmem>> -> memref<80x128xf32, #tpu.memory_space<vmem>>
      %dma_start3A_465 = arith.constant 0 : i32
      %dma_start3A_466 = tpu.memref_slice %arg10[%mul3A_459, %dma_start3A_465] : memref<10000x128xf32, #tpu.memory_space<vmem_shared>> -> memref<80x128xf32, #tpu.memory_space<vmem_shared>>
      %dma_start3A_467 = arith.constant 0 : i32
      %dma_start3A_468 = tpu.memref_slice %arg10[%mul3A_459, %dma_start3A_467] : memref<10000x128xf32, #tpu.memory_space<vmem_shared>> -> memref<80x128xf32, #tpu.memory_space<vmem_shared>>
      %dma_start3A_469 = arith.constant 0 : i32
      %dma_start3A_470 = arith.constant 0 : i32
      %dma_start3A_471 = tpu.memref_slice %arg9[%dma_start3A_460, %dma_start3A_469, %dma_start3A_470] : memref<3x80x128xf32, #tpu.memory_space<vmem>> -> memref<1x80x128xf32, #tpu.memory_space<vmem>>
      %dma_start3A_472 = tpu.memref_squeeze %dma_start3A_471 : memref<1x80x128xf32, #tpu.memory_space<vmem>> -> memref<80x128xf32, #tpu.memory_space<vmem>>
      tpu.enqueue_dma source(%dma_start3A_472 : memref<80x128xf32, #tpu.memory_space<vmem>>) target(%dma_start3A_468 : memref<80x128xf32, #tpu.memory_space<vmem_shared>>) target_semaphore(%arg11 : memref<!tpu.dma_semaphore, #tpu.memory_space<semaphore_mem>>)
    } else {
    }
    %add3A_123 = arith.constant 112 : i32
    %add3A_124 = arith.addi %add3A_123, %arg1 : i32
    %lt3A_125 = arith.constant 125 : i32
    %lt3A_126 = arith.cmpi slt, %add3A_124, %lt3A_125 : i32
    %convert_element_type3A_127 = arith.extui %lt3A_126 : i1 to i32
    %cond3A_128 = arith.constant 0 : i32
    %cond3A_129 = arith.cmpi ne, %convert_element_type3A_127, %cond3A_128 : i32
    scf.if %cond3A_129 {
      %mul3A_458 = arith.constant 80 : i32
      %mul3A_459 = arith.muli %add3A_124, %mul3A_458 : i32
      %dma_start3A_460 = arith.constant 0 : i32
      %dma_start3A_461 = arith.constant 0 : i32
      %dma_start3A_462 = arith.constant 0 : i32
      %dma_start3A_463 = tpu.memref_slice %arg9[%dma_start3A_460, %dma_start3A_461, %dma_start3A_462] : memref<3x80x128xf32, #tpu.memory_space<vmem>> -> memref<1x80x128xf32, #tpu.memory_space<vmem>>
      %dma_start3A_464 = tpu.memref_squeeze %dma_start3A_463 : memref<1x80x128xf32, #tpu.memory_space<vmem>> -> memref<80x128xf32, #tpu.memory_space<vmem>>
      %dma_start3A_465 = arith.constant 0 : i32
      %dma_start3A_466 = tpu.memref_slice %arg10[%mul3A_459, %dma_start3A_465] : memref<10000x128xf32, #tpu.memory_space<vmem_shared>> -> memref<80x128xf32, #tpu.memory_space<vmem_shared>>
      %dma_start3A_467 = arith.constant 0 : i32
      %dma_start3A_468 = tpu.memref_slice %arg10[%mul3A_459, %dma_start3A_467] : memref<10000x128xf32, #tpu.memory_space<vmem_shared>> -> memref<80x128xf32, #tpu.memory_space<vmem_shared>>
      %dma_start3A_469 = arith.constant 0 : i32
      %dma_start3A_470 = arith.constant 0 : i32
      %dma_start3A_471 = tpu.memref_slice %arg9[%dma_start3A_460, %dma_start3A_469, %dma_start3A_470] : memref<3x80x128xf32, #tpu.memory_space<vmem>> -> memref<1x80x128xf32, #tpu.memory_space<vmem>>
      %dma_start3A_472 = tpu.memref_squeeze %dma_start3A_471 : memref<1x80x128xf32, #tpu.memory_space<vmem>> -> memref<80x128xf32, #tpu.memory_space<vmem>>
      tpu.enqueue_dma source(%dma_start3A_472 : memref<80x128xf32, #tpu.memory_space<vmem>>) target(%dma_start3A_468 : memref<80x128xf32, #tpu.memory_space<vmem_shared>>) target_semaphore(%arg12 : memref<!tpu.dma_semaphore, #tpu.memory_space<semaphore_mem>>)
    } else {
    }
    %add3A_130 = arith.constant 0 : i32
    %add3A_131 = arith.addi %add3A_130, %arg1 : i32
    %lt3A_132 = arith.constant 125 : i32
    %lt3A_133 = arith.cmpi slt, %add3A_131, %lt3A_132 : i32
    %convert_element_type3A_134 = arith.extui %lt3A_133 : i1 to i32
    %cond3A_135 = arith.constant 0 : i32
    %cond3A_136 = arith.cmpi ne, %convert_element_type3A_134, %cond3A_135 : i32
    scf.if %cond3A_136 {
      %mul3A_458 = arith.constant 80 : i32
      %mul3A_459 = arith.muli %add3A_131, %mul3A_458 : i32
      %dma_wait3A_460 = arith.constant 0 : i32
      %dma_wait3A_461 = arith.constant 0 : i32
      %dma_wait3A_462 = arith.constant 0 : i32
      %dma_wait3A_463 = tpu.memref_slice %arg9[%dma_wait3A_460, %dma_wait3A_461, %dma_wait3A_462] : memref<3x80x128xf32, #tpu.memory_space<vmem>> -> memref<1x80x128xf32, #tpu.memory_space<vmem>>
      %dma_wait3A_464 = tpu.memref_squeeze %dma_wait3A_463 : memref<1x80x128xf32, #tpu.memory_space<vmem>> -> memref<80x128xf32, #tpu.memory_space<vmem>>
      %dma_wait3A_465 = arith.constant 0 : i32
      %dma_wait3A_466 = tpu.memref_slice %arg10[%mul3A_459, %dma_wait3A_465] : memref<10000x128xf32, #tpu.memory_space<vmem_shared>> -> memref<80x128xf32, #tpu.memory_space<vmem_shared>>
      %dma_wait3A_467 = arith.constant 0 : i32
      %dma_wait3A_468 = tpu.memref_slice %arg10[%mul3A_459, %dma_wait3A_467] : memref<10000x128xf32, #tpu.memory_space<vmem_shared>> -> memref<80x128xf32, #tpu.memory_space<vmem_shared>>
      %dma_wait3A_469 = arith.constant 0 : i32
      %dma_wait3A_470 = arith.constant 0 : i32
      %dma_wait3A_471 = tpu.memref_slice %arg9[%dma_wait3A_460, %dma_wait3A_469, %dma_wait3A_470] : memref<3x80x128xf32, #tpu.memory_space<vmem>> -> memref<1x80x128xf32, #tpu.memory_space<vmem>>
      %dma_wait3A_472 = tpu.memref_squeeze %dma_wait3A_471 : memref<1x80x128xf32, #tpu.memory_space<vmem>> -> memref<80x128xf32, #tpu.memory_space<vmem>>
      tpu.wait_dma2 semaphore(%arg11 : memref<!tpu.dma_semaphore, #tpu.memory_space<semaphore_mem>>) src(%dma_wait3A_472 : memref<80x128xf32, #tpu.memory_space<vmem>>) dst(%dma_wait3A_468 : memref<80x128xf32, #tpu.memory_space<vmem_shared>>)
    } else {
    }
    %add3A_137 = arith.constant 16 : i32
    %add3A_138 = arith.addi %add3A_137, %arg1 : i32
    %lt3A_139 = arith.constant 125 : i32
    %lt3A_140 = arith.cmpi slt, %add3A_138, %lt3A_139 : i32
    %convert_element_type3A_141 = arith.extui %lt3A_140 : i1 to i32
    %cond3A_142 = arith.constant 0 : i32
    %cond3A_143 = arith.cmpi ne, %convert_element_type3A_141, %cond3A_142 : i32
    scf.if %cond3A_143 {
      %mul3A_458 = arith.constant 80 : i32
      %mul3A_459 = arith.muli %add3A_138, %mul3A_458 : i32
      %dma_wait3A_460 = arith.constant 0 : i32
      %dma_wait3A_461 = arith.constant 0 : i32
      %dma_wait3A_462 = arith.constant 0 : i32
      %dma_wait3A_463 = tpu.memref_slice %arg9[%dma_wait3A_460, %dma_wait3A_461, %dma_wait3A_462] : memref<3x80x128xf32, #tpu.memory_space<vmem>> -> memref<1x80x128xf32, #tpu.memory_space<vmem>>
      %dma_wait3A_464 = tpu.memref_squeeze %dma_wait3A_463 : memref<1x80x128xf32, #tpu.memory_space<vmem>> -> memref<80x128xf32, #tpu.memory_space<vmem>>
      %dma_wait3A_465 = arith.constant 0 : i32
      %dma_wait3A_466 = tpu.memref_slice %arg10[%mul3A_459, %dma_wait3A_465] : memref<10000x128xf32, #tpu.memory_space<vmem_shared>> -> memref<80x128xf32, #tpu.memory_space<vmem_shared>>
      %dma_wait3A_467 = arith.constant 0 : i32
      %dma_wait3A_468 = tpu.memref_slice %arg10[%mul3A_459, %dma_wait3A_467] : memref<10000x128xf32, #tpu.memory_space<vmem_shared>> -> memref<80x128xf32, #tpu.memory_space<vmem_shared>>
      %dma_wait3A_469 = arith.constant 0 : i32
      %dma_wait3A_470 = arith.constant 0 : i32
      %dma_wait3A_471 = tpu.memref_slice %arg9[%dma_wait3A_460, %dma_wait3A_469, %dma_wait3A_470] : memref<3x80x128xf32, #tpu.memory_space<vmem>> -> memref<1x80x128xf32, #tpu.memory_space<vmem>>
      %dma_wait3A_472 = tpu.memref_squeeze %dma_wait3A_471 : memref<1x80x128xf32, #tpu.memory_space<vmem>> -> memref<80x128xf32, #tpu.memory_space<vmem>>
      tpu.wait_dma2 semaphore(%arg12 : memref<!tpu.dma_semaphore, #tpu.memory_space<semaphore_mem>>) src(%dma_wait3A_472 : memref<80x128xf32, #tpu.memory_space<vmem>>) dst(%dma_wait3A_468 : memref<80x128xf32, #tpu.memory_space<vmem_shared>>)
    } else {
    }
    %add3A_144 = arith.constant 32 : i32
    %add3A_145 = arith.addi %add3A_144, %arg1 : i32
    %lt3A_146 = arith.constant 125 : i32
    %lt3A_147 = arith.cmpi slt, %add3A_145, %lt3A_146 : i32
    %convert_element_type3A_148 = arith.extui %lt3A_147 : i1 to i32
    %cond3A_149 = arith.constant 0 : i32
    %cond3A_150 = arith.cmpi ne, %convert_element_type3A_148, %cond3A_149 : i32
    scf.if %cond3A_150 {
      %mul3A_458 = arith.constant 80 : i32
      %mul3A_459 = arith.muli %add3A_145, %mul3A_458 : i32
      %dma_wait3A_460 = arith.constant 0 : i32
      %dma_wait3A_461 = arith.constant 0 : i32
      %dma_wait3A_462 = arith.constant 0 : i32
      %dma_wait3A_463 = tpu.memref_slice %arg9[%dma_wait3A_460, %dma_wait3A_461, %dma_wait3A_462] : memref<3x80x128xf32, #tpu.memory_space<vmem>> -> memref<1x80x128xf32, #tpu.memory_space<vmem>>
      %dma_wait3A_464 = tpu.memref_squeeze %dma_wait3A_463 : memref<1x80x128xf32, #tpu.memory_space<vmem>> -> memref<80x128xf32, #tpu.memory_space<vmem>>
      %dma_wait3A_465 = arith.constant 0 : i32
      %dma_wait3A_466 = tpu.memref_slice %arg10[%mul3A_459, %dma_wait3A_465] : memref<10000x128xf32, #tpu.memory_space<vmem_shared>> -> memref<80x128xf32, #tpu.memory_space<vmem_shared>>
      %dma_wait3A_467 = arith.constant 0 : i32
      %dma_wait3A_468 = tpu.memref_slice %arg10[%mul3A_459, %dma_wait3A_467] : memref<10000x128xf32, #tpu.memory_space<vmem_shared>> -> memref<80x128xf32, #tpu.memory_space<vmem_shared>>
      %dma_wait3A_469 = arith.constant 0 : i32
      %dma_wait3A_470 = arith.constant 0 : i32
      %dma_wait3A_471 = tpu.memref_slice %arg9[%dma_wait3A_460, %dma_wait3A_469, %dma_wait3A_470] : memref<3x80x128xf32, #tpu.memory_space<vmem>> -> memref<1x80x128xf32, #tpu.memory_space<vmem>>
      %dma_wait3A_472 = tpu.memref_squeeze %dma_wait3A_471 : memref<1x80x128xf32, #tpu.memory_space<vmem>> -> memref<80x128xf32, #tpu.memory_space<vmem>>
      tpu.wait_dma2 semaphore(%arg13 : memref<!tpu.dma_semaphore, #tpu.memory_space<semaphore_mem>>) src(%dma_wait3A_472 : memref<80x128xf32, #tpu.memory_space<vmem>>) dst(%dma_wait3A_468 : memref<80x128xf32, #tpu.memory_space<vmem_shared>>)
    } else {
    }
    %add3A_151 = arith.constant 48 : i32
    %add3A_152 = arith.addi %add3A_151, %arg1 : i32
    %lt3A_153 = arith.constant 125 : i32
    %lt3A_154 = arith.cmpi slt, %add3A_152, %lt3A_153 : i32
    %convert_element_type3A_155 = arith.extui %lt3A_154 : i1 to i32
    %cond3A_156 = arith.constant 0 : i32
    %cond3A_157 = arith.cmpi ne, %convert_element_type3A_155, %cond3A_156 : i32
    scf.if %cond3A_157 {
      %mul3A_458 = arith.constant 80 : i32
      %mul3A_459 = arith.muli %add3A_152, %mul3A_458 : i32
      %dma_wait3A_460 = arith.constant 0 : i32
      %dma_wait3A_461 = arith.constant 0 : i32
      %dma_wait3A_462 = arith.constant 0 : i32
      %dma_wait3A_463 = tpu.memref_slice %arg9[%dma_wait3A_460, %dma_wait3A_461, %dma_wait3A_462] : memref<3x80x128xf32, #tpu.memory_space<vmem>> -> memref<1x80x128xf32, #tpu.memory_space<vmem>>
      %dma_wait3A_464 = tpu.memref_squeeze %dma_wait3A_463 : memref<1x80x128xf32, #tpu.memory_space<vmem>> -> memref<80x128xf32, #tpu.memory_space<vmem>>
      %dma_wait3A_465 = arith.constant 0 : i32
      %dma_wait3A_466 = tpu.memref_slice %arg10[%mul3A_459, %dma_wait3A_465] : memref<10000x128xf32, #tpu.memory_space<vmem_shared>> -> memref<80x128xf32, #tpu.memory_space<vmem_shared>>
      %dma_wait3A_467 = arith.constant 0 : i32
      %dma_wait3A_468 = tpu.memref_slice %arg10[%mul3A_459, %dma_wait3A_467] : memref<10000x128xf32, #tpu.memory_space<vmem_shared>> -> memref<80x128xf32, #tpu.memory_space<vmem_shared>>
      %dma_wait3A_469 = arith.constant 0 : i32
      %dma_wait3A_470 = arith.constant 0 : i32
      %dma_wait3A_471 = tpu.memref_slice %arg9[%dma_wait3A_460, %dma_wait3A_469, %dma_wait3A_470] : memref<3x80x128xf32, #tpu.memory_space<vmem>> -> memref<1x80x128xf32, #tpu.memory_space<vmem>>
      %dma_wait3A_472 = tpu.memref_squeeze %dma_wait3A_471 : memref<1x80x128xf32, #tpu.memory_space<vmem>> -> memref<80x128xf32, #tpu.memory_space<vmem>>
      tpu.wait_dma2 semaphore(%arg11 : memref<!tpu.dma_semaphore, #tpu.memory_space<semaphore_mem>>) src(%dma_wait3A_472 : memref<80x128xf32, #tpu.memory_space<vmem>>) dst(%dma_wait3A_468 : memref<80x128xf32, #tpu.memory_space<vmem_shared>>)
    } else {
    }
    %add3A_158 = arith.constant 64 : i32
    %add3A_159 = arith.addi %add3A_158, %arg1 : i32
    %lt3A_160 = arith.constant 125 : i32
    %lt3A_161 = arith.cmpi slt, %add3A_159, %lt3A_160 : i32
    %convert_element_type3A_162 = arith.extui %lt3A_161 : i1 to i32
    %cond3A_163 = arith.constant 0 : i32
    %cond3A_164 = arith.cmpi ne, %convert_element_type3A_162, %cond3A_163 : i32
    scf.if %cond3A_164 {
      %mul3A_458 = arith.constant 80 : i32
      %mul3A_459 = arith.muli %add3A_159, %mul3A_458 : i32
      %dma_wait3A_460 = arith.constant 0 : i32
      %dma_wait3A_461 = arith.constant 0 : i32
      %dma_wait3A_462 = arith.constant 0 : i32
      %dma_wait3A_463 = tpu.memref_slice %arg9[%dma_wait3A_460, %dma_wait3A_461, %dma_wait3A_462] : memref<3x80x128xf32, #tpu.memory_space<vmem>> -> memref<1x80x128xf32, #tpu.memory_space<vmem>>
      %dma_wait3A_464 = tpu.memref_squeeze %dma_wait3A_463 : memref<1x80x128xf32, #tpu.memory_space<vmem>> -> memref<80x128xf32, #tpu.memory_space<vmem>>
      %dma_wait3A_465 = arith.constant 0 : i32
      %dma_wait3A_466 = tpu.memref_slice %arg10[%mul3A_459, %dma_wait3A_465] : memref<10000x128xf32, #tpu.memory_space<vmem_shared>> -> memref<80x128xf32, #tpu.memory_space<vmem_shared>>
      %dma_wait3A_467 = arith.constant 0 : i32
      %dma_wait3A_468 = tpu.memref_slice %arg10[%mul3A_459, %dma_wait3A_467] : memref<10000x128xf32, #tpu.memory_space<vmem_shared>> -> memref<80x128xf32, #tpu.memory_space<vmem_shared>>
      %dma_wait3A_469 = arith.constant 0 : i32
      %dma_wait3A_470 = arith.constant 0 : i32
      %dma_wait3A_471 = tpu.memref_slice %arg9[%dma_wait3A_460, %dma_wait3A_469, %dma_wait3A_470] : memref<3x80x128xf32, #tpu.memory_space<vmem>> -> memref<1x80x128xf32, #tpu.memory_space<vmem>>
      %dma_wait3A_472 = tpu.memref_squeeze %dma_wait3A_471 : memref<1x80x128xf32, #tpu.memory_space<vmem>> -> memref<80x128xf32, #tpu.memory_space<vmem>>
      tpu.wait_dma2 semaphore(%arg12 : memref<!tpu.dma_semaphore, #tpu.memory_space<semaphore_mem>>) src(%dma_wait3A_472 : memref<80x128xf32, #tpu.memory_space<vmem>>) dst(%dma_wait3A_468 : memref<80x128xf32, #tpu.memory_space<vmem_shared>>)
    } else {
    }
    %add3A_165 = arith.constant 80 : i32
    %add3A_166 = arith.addi %add3A_165, %arg1 : i32
    %lt3A_167 = arith.constant 125 : i32
    %lt3A_168 = arith.cmpi slt, %add3A_166, %lt3A_167 : i32
    %convert_element_type3A_169 = arith.extui %lt3A_168 : i1 to i32
    %cond3A_170 = arith.constant 0 : i32
    %cond3A_171 = arith.cmpi ne, %convert_element_type3A_169, %cond3A_170 : i32
    scf.if %cond3A_171 {
      %mul3A_458 = arith.constant 80 : i32
      %mul3A_459 = arith.muli %add3A_166, %mul3A_458 : i32
      %dma_wait3A_460 = arith.constant 0 : i32
      %dma_wait3A_461 = arith.constant 0 : i32
      %dma_wait3A_462 = arith.constant 0 : i32
      %dma_wait3A_463 = tpu.memref_slice %arg9[%dma_wait3A_460, %dma_wait3A_461, %dma_wait3A_462] : memref<3x80x128xf32, #tpu.memory_space<vmem>> -> memref<1x80x128xf32, #tpu.memory_space<vmem>>
      %dma_wait3A_464 = tpu.memref_squeeze %dma_wait3A_463 : memref<1x80x128xf32, #tpu.memory_space<vmem>> -> memref<80x128xf32, #tpu.memory_space<vmem>>
      %dma_wait3A_465 = arith.constant 0 : i32
      %dma_wait3A_466 = tpu.memref_slice %arg10[%mul3A_459, %dma_wait3A_465] : memref<10000x128xf32, #tpu.memory_space<vmem_shared>> -> memref<80x128xf32, #tpu.memory_space<vmem_shared>>
      %dma_wait3A_467 = arith.constant 0 : i32
      %dma_wait3A_468 = tpu.memref_slice %arg10[%mul3A_459, %dma_wait3A_467] : memref<10000x128xf32, #tpu.memory_space<vmem_shared>> -> memref<80x128xf32, #tpu.memory_space<vmem_shared>>
      %dma_wait3A_469 = arith.constant 0 : i32
      %dma_wait3A_470 = arith.constant 0 : i32
      %dma_wait3A_471 = tpu.memref_slice %arg9[%dma_wait3A_460, %dma_wait3A_469, %dma_wait3A_470] : memref<3x80x128xf32, #tpu.memory_space<vmem>> -> memref<1x80x128xf32, #tpu.memory_space<vmem>>
      %dma_wait3A_472 = tpu.memref_squeeze %dma_wait3A_471 : memref<1x80x128xf32, #tpu.memory_space<vmem>> -> memref<80x128xf32, #tpu.memory_space<vmem>>
      tpu.wait_dma2 semaphore(%arg13 : memref<!tpu.dma_semaphore, #tpu.memory_space<semaphore_mem>>) src(%dma_wait3A_472 : memref<80x128xf32, #tpu.memory_space<vmem>>) dst(%dma_wait3A_468 : memref<80x128xf32, #tpu.memory_space<vmem_shared>>)
    } else {
    }
    %add3A_172 = arith.constant 96 : i32
    %add3A_173 = arith.addi %add3A_172, %arg1 : i32
    %lt3A_174 = arith.constant 125 : i32
    %lt3A_175 = arith.cmpi slt, %add3A_173, %lt3A_174 : i32
    %convert_element_type3A_176 = arith.extui %lt3A_175 : i1 to i32
    %cond3A_177 = arith.constant 0 : i32
    %cond3A_178 = arith.cmpi ne, %convert_element_type3A_176, %cond3A_177 : i32
    scf.if %cond3A_178 {
      %mul3A_458 = arith.constant 80 : i32
      %mul3A_459 = arith.muli %add3A_173, %mul3A_458 : i32
      %dma_wait3A_460 = arith.constant 0 : i32
      %dma_wait3A_461 = arith.constant 0 : i32
      %dma_wait3A_462 = arith.constant 0 : i32
      %dma_wait3A_463 = tpu.memref_slice %arg9[%dma_wait3A_460, %dma_wait3A_461, %dma_wait3A_462] : memref<3x80x128xf32, #tpu.memory_space<vmem>> -> memref<1x80x128xf32, #tpu.memory_space<vmem>>
      %dma_wait3A_464 = tpu.memref_squeeze %dma_wait3A_463 : memref<1x80x128xf32, #tpu.memory_space<vmem>> -> memref<80x128xf32, #tpu.memory_space<vmem>>
      %dma_wait3A_465 = arith.constant 0 : i32
      %dma_wait3A_466 = tpu.memref_slice %arg10[%mul3A_459, %dma_wait3A_465] : memref<10000x128xf32, #tpu.memory_space<vmem_shared>> -> memref<80x128xf32, #tpu.memory_space<vmem_shared>>
      %dma_wait3A_467 = arith.constant 0 : i32
      %dma_wait3A_468 = tpu.memref_slice %arg10[%mul3A_459, %dma_wait3A_467] : memref<10000x128xf32, #tpu.memory_space<vmem_shared>> -> memref<80x128xf32, #tpu.memory_space<vmem_shared>>
      %dma_wait3A_469 = arith.constant 0 : i32
      %dma_wait3A_470 = arith.constant 0 : i32
      %dma_wait3A_471 = tpu.memref_slice %arg9[%dma_wait3A_460, %dma_wait3A_469, %dma_wait3A_470] : memref<3x80x128xf32, #tpu.memory_space<vmem>> -> memref<1x80x128xf32, #tpu.memory_space<vmem>>
      %dma_wait3A_472 = tpu.memref_squeeze %dma_wait3A_471 : memref<1x80x128xf32, #tpu.memory_space<vmem>> -> memref<80x128xf32, #tpu.memory_space<vmem>>
      tpu.wait_dma2 semaphore(%arg11 : memref<!tpu.dma_semaphore, #tpu.memory_space<semaphore_mem>>) src(%dma_wait3A_472 : memref<80x128xf32, #tpu.memory_space<vmem>>) dst(%dma_wait3A_468 : memref<80x128xf32, #tpu.memory_space<vmem_shared>>)
    } else {
    }
    %add3A_179 = arith.constant 112 : i32
    %add3A_180 = arith.addi %add3A_179, %arg1 : i32
    %lt3A_181 = arith.constant 125 : i32
    %lt3A_182 = arith.cmpi slt, %add3A_180, %lt3A_181 : i32
    %convert_element_type3A_183 = arith.extui %lt3A_182 : i1 to i32
    %cond3A_184 = arith.constant 0 : i32
    %cond3A_185 = arith.cmpi ne, %convert_element_type3A_183, %cond3A_184 : i32
    scf.if %cond3A_185 {
      %mul3A_458 = arith.constant 80 : i32
      %mul3A_459 = arith.muli %add3A_180, %mul3A_458 : i32
      %dma_wait3A_460 = arith.constant 0 : i32
      %dma_wait3A_461 = arith.constant 0 : i32
      %dma_wait3A_462 = arith.constant 0 : i32
      %dma_wait3A_463 = tpu.memref_slice %arg9[%dma_wait3A_460, %dma_wait3A_461, %dma_wait3A_462] : memref<3x80x128xf32, #tpu.memory_space<vmem>> -> memref<1x80x128xf32, #tpu.memory_space<vmem>>
      %dma_wait3A_464 = tpu.memref_squeeze %dma_wait3A_463 : memref<1x80x128xf32, #tpu.memory_space<vmem>> -> memref<80x128xf32, #tpu.memory_space<vmem>>
      %dma_wait3A_465 = arith.constant 0 : i32
      %dma_wait3A_466 = tpu.memref_slice %arg10[%mul3A_459, %dma_wait3A_465] : memref<10000x128xf32, #tpu.memory_space<vmem_shared>> -> memref<80x128xf32, #tpu.memory_space<vmem_shared>>
      %dma_wait3A_467 = arith.constant 0 : i32
      %dma_wait3A_468 = tpu.memref_slice %arg10[%mul3A_459, %dma_wait3A_467] : memref<10000x128xf32, #tpu.memory_space<vmem_shared>> -> memref<80x128xf32, #tpu.memory_space<vmem_shared>>
      %dma_wait3A_469 = arith.constant 0 : i32
      %dma_wait3A_470 = arith.constant 0 : i32
      %dma_wait3A_471 = tpu.memref_slice %arg9[%dma_wait3A_460, %dma_wait3A_469, %dma_wait3A_470] : memref<3x80x128xf32, #tpu.memory_space<vmem>> -> memref<1x80x128xf32, #tpu.memory_space<vmem>>
      %dma_wait3A_472 = tpu.memref_squeeze %dma_wait3A_471 : memref<1x80x128xf32, #tpu.memory_space<vmem>> -> memref<80x128xf32, #tpu.memory_space<vmem>>
      tpu.wait_dma2 semaphore(%arg12 : memref<!tpu.dma_semaphore, #tpu.memory_space<semaphore_mem>>) src(%dma_wait3A_472 : memref<80x128xf32, #tpu.memory_space<vmem>>) dst(%dma_wait3A_468 : memref<80x128xf32, #tpu.memory_space<vmem_shared>>)
    } else {
    }
    %dma_wait3A = tpu.memref_slice %arg3[%mul3A_2] : memref<640000xi32, #tpu.memory_space<hbm>> -> memref<10000xi32, #tpu.memory_space<hbm>>
    %dma_wait3A_186 = tpu.memref_slice %arg3[%mul3A_2] : memref<640000xi32, #tpu.memory_space<hbm>> -> memref<10000xi32, #tpu.memory_space<hbm>>
    tpu.wait_dma2 semaphore(%arg14 : memref<!tpu.dma_semaphore, #tpu.memory_space<semaphore_mem>>) src(%dma_wait3A_186 : memref<10000xi32, #tpu.memory_space<hbm>>) dst(%arg6 : memref<10000xi32, #tpu.memory_space<vmem>>)
    %dma_start3A_187 = arith.constant 0 : i32
    %dma_start3A_188 = arith.constant 0 : i32
    %dma_start3A_189 = arith.constant 0 : i32
    %dma_start3A_190 = tpu.memref_slice %arg9[%dma_start3A_187, %dma_start3A_188, %dma_start3A_189] : memref<3x80x128xf32, #tpu.memory_space<vmem>> -> memref<1x80x128xf32, #tpu.memory_space<vmem>>
    %dma_start3A_191 = tpu.memref_squeeze %dma_start3A_190 : memref<1x80x128xf32, #tpu.memory_space<vmem>> -> memref<80x128xf32, #tpu.memory_space<vmem>>
    %dma_start3A_192 = arith.constant 0 : i32
    %dma_start3A_193 = tpu.memref_slice %arg6[%dma_start3A_192] : memref<10000xi32, #tpu.memory_space<vmem>> -> memref<80xi32, #tpu.memory_space<vmem>>
    %dma_start3A_194 = arith.constant 0 : i32
    %dma_start3A_195 = arith.constant 0 : i32
    %dma_start3A_196 = tpu.memref_slice %arg2[%dma_start3A_194, %dma_start3A_195] : memref<10000x128xf32, #tpu.memory_space<hbm>> -> memref<10000x128xf32, #tpu.memory_space<hbm>>
    tpu.enqueue_indirect_dma source(%dma_start3A_196 : memref<10000x128xf32, #tpu.memory_space<hbm>>) target(%dma_start3A_191 : memref<80x128xf32, #tpu.memory_space<vmem>>) offsets(%dma_start3A_193 : memref<80xi32, #tpu.memory_space<vmem>>) semaphore(%arg11 : memref<!tpu.dma_semaphore, #tpu.memory_space<semaphore_mem>>)
    %dma_start3A_197 = arith.constant 1 : i32
    %dma_start3A_198 = arith.constant 0 : i32
    %dma_start3A_199 = arith.constant 0 : i32
    %dma_start3A_200 = tpu.memref_slice %arg9[%dma_start3A_197, %dma_start3A_198, %dma_start3A_199] : memref<3x80x128xf32, #tpu.memory_space<vmem>> -> memref<1x80x128xf32, #tpu.memory_space<vmem>>
    %dma_start3A_201 = tpu.memref_squeeze %dma_start3A_200 : memref<1x80x128xf32, #tpu.memory_space<vmem>> -> memref<80x128xf32, #tpu.memory_space<vmem>>
    %dma_start3A_202 = arith.constant 80 : i32
    %dma_start3A_203 = tpu.memref_slice %arg6[%dma_start3A_202] : memref<10000xi32, #tpu.memory_space<vmem>> -> memref<80xi32, #tpu.memory_space<vmem>>
    %dma_start3A_204 = arith.constant 0 : i32
    %dma_start3A_205 = arith.constant 0 : i32
    %dma_start3A_206 = tpu.memref_slice %arg2[%dma_start3A_204, %dma_start3A_205] : memref<10000x128xf32, #tpu.memory_space<hbm>> -> memref<10000x128xf32, #tpu.memory_space<hbm>>
    tpu.enqueue_indirect_dma source(%dma_start3A_206 : memref<10000x128xf32, #tpu.memory_space<hbm>>) target(%dma_start3A_201 : memref<80x128xf32, #tpu.memory_space<vmem>>) offsets(%dma_start3A_203 : memref<80xi32, #tpu.memory_space<vmem>>) semaphore(%arg12 : memref<!tpu.dma_semaphore, #tpu.memory_space<semaphore_mem>>)
    %dma_start3A_207 = arith.constant 2 : i32
    %dma_start3A_208 = arith.constant 0 : i32
    %dma_start3A_209 = arith.constant 0 : i32
    %dma_start3A_210 = tpu.memref_slice %arg9[%dma_start3A_207, %dma_start3A_208, %dma_start3A_209] : memref<3x80x128xf32, #tpu.memory_space<vmem>> -> memref<1x80x128xf32, #tpu.memory_space<vmem>>
    %dma_start3A_211 = tpu.memref_squeeze %dma_start3A_210 : memref<1x80x128xf32, #tpu.memory_space<vmem>> -> memref<80x128xf32, #tpu.memory_space<vmem>>
    %dma_start3A_212 = arith.constant 160 : i32
    %dma_start3A_213 = tpu.memref_slice %arg6[%dma_start3A_212] : memref<10000xi32, #tpu.memory_space<vmem>> -> memref<80xi32, #tpu.memory_space<vmem>>
    %dma_start3A_214 = arith.constant 0 : i32
    %dma_start3A_215 = arith.constant 0 : i32
    %dma_start3A_216 = tpu.memref_slice %arg2[%dma_start3A_214, %dma_start3A_215] : memref<10000x128xf32, #tpu.memory_space<hbm>> -> memref<10000x128xf32, #tpu.memory_space<hbm>>
    tpu.enqueue_indirect_dma source(%dma_start3A_216 : memref<10000x128xf32, #tpu.memory_space<hbm>>) target(%dma_start3A_211 : memref<80x128xf32, #tpu.memory_space<vmem>>) offsets(%dma_start3A_213 : memref<80xi32, #tpu.memory_space<vmem>>) semaphore(%arg13 : memref<!tpu.dma_semaphore, #tpu.memory_space<semaphore_mem>>)
    %barrier3A = arith.constant 0 : index
    tpu.barrier barrier_id(%barrier3A)
    %dma_wait3A_217 = arith.constant 0 : i32
    %dma_wait3A_218 = arith.constant 0 : i32
    %dma_wait3A_219 = arith.constant 0 : i32
    %dma_wait3A_220 = tpu.memref_slice %arg9[%dma_wait3A_217, %dma_wait3A_218, %dma_wait3A_219] : memref<3x80x128xf32, #tpu.memory_space<vmem>> -> memref<1x80x128xf32, #tpu.memory_space<vmem>>
    %dma_wait3A_221 = tpu.memref_squeeze %dma_wait3A_220 : memref<1x80x128xf32, #tpu.memory_space<vmem>> -> memref<80x128xf32, #tpu.memory_space<vmem>>
    %dma_wait3A_222 = arith.constant 0 : i32
    %dma_wait3A_223 = tpu.memref_slice %arg6[%dma_wait3A_222] : memref<10000xi32, #tpu.memory_space<vmem>> -> memref<80xi32, #tpu.memory_space<vmem>>
    %dma_wait3A_224 = arith.constant 0 : i32
    %dma_wait3A_225 = arith.constant 0 : i32
    %dma_wait3A_226 = tpu.memref_slice %arg2[%dma_wait3A_224, %dma_wait3A_225] : memref<10000x128xf32, #tpu.memory_space<hbm>> -> memref<10000x128xf32, #tpu.memory_space<hbm>>
    tpu.wait_indirect_dma semaphore(%arg11 : memref<!tpu.dma_semaphore, #tpu.memory_space<semaphore_mem>>) src(%dma_wait3A_226 : memref<10000x128xf32, #tpu.memory_space<hbm>>) dst(%dma_wait3A_221 : memref<80x128xf32, #tpu.memory_space<vmem>>)
    %dma_wait3A_227 = arith.constant 0 : i32
    %dma_wait3A_228 = arith.constant 0 : i32
    %dma_wait3A_229 = tpu.memref_slice %arg7[%dma_wait3A_227, %dma_wait3A_228] : memref<3x80xi32, #tpu.memory_space<vmem>> -> memref<1x80xi32, #tpu.memory_space<vmem>>
    %dma_wait3A_230 = tpu.memref_squeeze %dma_wait3A_229 : memref<1x80xi32, #tpu.memory_space<vmem>> -> memref<80xi32, #tpu.memory_space<vmem>>
    %dma_wait3A_231 = arith.constant 0 : i32
    %dma_wait3A_232 = tpu.memref_slice %arg3[%dma_wait3A_231] : memref<640000xi32, #tpu.memory_space<hbm>> -> memref<80xi32, #tpu.memory_space<hbm>>
    %dma_wait3A_233 = arith.constant 0 : i32
    %dma_wait3A_234 = tpu.memref_slice %arg7[%dma_wait3A_227, %dma_wait3A_233] : memref<3x80xi32, #tpu.memory_space<vmem>> -> memref<1x80xi32, #tpu.memory_space<vmem>>
    %dma_wait3A_235 = tpu.memref_squeeze %dma_wait3A_234 : memref<1x80xi32, #tpu.memory_space<vmem>> -> memref<80xi32, #tpu.memory_space<vmem>>
    %dma_wait3A_236 = arith.constant 0 : i32
    %dma_wait3A_237 = tpu.memref_slice %arg3[%dma_wait3A_236] : memref<640000xi32, #tpu.memory_space<hbm>> -> memref<80xi32, #tpu.memory_space<hbm>>
    tpu.wait_dma2 semaphore(%arg17 : memref<!tpu.dma_semaphore, #tpu.memory_space<semaphore_mem>>) src(%dma_wait3A_237 : memref<80xi32, #tpu.memory_space<hbm>>) dst(%dma_wait3A_235 : memref<80xi32, #tpu.memory_space<vmem>>)
    %dma_wait3A_238 = arith.constant 0 : i32
    %dma_wait3A_239 = arith.constant 0 : i32
    %dma_wait3A_240 = tpu.memref_slice %arg8[%dma_wait3A_238, %dma_wait3A_239] : memref<3x80xf32, #tpu.memory_space<vmem>> -> memref<1x80xf32, #tpu.memory_space<vmem>>
    %dma_wait3A_241 = tpu.memref_squeeze %dma_wait3A_240 : memref<1x80xf32, #tpu.memory_space<vmem>> -> memref<80xf32, #tpu.memory_space<vmem>>
    %dma_wait3A_242 = arith.constant 0 : i32
    %dma_wait3A_243 = tpu.memref_slice %arg4[%dma_wait3A_242] : memref<320000xf32, #tpu.memory_space<hbm>> -> memref<80xf32, #tpu.memory_space<hbm>>
    %dma_wait3A_244 = arith.constant 0 : i32
    %dma_wait3A_245 = tpu.memref_slice %arg8[%dma_wait3A_238, %dma_wait3A_244] : memref<3x80xf32, #tpu.memory_space<vmem>> -> memref<1x80xf32, #tpu.memory_space<vmem>>
    %dma_wait3A_246 = tpu.memref_squeeze %dma_wait3A_245 : memref<1x80xf32, #tpu.memory_space<vmem>> -> memref<80xf32, #tpu.memory_space<vmem>>
    %dma_wait3A_247 = arith.constant 0 : i32
    %dma_wait3A_248 = tpu.memref_slice %arg4[%dma_wait3A_247] : memref<320000xf32, #tpu.memory_space<hbm>> -> memref<80xf32, #tpu.memory_space<hbm>>
    tpu.wait_dma2 semaphore(%arg17 : memref<!tpu.dma_semaphore, #tpu.memory_space<semaphore_mem>>) src(%dma_wait3A_248 : memref<80xf32, #tpu.memory_space<hbm>>) dst(%dma_wait3A_246 : memref<80xf32, #tpu.memory_space<vmem>>)
    %broadcast_in_dim3A_249 = arith.constant 0 : i32
    %broadcast_in_dim3A_250 = vector.broadcast %broadcast_in_dim3A_249 : i32 to vector<16xi32>
    %parallel_loop3A = arith.constant 0 : i32
    %parallel_loop3A_251 = arith.constant 80 : i32
    %parallel_loop3A_252 = arith.constant 1 : i32
    scf.for %parallel_loop3A_458 = %parallel_loop3A to %parallel_loop3A_251 step %parallel_loop3A_252  : i32 {
      %parallel_loop3A_459 = arith.constant 0 : i32
      %parallel_loop3A_460 = vector.broadcast %parallel_loop3A_459 : i32 to vector<16xi32>
      %parallel_loop3A_461 = vector.broadcast %parallel_loop3A_458 : i32 to vector<16xi32>
      %parallel_loop3A_462 = arith.addi %parallel_loop3A_460, %parallel_loop3A_461 : vector<16xi32>
      %parallel_loop3A_463 = tpu.vector_load_idx %arg8[%broadcast_in_dim3A_250, %parallel_loop3A_462] : memref<3x80xf32, #tpu.memory_space<vmem>>[vector<16xi32>, vector<16xi32>], vector<16xf32>,
      %parallel_loop3A_464 = arith.constant 0 : i32
      %parallel_loop3A_465 = arith.index_cast %parallel_loop3A_464 : i32 to index
      %parallel_loop3A_466 = arith.index_cast %parallel_loop3A_458 : i32 to index
      %parallel_loop3A_467 = arith.constant 0 : index
      %parallel_loop3A_468 = tpu.vector_load %arg9[%parallel_loop3A_465, %parallel_loop3A_466, %parallel_loop3A_467] {strides = array<i32>} : memref<3x80x128xf32, #tpu.memory_space<vmem>>, vector<16xf32>,
      %parallel_loop3A_469 = arith.mulf %parallel_loop3A_468, %parallel_loop3A_463 : vector<16xf32>
      %parallel_loop3A_470 = arith.constant 0 : i32
      %parallel_loop3A_471 = arith.index_cast %parallel_loop3A_470 : i32 to index
      %parallel_loop3A_472 = arith.index_cast %parallel_loop3A_458 : i32 to index
      %parallel_loop3A_473 = arith.constant 0 : index
      %parallel_loop3A_474 = tpu.vector_load %arg9[%parallel_loop3A_471, %parallel_loop3A_472, %parallel_loop3A_473] {strides = array<i32>} : memref<3x80x128xf32, #tpu.memory_space<vmem>>, vector<16xf32>,
      tpu.vector_store %arg9[%parallel_loop3A_471, %parallel_loop3A_472, %parallel_loop3A_473], %parallel_loop3A_469 {strides = array<i32>} : memref<3x80x128xf32, #tpu.memory_space<vmem>>, vector<16xf32>,
      %parallel_loop3A_475 = arith.constant 0 : i32
      %parallel_loop3A_476 = arith.index_cast %parallel_loop3A_475 : i32 to index
      %parallel_loop3A_477 = arith.index_cast %parallel_loop3A_458 : i32 to index
      %parallel_loop3A_478 = arith.constant 16 : index
      %parallel_loop3A_479 = tpu.vector_load %arg9[%parallel_loop3A_476, %parallel_loop3A_477, %parallel_loop3A_478] {strides = array<i32>} : memref<3x80x128xf32, #tpu.memory_space<vmem>>, vector<16xf32>,
      %parallel_loop3A_480 = arith.mulf %parallel_loop3A_479, %parallel_loop3A_463 : vector<16xf32>
      %parallel_loop3A_481 = arith.constant 0 : i32
      %parallel_loop3A_482 = arith.index_cast %parallel_loop3A_481 : i32 to index
      %parallel_loop3A_483 = arith.index_cast %parallel_loop3A_458 : i32 to index
      %parallel_loop3A_484 = arith.constant 16 : index
      %parallel_loop3A_485 = tpu.vector_load %arg9[%parallel_loop3A_482, %parallel_loop3A_483, %parallel_loop3A_484] {strides = array<i32>} : memref<3x80x128xf32, #tpu.memory_space<vmem>>, vector<16xf32>,
      tpu.vector_store %arg9[%parallel_loop3A_482, %parallel_loop3A_483, %parallel_loop3A_484], %parallel_loop3A_480 {strides = array<i32>} : memref<3x80x128xf32, #tpu.memory_space<vmem>>, vector<16xf32>,
      %parallel_loop3A_486 = arith.constant 0 : i32
      %parallel_loop3A_487 = arith.index_cast %parallel_loop3A_486 : i32 to index
      %parallel_loop3A_488 = arith.index_cast %parallel_loop3A_458 : i32 to index
      %parallel_loop3A_489 = arith.constant 32 : index
      %parallel_loop3A_490 = tpu.vector_load %arg9[%parallel_loop3A_487, %parallel_loop3A_488, %parallel_loop3A_489] {strides = array<i32>} : memref<3x80x128xf32, #tpu.memory_space<vmem>>, vector<16xf32>,
      %parallel_loop3A_491 = arith.mulf %parallel_loop3A_490, %parallel_loop3A_463 : vector<16xf32>
      %parallel_loop3A_492 = arith.constant 0 : i32
      %parallel_loop3A_493 = arith.index_cast %parallel_loop3A_492 : i32 to index
      %parallel_loop3A_494 = arith.index_cast %parallel_loop3A_458 : i32 to index
      %parallel_loop3A_495 = arith.constant 32 : index
      %parallel_loop3A_496 = tpu.vector_load %arg9[%parallel_loop3A_493, %parallel_loop3A_494, %parallel_loop3A_495] {strides = array<i32>} : memref<3x80x128xf32, #tpu.memory_space<vmem>>, vector<16xf32>,
      tpu.vector_store %arg9[%parallel_loop3A_493, %parallel_loop3A_494, %parallel_loop3A_495], %parallel_loop3A_491 {strides = array<i32>} : memref<3x80x128xf32, #tpu.memory_space<vmem>>, vector<16xf32>,
      %parallel_loop3A_497 = arith.constant 0 : i32
      %parallel_loop3A_498 = arith.index_cast %parallel_loop3A_497 : i32 to index
      %parallel_loop3A_499 = arith.index_cast %parallel_loop3A_458 : i32 to index
      %parallel_loop3A_500 = arith.constant 48 : index
      %parallel_loop3A_501 = tpu.vector_load %arg9[%parallel_loop3A_498, %parallel_loop3A_499, %parallel_loop3A_500] {strides = array<i32>} : memref<3x80x128xf32, #tpu.memory_space<vmem>>, vector<16xf32>,
      %parallel_loop3A_502 = arith.mulf %parallel_loop3A_501, %parallel_loop3A_463 : vector<16xf32>
      %parallel_loop3A_503 = arith.constant 0 : i32
      %parallel_loop3A_504 = arith.index_cast %parallel_loop3A_503 : i32 to index
      %parallel_loop3A_505 = arith.index_cast %parallel_loop3A_458 : i32 to index
      %parallel_loop3A_506 = arith.constant 48 : index
      %parallel_loop3A_507 = tpu.vector_load %arg9[%parallel_loop3A_504, %parallel_loop3A_505, %parallel_loop3A_506] {strides = array<i32>} : memref<3x80x128xf32, #tpu.memory_space<vmem>>, vector<16xf32>,
      tpu.vector_store %arg9[%parallel_loop3A_504, %parallel_loop3A_505, %parallel_loop3A_506], %parallel_loop3A_502 {strides = array<i32>} : memref<3x80x128xf32, #tpu.memory_space<vmem>>, vector<16xf32>,
      %parallel_loop3A_508 = arith.constant 0 : i32
      %parallel_loop3A_509 = arith.index_cast %parallel_loop3A_508 : i32 to index
      %parallel_loop3A_510 = arith.index_cast %parallel_loop3A_458 : i32 to index
      %parallel_loop3A_511 = arith.constant 64 : index
      %parallel_loop3A_512 = tpu.vector_load %arg9[%parallel_loop3A_509, %parallel_loop3A_510, %parallel_loop3A_511] {strides = array<i32>} : memref<3x80x128xf32, #tpu.memory_space<vmem>>, vector<16xf32>,
      %parallel_loop3A_513 = arith.mulf %parallel_loop3A_512, %parallel_loop3A_463 : vector<16xf32>
      %parallel_loop3A_514 = arith.constant 0 : i32
      %parallel_loop3A_515 = arith.index_cast %parallel_loop3A_514 : i32 to index
      %parallel_loop3A_516 = arith.index_cast %parallel_loop3A_458 : i32 to index
      %parallel_loop3A_517 = arith.constant 64 : index
      %parallel_loop3A_518 = tpu.vector_load %arg9[%parallel_loop3A_515, %parallel_loop3A_516, %parallel_loop3A_517] {strides = array<i32>} : memref<3x80x128xf32, #tpu.memory_space<vmem>>, vector<16xf32>,
      tpu.vector_store %arg9[%parallel_loop3A_515, %parallel_loop3A_516, %parallel_loop3A_517], %parallel_loop3A_513 {strides = array<i32>} : memref<3x80x128xf32, #tpu.memory_space<vmem>>, vector<16xf32>,
      %parallel_loop3A_519 = arith.constant 0 : i32
      %parallel_loop3A_520 = arith.index_cast %parallel_loop3A_519 : i32 to index
      %parallel_loop3A_521 = arith.index_cast %parallel_loop3A_458 : i32 to index
      %parallel_loop3A_522 = arith.constant 80 : index
      %parallel_loop3A_523 = tpu.vector_load %arg9[%parallel_loop3A_520, %parallel_loop3A_521, %parallel_loop3A_522] {strides = array<i32>} : memref<3x80x128xf32, #tpu.memory_space<vmem>>, vector<16xf32>,
      %parallel_loop3A_524 = arith.mulf %parallel_loop3A_523, %parallel_loop3A_463 : vector<16xf32>
      %parallel_loop3A_525 = arith.constant 0 : i32
      %parallel_loop3A_526 = arith.index_cast %parallel_loop3A_525 : i32 to index
      %parallel_loop3A_527 = arith.index_cast %parallel_loop3A_458 : i32 to index
      %parallel_loop3A_528 = arith.constant 80 : index
      %parallel_loop3A_529 = tpu.vector_load %arg9[%parallel_loop3A_526, %parallel_loop3A_527, %parallel_loop3A_528] {strides = array<i32>} : memref<3x80x128xf32, #tpu.memory_space<vmem>>, vector<16xf32>,
      tpu.vector_store %arg9[%parallel_loop3A_526, %parallel_loop3A_527, %parallel_loop3A_528], %parallel_loop3A_524 {strides = array<i32>} : memref<3x80x128xf32, #tpu.memory_space<vmem>>, vector<16xf32>,
      %parallel_loop3A_530 = arith.constant 0 : i32
      %parallel_loop3A_531 = arith.index_cast %parallel_loop3A_530 : i32 to index
      %parallel_loop3A_532 = arith.index_cast %parallel_loop3A_458 : i32 to index
      %parallel_loop3A_533 = arith.constant 96 : index
      %parallel_loop3A_534 = tpu.vector_load %arg9[%parallel_loop3A_531, %parallel_loop3A_532, %parallel_loop3A_533] {strides = array<i32>} : memref<3x80x128xf32, #tpu.memory_space<vmem>>, vector<16xf32>,
      %parallel_loop3A_535 = arith.mulf %parallel_loop3A_534, %parallel_loop3A_463 : vector<16xf32>
      %parallel_loop3A_536 = arith.constant 0 : i32
      %parallel_loop3A_537 = arith.index_cast %parallel_loop3A_536 : i32 to index
      %parallel_loop3A_538 = arith.index_cast %parallel_loop3A_458 : i32 to index
      %parallel_loop3A_539 = arith.constant 96 : index
      %parallel_loop3A_540 = tpu.vector_load %arg9[%parallel_loop3A_537, %parallel_loop3A_538, %parallel_loop3A_539] {strides = array<i32>} : memref<3x80x128xf32, #tpu.memory_space<vmem>>, vector<16xf32>,
      tpu.vector_store %arg9[%parallel_loop3A_537, %parallel_loop3A_538, %parallel_loop3A_539], %parallel_loop3A_535 {strides = array<i32>} : memref<3x80x128xf32, #tpu.memory_space<vmem>>, vector<16xf32>,
      %parallel_loop3A_541 = arith.constant 0 : i32
      %parallel_loop3A_542 = arith.index_cast %parallel_loop3A_541 : i32 to index
      %parallel_loop3A_543 = arith.index_cast %parallel_loop3A_458 : i32 to index
      %parallel_loop3A_544 = arith.constant 112 : index
      %parallel_loop3A_545 = tpu.vector_load %arg9[%parallel_loop3A_542, %parallel_loop3A_543, %parallel_loop3A_544] {strides = array<i32>} : memref<3x80x128xf32, #tpu.memory_space<vmem>>, vector<16xf32>,
      %parallel_loop3A_546 = arith.mulf %parallel_loop3A_545, %parallel_loop3A_463 : vector<16xf32>
      %parallel_loop3A_547 = arith.constant 0 : i32
      %parallel_loop3A_548 = arith.index_cast %parallel_loop3A_547 : i32 to index
      %parallel_loop3A_549 = arith.index_cast %parallel_loop3A_458 : i32 to index
      %parallel_loop3A_550 = arith.constant 112 : index
      %parallel_loop3A_551 = tpu.vector_load %arg9[%parallel_loop3A_548, %parallel_loop3A_549, %parallel_loop3A_550] {strides = array<i32>} : memref<3x80x128xf32, #tpu.memory_space<vmem>>, vector<16xf32>,
      tpu.vector_store %arg9[%parallel_loop3A_548, %parallel_loop3A_549, %parallel_loop3A_550], %parallel_loop3A_546 {strides = array<i32>} : memref<3x80x128xf32, #tpu.memory_space<vmem>>, vector<16xf32>,
    } {sc.loop_unroll_factor = 4 : i64, sc.parallel_access}
    %dma_start3A_253 = arith.constant 0 : i32
    %dma_start3A_254 = arith.constant 0 : i32
    %dma_start3A_255 = arith.constant 0 : i32
    %dma_start3A_256 = arith.constant 0 : i32
    %dma_start3A_257 = tpu.memref_slice %arg9[%dma_start3A_253, %dma_start3A_255, %dma_start3A_256] : memref<3x80x128xf32, #tpu.memory_space<vmem>> -> memref<1x80x128xf32, #tpu.memory_space<vmem>>
    %dma_start3A_258 = tpu.memref_squeeze %dma_start3A_257 : memref<1x80x128xf32, #tpu.memory_space<vmem>> -> memref<80x128xf32, #tpu.memory_space<vmem>>
    %dma_start3A_259 = arith.constant 0 : i32
    %dma_start3A_260 = tpu.memref_slice %arg7[%dma_start3A_254, %dma_start3A_259] : memref<3x80xi32, #tpu.memory_space<vmem>> -> memref<1x80xi32, #tpu.memory_space<vmem>>
    %dma_start3A_261 = tpu.memref_squeeze %dma_start3A_260 : memref<1x80xi32, #tpu.memory_space<vmem>> -> memref<80xi32, #tpu.memory_space<vmem>>
    %dma_start3A_262 = arith.constant 0 : i32
    %dma_start3A_263 = arith.constant 0 : i32
    %dma_start3A_264 = tpu.memref_slice %arg10[%dma_start3A_262, %dma_start3A_263] : memref<10000x128xf32, #tpu.memory_space<vmem_shared>> -> memref<10000x128xf32, #tpu.memory_space<vmem_shared>>
    tpu.enqueue_indirect_dma source(%dma_start3A_258 : memref<80x128xf32, #tpu.memory_space<vmem>>) target(%dma_start3A_264 : memref<10000x128xf32, #tpu.memory_space<vmem_shared>>) offsets(%dma_start3A_261 : memref<80xi32, #tpu.memory_space<vmem>>) semaphore(%arg14 : memref<!tpu.dma_semaphore, #tpu.memory_space<semaphore_mem>>) {add = true}
    %scan3A_265 = arith.constant 0 : i32
    %scan3A_266 = arith.constant 0 : i32
    %scan3A_267 = arith.constant 41 : i32
    %scan3A_268 = arith.addi %scan3A_266, %scan3A_267 : i32
    %scan3A_269 = arith.constant 1 : i32
    %scan3A_270 = scf.for %scan3A_458 = %scan3A_266 to %scan3A_268 step %scan3A_269 iter_args(%scan3A_459 = %scan3A_265) -> (i32)  : i32 {
      %mul3A_460 = arith.constant 3 : i32
      %mul3A_461 = arith.muli %mul3A_460, %scan3A_458 : i32
      %add3A_462 = arith.constant 1 : i32
      %add3A_463 = arith.addi %mul3A_461, %add3A_462 : i32
      %dma_wait3A_464 = arith.constant 1 : i32
      %dma_wait3A_465 = arith.constant 0 : i32
      %dma_wait3A_466 = arith.constant 0 : i32
      %dma_wait3A_467 = tpu.memref_slice %arg9[%dma_wait3A_464, %dma_wait3A_465, %dma_wait3A_466] : memref<3x80x128xf32, #tpu.memory_space<vmem>> -> memref<1x80x128xf32, #tpu.memory_space<vmem>>
      %dma_wait3A_468 = tpu.memref_squeeze %dma_wait3A_467 : memref<1x80x128xf32, #tpu.memory_space<vmem>> -> memref<80x128xf32, #tpu.memory_space<vmem>>
      %dma_wait3A_469 = arith.constant 0 : i32
      %dma_wait3A_470 = tpu.memref_slice %arg6[%dma_wait3A_469] : memref<10000xi32, #tpu.memory_space<vmem>> -> memref<80xi32, #tpu.memory_space<vmem>>
      %dma_wait3A_471 = arith.constant 0 : i32
      %dma_wait3A_472 = arith.constant 0 : i32
      %dma_wait3A_473 = tpu.memref_slice %arg2[%dma_wait3A_471, %dma_wait3A_472] : memref<10000x128xf32, #tpu.memory_space<hbm>> -> memref<10000x128xf32, #tpu.memory_space<hbm>>
      tpu.wait_indirect_dma semaphore(%arg12 : memref<!tpu.dma_semaphore, #tpu.memory_space<semaphore_mem>>) src(%dma_wait3A_473 : memref<10000x128xf32, #tpu.memory_space<hbm>>) dst(%dma_wait3A_468 : memref<80x128xf32, #tpu.memory_space<vmem>>)
      %dma_wait3A_474 = arith.constant 1 : i32
      %dma_wait3A_475 = arith.constant 0 : i32
      %dma_wait3A_476 = tpu.memref_slice %arg7[%dma_wait3A_474, %dma_wait3A_475] : memref<3x80xi32, #tpu.memory_space<vmem>> -> memref<1x80xi32, #tpu.memory_space<vmem>>
      %dma_wait3A_477 = tpu.memref_squeeze %dma_wait3A_476 : memref<1x80xi32, #tpu.memory_space<vmem>> -> memref<80xi32, #tpu.memory_space<vmem>>
      %dma_wait3A_478 = arith.constant 0 : i32
      %dma_wait3A_479 = tpu.memref_slice %arg3[%dma_wait3A_478] : memref<640000xi32, #tpu.memory_space<hbm>> -> memref<80xi32, #tpu.memory_space<hbm>>
      %dma_wait3A_480 = arith.constant 0 : i32
      %dma_wait3A_481 = tpu.memref_slice %arg7[%dma_wait3A_474, %dma_wait3A_480] : memref<3x80xi32, #tpu.memory_space<vmem>> -> memref<1x80xi32, #tpu.memory_space<vmem>>
      %dma_wait3A_482 = tpu.memref_squeeze %dma_wait3A_481 : memref<1x80xi32, #tpu.memory_space<vmem>> -> memref<80xi32, #tpu.memory_space<vmem>>
      %dma_wait3A_483 = arith.constant 0 : i32
      %dma_wait3A_484 = tpu.memref_slice %arg3[%dma_wait3A_483] : memref<640000xi32, #tpu.memory_space<hbm>> -> memref<80xi32, #tpu.memory_space<hbm>>
      tpu.wait_dma2 semaphore(%arg18 : memref<!tpu.dma_semaphore, #tpu.memory_space<semaphore_mem>>) src(%dma_wait3A_484 : memref<80xi32, #tpu.memory_space<hbm>>) dst(%dma_wait3A_482 : memref<80xi32, #tpu.memory_space<vmem>>)
      %dma_wait3A_485 = arith.constant 1 : i32
      %dma_wait3A_486 = arith.constant 0 : i32
      %dma_wait3A_487 = tpu.memref_slice %arg8[%dma_wait3A_485, %dma_wait3A_486] : memref<3x80xf32, #tpu.memory_space<vmem>> -> memref<1x80xf32, #tpu.memory_space<vmem>>
      %dma_wait3A_488 = tpu.memref_squeeze %dma_wait3A_487 : memref<1x80xf32, #tpu.memory_space<vmem>> -> memref<80xf32, #tpu.memory_space<vmem>>
      %dma_wait3A_489 = arith.constant 0 : i32
      %dma_wait3A_490 = tpu.memref_slice %arg4[%dma_wait3A_489] : memref<320000xf32, #tpu.memory_space<hbm>> -> memref<80xf32, #tpu.memory_space<hbm>>
      %dma_wait3A_491 = arith.constant 0 : i32
      %dma_wait3A_492 = tpu.memref_slice %arg8[%dma_wait3A_485, %dma_wait3A_491] : memref<3x80xf32, #tpu.memory_space<vmem>> -> memref<1x80xf32, #tpu.memory_space<vmem>>
      %dma_wait3A_493 = tpu.memref_squeeze %dma_wait3A_492 : memref<1x80xf32, #tpu.memory_space<vmem>> -> memref<80xf32, #tpu.memory_space<vmem>>
      %dma_wait3A_494 = arith.constant 0 : i32
      %dma_wait3A_495 = tpu.memref_slice %arg4[%dma_wait3A_494] : memref<320000xf32, #tpu.memory_space<hbm>> -> memref<80xf32, #tpu.memory_space<hbm>>
      tpu.wait_dma2 semaphore(%arg18 : memref<!tpu.dma_semaphore, #tpu.memory_space<semaphore_mem>>) src(%dma_wait3A_495 : memref<80xf32, #tpu.memory_space<hbm>>) dst(%dma_wait3A_493 : memref<80xf32, #tpu.memory_space<vmem>>)
      %broadcast_in_dim3A_496 = arith.constant 1 : i32
      %broadcast_in_dim3A_497 = vector.broadcast %broadcast_in_dim3A_496 : i32 to vector<16xi32>
      %parallel_loop3A_498 = arith.constant 0 : i32
      %parallel_loop3A_499 = arith.constant 80 : i32
      %parallel_loop3A_500 = arith.constant 1 : i32
      scf.for %parallel_loop3A_673 = %parallel_loop3A_498 to %parallel_loop3A_499 step %parallel_loop3A_500  : i32 {
        %parallel_loop3A_674 = arith.constant 0 : i32
        %parallel_loop3A_675 = vector.broadcast %parallel_loop3A_674 : i32 to vector<16xi32>
        %parallel_loop3A_676 = vector.broadcast %parallel_loop3A_673 : i32 to vector<16xi32>
        %parallel_loop3A_677 = arith.addi %parallel_loop3A_675, %parallel_loop3A_676 : vector<16xi32>
        %parallel_loop3A_678 = tpu.vector_load_idx %arg8[%broadcast_in_dim3A_497, %parallel_loop3A_677] : memref<3x80xf32, #tpu.memory_space<vmem>>[vector<16xi32>, vector<16xi32>], vector<16xf32>,
        %parallel_loop3A_679 = arith.constant 1 : i32
        %parallel_loop3A_680 = arith.index_cast %parallel_loop3A_679 : i32 to index
        %parallel_loop3A_681 = arith.index_cast %parallel_loop3A_673 : i32 to index
        %parallel_loop3A_682 = arith.constant 0 : index
        %parallel_loop3A_683 = tpu.vector_load %arg9[%parallel_loop3A_680, %parallel_loop3A_681, %parallel_loop3A_682] {strides = array<i32>} : memref<3x80x128xf32, #tpu.memory_space<vmem>>, vector<16xf32>,
        %parallel_loop3A_684 = arith.mulf %parallel_loop3A_683, %parallel_loop3A_678 : vector<16xf32>
        %parallel_loop3A_685 = arith.constant 1 : i32
        %parallel_loop3A_686 = arith.index_cast %parallel_loop3A_685 : i32 to index
        %parallel_loop3A_687 = arith.index_cast %parallel_loop3A_673 : i32 to index
        %parallel_loop3A_688 = arith.constant 0 : index
        %parallel_loop3A_689 = tpu.vector_load %arg9[%parallel_loop3A_686, %parallel_loop3A_687, %parallel_loop3A_688] {strides = array<i32>} : memref<3x80x128xf32, #tpu.memory_space<vmem>>, vector<16xf32>,
        tpu.vector_store %arg9[%parallel_loop3A_686, %parallel_loop3A_687, %parallel_loop3A_688], %parallel_loop3A_684 {strides = array<i32>} : memref<3x80x128xf32, #tpu.memory_space<vmem>>, vector<16xf32>,
        %parallel_loop3A_690 = arith.constant 1 : i32
        %parallel_loop3A_691 = arith.index_cast %parallel_loop3A_690 : i32 to index
        %parallel_loop3A_692 = arith.index_cast %parallel_loop3A_673 : i32 to index
        %parallel_loop3A_693 = arith.constant 16 : index
        %parallel_loop3A_694 = tpu.vector_load %arg9[%parallel_loop3A_691, %parallel_loop3A_692, %parallel_loop3A_693] {strides = array<i32>} : memref<3x80x128xf32, #tpu.memory_space<vmem>>, vector<16xf32>,
        %parallel_loop3A_695 = arith.mulf %parallel_loop3A_694, %parallel_loop3A_678 : vector<16xf32>
        %parallel_loop3A_696 = arith.constant 1 : i32
        %parallel_loop3A_697 = arith.index_cast %parallel_loop3A_696 : i32 to index
        %parallel_loop3A_698 = arith.index_cast %parallel_loop3A_673 : i32 to index
        %parallel_loop3A_699 = arith.constant 16 : index
        %parallel_loop3A_700 = tpu.vector_load %arg9[%parallel_loop3A_697, %parallel_loop3A_698, %parallel_loop3A_699] {strides = array<i32>} : memref<3x80x128xf32, #tpu.memory_space<vmem>>, vector<16xf32>,
        tpu.vector_store %arg9[%parallel_loop3A_697, %parallel_loop3A_698, %parallel_loop3A_699], %parallel_loop3A_695 {strides = array<i32>} : memref<3x80x128xf32, #tpu.memory_space<vmem>>, vector<16xf32>,
        %parallel_loop3A_701 = arith.constant 1 : i32
        %parallel_loop3A_702 = arith.index_cast %parallel_loop3A_701 : i32 to index
        %parallel_loop3A_703 = arith.index_cast %parallel_loop3A_673 : i32 to index
        %parallel_loop3A_704 = arith.constant 32 : index
        %parallel_loop3A_705 = tpu.vector_load %arg9[%parallel_loop3A_702, %parallel_loop3A_703, %parallel_loop3A_704] {strides = array<i32>} : memref<3x80x128xf32, #tpu.memory_space<vmem>>, vector<16xf32>,
        %parallel_loop3A_706 = arith.mulf %parallel_loop3A_705, %parallel_loop3A_678 : vector<16xf32>
        %parallel_loop3A_707 = arith.constant 1 : i32
        %parallel_loop3A_708 = arith.index_cast %parallel_loop3A_707 : i32 to index
        %parallel_loop3A_709 = arith.index_cast %parallel_loop3A_673 : i32 to index
        %parallel_loop3A_710 = arith.constant 32 : index
        %parallel_loop3A_711 = tpu.vector_load %arg9[%parallel_loop3A_708, %parallel_loop3A_709, %parallel_loop3A_710] {strides = array<i32>} : memref<3x80x128xf32, #tpu.memory_space<vmem>>, vector<16xf32>,
        tpu.vector_store %arg9[%parallel_loop3A_708, %parallel_loop3A_709, %parallel_loop3A_710], %parallel_loop3A_706 {strides = array<i32>} : memref<3x80x128xf32, #tpu.memory_space<vmem>>, vector<16xf32>,
        %parallel_loop3A_712 = arith.constant 1 : i32
        %parallel_loop3A_713 = arith.index_cast %parallel_loop3A_712 : i32 to index
        %parallel_loop3A_714 = arith.index_cast %parallel_loop3A_673 : i32 to index
        %parallel_loop3A_715 = arith.constant 48 : index
        %parallel_loop3A_716 = tpu.vector_load %arg9[%parallel_loop3A_713, %parallel_loop3A_714, %parallel_loop3A_715] {strides = array<i32>} : memref<3x80x128xf32, #tpu.memory_space<vmem>>, vector<16xf32>,
        %parallel_loop3A_717 = arith.mulf %parallel_loop3A_716, %parallel_loop3A_678 : vector<16xf32>
        %parallel_loop3A_718 = arith.constant 1 : i32
        %parallel_loop3A_719 = arith.index_cast %parallel_loop3A_718 : i32 to index
        %parallel_loop3A_720 = arith.index_cast %parallel_loop3A_673 : i32 to index
        %parallel_loop3A_721 = arith.constant 48 : index
        %parallel_loop3A_722 = tpu.vector_load %arg9[%parallel_loop3A_719, %parallel_loop3A_720, %parallel_loop3A_721] {strides = array<i32>} : memref<3x80x128xf32, #tpu.memory_space<vmem>>, vector<16xf32>,
        tpu.vector_store %arg9[%parallel_loop3A_719, %parallel_loop3A_720, %parallel_loop3A_721], %parallel_loop3A_717 {strides = array<i32>} : memref<3x80x128xf32, #tpu.memory_space<vmem>>, vector<16xf32>,
        %parallel_loop3A_723 = arith.constant 1 : i32
        %parallel_loop3A_724 = arith.index_cast %parallel_loop3A_723 : i32 to index
        %parallel_loop3A_725 = arith.index_cast %parallel_loop3A_673 : i32 to index
        %parallel_loop3A_726 = arith.constant 64 : index
        %parallel_loop3A_727 = tpu.vector_load %arg9[%parallel_loop3A_724, %parallel_loop3A_725, %parallel_loop3A_726] {strides = array<i32>} : memref<3x80x128xf32, #tpu.memory_space<vmem>>, vector<16xf32>,
        %parallel_loop3A_728 = arith.mulf %parallel_loop3A_727, %parallel_loop3A_678 : vector<16xf32>
        %parallel_loop3A_729 = arith.constant 1 : i32
        %parallel_loop3A_730 = arith.index_cast %parallel_loop3A_729 : i32 to index
        %parallel_loop3A_731 = arith.index_cast %parallel_loop3A_673 : i32 to index
        %parallel_loop3A_732 = arith.constant 64 : index
        %parallel_loop3A_733 = tpu.vector_load %arg9[%parallel_loop3A_730, %parallel_loop3A_731, %parallel_loop3A_732] {strides = array<i32>} : memref<3x80x128xf32, #tpu.memory_space<vmem>>, vector<16xf32>,
        tpu.vector_store %arg9[%parallel_loop3A_730, %parallel_loop3A_731, %parallel_loop3A_732], %parallel_loop3A_728 {strides = array<i32>} : memref<3x80x128xf32, #tpu.memory_space<vmem>>, vector<16xf32>,
        %parallel_loop3A_734 = arith.constant 1 : i32
        %parallel_loop3A_735 = arith.index_cast %parallel_loop3A_734 : i32 to index
        %parallel_loop3A_736 = arith.index_cast %parallel_loop3A_673 : i32 to index
        %parallel_loop3A_737 = arith.constant 80 : index
        %parallel_loop3A_738 = tpu.vector_load %arg9[%parallel_loop3A_735, %parallel_loop3A_736, %parallel_loop3A_737] {strides = array<i32>} : memref<3x80x128xf32, #tpu.memory_space<vmem>>, vector<16xf32>,
        %parallel_loop3A_739 = arith.mulf %parallel_loop3A_738, %parallel_loop3A_678 : vector<16xf32>
        %parallel_loop3A_740 = arith.constant 1 : i32
        %parallel_loop3A_741 = arith.index_cast %parallel_loop3A_740 : i32 to index
        %parallel_loop3A_742 = arith.index_cast %parallel_loop3A_673 : i32 to index
        %parallel_loop3A_743 = arith.constant 80 : index
        %parallel_loop3A_744 = tpu.vector_load %arg9[%parallel_loop3A_741, %parallel_loop3A_742, %parallel_loop3A_743] {strides = array<i32>} : memref<3x80x128xf32, #tpu.memory_space<vmem>>, vector<16xf32>,
        tpu.vector_store %arg9[%parallel_loop3A_741, %parallel_loop3A_742, %parallel_loop3A_743], %parallel_loop3A_739 {strides = array<i32>} : memref<3x80x128xf32, #tpu.memory_space<vmem>>, vector<16xf32>,
        %parallel_loop3A_745 = arith.constant 1 : i32
        %parallel_loop3A_746 = arith.index_cast %parallel_loop3A_745 : i32 to index
        %parallel_loop3A_747 = arith.index_cast %parallel_loop3A_673 : i32 to index
        %parallel_loop3A_748 = arith.constant 96 : index
        %parallel_loop3A_749 = tpu.vector_load %arg9[%parallel_loop3A_746, %parallel_loop3A_747, %parallel_loop3A_748] {strides = array<i32>} : memref<3x80x128xf32, #tpu.memory_space<vmem>>, vector<16xf32>,
        %parallel_loop3A_750 = arith.mulf %parallel_loop3A_749, %parallel_loop3A_678 : vector<16xf32>
        %parallel_loop3A_751 = arith.constant 1 : i32
        %parallel_loop3A_752 = arith.index_cast %parallel_loop3A_751 : i32 to index
        %parallel_loop3A_753 = arith.index_cast %parallel_loop3A_673 : i32 to index
        %parallel_loop3A_754 = arith.constant 96 : index
        %parallel_loop3A_755 = tpu.vector_load %arg9[%parallel_loop3A_752, %parallel_loop3A_753, %parallel_loop3A_754] {strides = array<i32>} : memref<3x80x128xf32, #tpu.memory_space<vmem>>, vector<16xf32>,
        tpu.vector_store %arg9[%parallel_loop3A_752, %parallel_loop3A_753, %parallel_loop3A_754], %parallel_loop3A_750 {strides = array<i32>} : memref<3x80x128xf32, #tpu.memory_space<vmem>>, vector<16xf32>,
        %parallel_loop3A_756 = arith.constant 1 : i32
        %parallel_loop3A_757 = arith.index_cast %parallel_loop3A_756 : i32 to index
        %parallel_loop3A_758 = arith.index_cast %parallel_loop3A_673 : i32 to index
        %parallel_loop3A_759 = arith.constant 112 : index
        %parallel_loop3A_760 = tpu.vector_load %arg9[%parallel_loop3A_757, %parallel_loop3A_758, %parallel_loop3A_759] {strides = array<i32>} : memref<3x80x128xf32, #tpu.memory_space<vmem>>, vector<16xf32>,
        %parallel_loop3A_761 = arith.mulf %parallel_loop3A_760, %parallel_loop3A_678 : vector<16xf32>
        %parallel_loop3A_762 = arith.constant 1 : i32
        %parallel_loop3A_763 = arith.index_cast %parallel_loop3A_762 : i32 to index
        %parallel_loop3A_764 = arith.index_cast %parallel_loop3A_673 : i32 to index
        %parallel_loop3A_765 = arith.constant 112 : index
        %parallel_loop3A_766 = tpu.vector_load %arg9[%parallel_loop3A_763, %parallel_loop3A_764, %parallel_loop3A_765] {strides = array<i32>} : memref<3x80x128xf32, #tpu.memory_space<vmem>>, vector<16xf32>,
        tpu.vector_store %arg9[%parallel_loop3A_763, %parallel_loop3A_764, %parallel_loop3A_765], %parallel_loop3A_761 {strides = array<i32>} : memref<3x80x128xf32, #tpu.memory_space<vmem>>, vector<16xf32>,
      } {sc.loop_unroll_factor = 4 : i64, sc.parallel_access}
      %dma_start3A_501 = arith.constant 1 : i32
      %dma_start3A_502 = arith.constant 1 : i32
      %dma_start3A_503 = arith.constant 0 : i32
      %dma_start3A_504 = arith.constant 0 : i32
      %dma_start3A_505 = tpu.memref_slice %arg9[%dma_start3A_501, %dma_start3A_503, %dma_start3A_504] : memref<3x80x128xf32, #tpu.memory_space<vmem>> -> memref<1x80x128xf32, #tpu.memory_space<vmem>>
      %dma_start3A_506 = tpu.memref_squeeze %dma_start3A_505 : memref<1x80x128xf32, #tpu.memory_space<vmem>> -> memref<80x128xf32, #tpu.memory_space<vmem>>
      %dma_start3A_507 = arith.constant 0 : i32
      %dma_start3A_508 = tpu.memref_slice %arg7[%dma_start3A_502, %dma_start3A_507] : memref<3x80xi32, #tpu.memory_space<vmem>> -> memref<1x80xi32, #tpu.memory_space<vmem>>
      %dma_start3A_509 = tpu.memref_squeeze %dma_start3A_508 : memref<1x80xi32, #tpu.memory_space<vmem>> -> memref<80xi32, #tpu.memory_space<vmem>>
      %dma_start3A_510 = arith.constant 0 : i32
      %dma_start3A_511 = arith.constant 0 : i32
      %dma_start3A_512 = tpu.memref_slice %arg10[%dma_start3A_510, %dma_start3A_511] : memref<10000x128xf32, #tpu.memory_space<vmem_shared>> -> memref<10000x128xf32, #tpu.memory_space<vmem_shared>>
      tpu.enqueue_indirect_dma source(%dma_start3A_506 : memref<80x128xf32, #tpu.memory_space<vmem>>) target(%dma_start3A_512 : memref<10000x128xf32, #tpu.memory_space<vmem_shared>>) offsets(%dma_start3A_509 : memref<80xi32, #tpu.memory_space<vmem>>) semaphore(%arg15 : memref<!tpu.dma_semaphore, #tpu.memory_space<semaphore_mem>>) {add = true}
      %dma_wait3A_513 = arith.constant 0 : i32
      %dma_wait3A_514 = arith.constant 0 : i32
      %dma_wait3A_515 = arith.constant 0 : i32
      %dma_wait3A_516 = arith.constant 0 : i32
      %dma_wait3A_517 = tpu.memref_slice %arg9[%dma_wait3A_513, %dma_wait3A_515, %dma_wait3A_516] : memref<3x80x128xf32, #tpu.memory_space<vmem>> -> memref<1x80x128xf32, #tpu.memory_space<vmem>>
      %dma_wait3A_518 = tpu.memref_squeeze %dma_wait3A_517 : memref<1x80x128xf32, #tpu.memory_space<vmem>> -> memref<80x128xf32, #tpu.memory_space<vmem>>
      %dma_wait3A_519 = arith.constant 0 : i32
      %dma_wait3A_520 = tpu.memref_slice %arg7[%dma_wait3A_514, %dma_wait3A_519] : memref<3x80xi32, #tpu.memory_space<vmem>> -> memref<1x80xi32, #tpu.memory_space<vmem>>
      %dma_wait3A_521 = tpu.memref_squeeze %dma_wait3A_520 : memref<1x80xi32, #tpu.memory_space<vmem>> -> memref<80xi32, #tpu.memory_space<vmem>>
      %dma_wait3A_522 = arith.constant 0 : i32
      %dma_wait3A_523 = arith.constant 0 : i32
      %dma_wait3A_524 = tpu.memref_slice %arg10[%dma_wait3A_522, %dma_wait3A_523] : memref<10000x128xf32, #tpu.memory_space<vmem_shared>> -> memref<10000x128xf32, #tpu.memory_space<vmem_shared>>
      tpu.wait_indirect_dma semaphore(%arg14 : memref<!tpu.dma_semaphore, #tpu.memory_space<semaphore_mem>>) src(%dma_wait3A_518 : memref<80x128xf32, #tpu.memory_space<vmem>>) dst(%dma_wait3A_524 : memref<10000x128xf32, #tpu.memory_space<vmem_shared>>)
      %add3A_525 = arith.constant 2 : i32
      %add3A_526 = arith.addi %add3A_463, %add3A_525 : i32
      %lt3A_527 = arith.constant 125 : i32
      %lt3A_528 = arith.cmpi slt, %add3A_526, %lt3A_527 : i32
      %convert_element_type3A_529 = arith.extui %lt3A_528 : i1 to i32
      %cond3A_530 = arith.constant 0 : i32
      %cond3A_531 = arith.cmpi ne, %convert_element_type3A_529, %cond3A_530 : i32
      scf.if %cond3A_531 {
        %add3A_673 = arith.constant 2 : i32
        %add3A_674 = arith.addi %add3A_463, %add3A_673 : i32
        %mul3A_675 = arith.constant 80 : i32
        %mul3A_676 = arith.muli %add3A_674, %mul3A_675 : i32
        %add3A_677 = arith.addi %mul3A_2, %mul3A_676 : i32
        %add3A_678 = arith.constant 320000 : i32
        %add3A_679 = arith.addi %add3A_678, %add3A_677 : i32
        %dma_start3A_680 = arith.constant 0 : i32
        %dma_start3A_681 = arith.constant 0 : i32
        %dma_start3A_682 = tpu.memref_slice %arg7[%dma_start3A_680, %dma_start3A_681] : memref<3x80xi32, #tpu.memory_space<vmem>> -> memref<1x80xi32, #tpu.memory_space<vmem>>
        %dma_start3A_683 = tpu.memref_squeeze %dma_start3A_682 : memref<1x80xi32, #tpu.memory_space<vmem>> -> memref<80xi32, #tpu.memory_space<vmem>>
        %dma_start3A_684 = tpu.memref_slice %arg3[%add3A_679] : memref<640000xi32, #tpu.memory_space<hbm>> -> memref<80xi32, #tpu.memory_space<hbm>>
        %dma_start3A_685 = arith.constant 0 : i32
        %dma_start3A_686 = tpu.memref_slice %arg7[%dma_start3A_680, %dma_start3A_685] : memref<3x80xi32, #tpu.memory_space<vmem>> -> memref<1x80xi32, #tpu.memory_space<vmem>>
        %dma_start3A_687 = tpu.memref_squeeze %dma_start3A_686 : memref<1x80xi32, #tpu.memory_space<vmem>> -> memref<80xi32, #tpu.memory_space<vmem>>
        %dma_start3A_688 = tpu.memref_slice %arg3[%add3A_679] : memref<640000xi32, #tpu.memory_space<hbm>> -> memref<80xi32, #tpu.memory_space<hbm>>
        tpu.enqueue_dma source(%dma_start3A_688 : memref<80xi32, #tpu.memory_space<hbm>>) target(%dma_start3A_687 : memref<80xi32, #tpu.memory_space<vmem>>) target_semaphore(%arg17 : memref<!tpu.dma_semaphore, #tpu.memory_space<semaphore_mem>>)
        %dma_start3A_689 = arith.constant 0 : i32
        %dma_start3A_690 = arith.constant 0 : i32
        %dma_start3A_691 = tpu.memref_slice %arg8[%dma_start3A_689, %dma_start3A_690] : memref<3x80xf32, #tpu.memory_space<vmem>> -> memref<1x80xf32, #tpu.memory_space<vmem>>
        %dma_start3A_692 = tpu.memref_squeeze %dma_start3A_691 : memref<1x80xf32, #tpu.memory_space<vmem>> -> memref<80xf32, #tpu.memory_space<vmem>>
        %dma_start3A_693 = tpu.memref_slice %arg4[%add3A_677] : memref<320000xf32, #tpu.memory_space<hbm>> -> memref<80xf32, #tpu.memory_space<hbm>>
        %dma_start3A_694 = arith.constant 0 : i32
        %dma_start3A_695 = tpu.memref_slice %arg8[%dma_start3A_689, %dma_start3A_694] : memref<3x80xf32, #tpu.memory_space<vmem>> -> memref<1x80xf32, #tpu.memory_space<vmem>>
        %dma_start3A_696 = tpu.memref_squeeze %dma_start3A_695 : memref<1x80xf32, #tpu.memory_space<vmem>> -> memref<80xf32, #tpu.memory_space<vmem>>
        %dma_start3A_697 = tpu.memref_slice %arg4[%add3A_677] : memref<320000xf32, #tpu.memory_space<hbm>> -> memref<80xf32, #tpu.memory_space<hbm>>
        tpu.enqueue_dma source(%dma_start3A_697 : memref<80xf32, #tpu.memory_space<hbm>>) target(%dma_start3A_696 : memref<80xf32, #tpu.memory_space<vmem>>) target_semaphore(%arg17 : memref<!tpu.dma_semaphore, #tpu.memory_space<semaphore_mem>>)
        %add3A_698 = arith.constant 2 : i32
        %add3A_699 = arith.addi %add3A_463, %add3A_698 : i32
        %mul3A_700 = arith.constant 80 : i32
        %mul3A_701 = arith.muli %add3A_699, %mul3A_700 : i32
        %dma_start3A_702 = arith.constant 0 : i32
        %dma_start3A_703 = arith.constant 0 : i32
        %dma_start3A_704 = arith.constant 0 : i32
        %dma_start3A_705 = tpu.memref_slice %arg9[%dma_start3A_702, %dma_start3A_703, %dma_start3A_704] : memref<3x80x128xf32, #tpu.memory_space<vmem>> -> memref<1x80x128xf32, #tpu.memory_space<vmem>>
        %dma_start3A_706 = tpu.memref_squeeze %dma_start3A_705 : memref<1x80x128xf32, #tpu.memory_space<vmem>> -> memref<80x128xf32, #tpu.memory_space<vmem>>
        %dma_start3A_707 = tpu.memref_slice %arg6[%mul3A_701] : memref<10000xi32, #tpu.memory_space<vmem>> -> memref<80xi32, #tpu.memory_space<vmem>>
        %dma_start3A_708 = arith.constant 0 : i32
        %dma_start3A_709 = arith.constant 0 : i32
        %dma_start3A_710 = tpu.memref_slice %arg2[%dma_start3A_708, %dma_start3A_709] : memref<10000x128xf32, #tpu.memory_space<hbm>> -> memref<10000x128xf32, #tpu.memory_space<hbm>>
        tpu.enqueue_indirect_dma source(%dma_start3A_710 : memref<10000x128xf32, #tpu.memory_space<hbm>>) target(%dma_start3A_706 : memref<80x128xf32, #tpu.memory_space<vmem>>) offsets(%dma_start3A_707 : memref<80xi32, #tpu.memory_space<vmem>>) semaphore(%arg11 : memref<!tpu.dma_semaphore, #tpu.memory_space<semaphore_mem>>)
      } else {
      }
      %add3A_532 = arith.constant 1 : i32
      %add3A_533 = arith.addi %add3A_463, %add3A_532 : i32
      %dma_wait3A_534 = arith.constant 2 : i32
      %dma_wait3A_535 = arith.constant 0 : i32
      %dma_wait3A_536 = arith.constant 0 : i32
      %dma_wait3A_537 = tpu.memref_slice %arg9[%dma_wait3A_534, %dma_wait3A_535, %dma_wait3A_536] : memref<3x80x128xf32, #tpu.memory_space<vmem>> -> memref<1x80x128xf32, #tpu.memory_space<vmem>>
      %dma_wait3A_538 = tpu.memref_squeeze %dma_wait3A_537 : memref<1x80x128xf32, #tpu.memory_space<vmem>> -> memref<80x128xf32, #tpu.memory_space<vmem>>
      %dma_wait3A_539 = arith.constant 0 : i32
      %dma_wait3A_540 = tpu.memref_slice %arg6[%dma_wait3A_539] : memref<10000xi32, #tpu.memory_space<vmem>> -> memref<80xi32, #tpu.memory_space<vmem>>
      %dma_wait3A_541 = arith.constant 0 : i32
      %dma_wait3A_542 = arith.constant 0 : i32
      %dma_wait3A_543 = tpu.memref_slice %arg2[%dma_wait3A_541, %dma_wait3A_542] : memref<10000x128xf32, #tpu.memory_space<hbm>> -> memref<10000x128xf32, #tpu.memory_space<hbm>>
      tpu.wait_indirect_dma semaphore(%arg13 : memref<!tpu.dma_semaphore, #tpu.memory_space<semaphore_mem>>) src(%dma_wait3A_543 : memref<10000x128xf32, #tpu.memory_space<hbm>>) dst(%dma_wait3A_538 : memref<80x128xf32, #tpu.memory_space<vmem>>)
      %dma_wait3A_544 = arith.constant 2 : i32
      %dma_wait3A_545 = arith.constant 0 : i32
      %dma_wait3A_546 = tpu.memref_slice %arg7[%dma_wait3A_544, %dma_wait3A_545] : memref<3x80xi32, #tpu.memory_space<vmem>> -> memref<1x80xi32, #tpu.memory_space<vmem>>
      %dma_wait3A_547 = tpu.memref_squeeze %dma_wait3A_546 : memref<1x80xi32, #tpu.memory_space<vmem>> -> memref<80xi32, #tpu.memory_space<vmem>>
      %dma_wait3A_548 = arith.constant 0 : i32
      %dma_wait3A_549 = tpu.memref_slice %arg3[%dma_wait3A_548] : memref<640000xi32, #tpu.memory_space<hbm>> -> memref<80xi32, #tpu.memory_space<hbm>>
      %dma_wait3A_550 = arith.constant 0 : i32
      %dma_wait3A_551 = tpu.memref_slice %arg7[%dma_wait3A_544, %dma_wait3A_550] : memref<3x80xi32, #tpu.memory_space<vmem>> -> memref<1x80xi32, #tpu.memory_space<vmem>>
      %dma_wait3A_552 = tpu.memref_squeeze %dma_wait3A_551 : memref<1x80xi32, #tpu.memory_space<vmem>> -> memref<80xi32, #tpu.memory_space<vmem>>
      %dma_wait3A_553 = arith.constant 0 : i32
      %dma_wait3A_554 = tpu.memref_slice %arg3[%dma_wait3A_553] : memref<640000xi32, #tpu.memory_space<hbm>> -> memref<80xi32, #tpu.memory_space<hbm>>
      tpu.wait_dma2 semaphore(%arg19 : memref<!tpu.dma_semaphore, #tpu.memory_space<semaphore_mem>>) src(%dma_wait3A_554 : memref<80xi32, #tpu.memory_space<hbm>>) dst(%dma_wait3A_552 : memref<80xi32, #tpu.memory_space<vmem>>)
      %dma_wait3A_555 = arith.constant 2 : i32
      %dma_wait3A_556 = arith.constant 0 : i32
      %dma_wait3A_557 = tpu.memref_slice %arg8[%dma_wait3A_555, %dma_wait3A_556] : memref<3x80xf32, #tpu.memory_space<vmem>> -> memref<1x80xf32, #tpu.memory_space<vmem>>
      %dma_wait3A_558 = tpu.memref_squeeze %dma_wait3A_557 : memref<1x80xf32, #tpu.memory_space<vmem>> -> memref<80xf32, #tpu.memory_space<vmem>>
      %dma_wait3A_559 = arith.constant 0 : i32
      %dma_wait3A_560 = tpu.memref_slice %arg4[%dma_wait3A_559] : memref<320000xf32, #tpu.memory_space<hbm>> -> memref<80xf32, #tpu.memory_space<hbm>>
      %dma_wait3A_561 = arith.constant 0 : i32
      %dma_wait3A_562 = tpu.memref_slice %arg8[%dma_wait3A_555, %dma_wait3A_561] : memref<3x80xf32, #tpu.memory_space<vmem>> -> memref<1x80xf32, #tpu.memory_space<vmem>>
      %dma_wait3A_563 = tpu.memref_squeeze %dma_wait3A_562 : memref<1x80xf32, #tpu.memory_space<vmem>> -> memref<80xf32, #tpu.memory_space<vmem>>
      %dma_wait3A_564 = arith.constant 0 : i32
      %dma_wait3A_565 = tpu.memref_slice %arg4[%dma_wait3A_564] : memref<320000xf32, #tpu.memory_space<hbm>> -> memref<80xf32, #tpu.memory_space<hbm>>
      tpu.wait_dma2 semaphore(%arg19 : memref<!tpu.dma_semaphore, #tpu.memory_space<semaphore_mem>>) src(%dma_wait3A_565 : memref<80xf32, #tpu.memory_space<hbm>>) dst(%dma_wait3A_563 : memref<80xf32, #tpu.memory_space<vmem>>)
      %broadcast_in_dim3A_566 = arith.constant 2 : i32
      %broadcast_in_dim3A_567 = vector.broadcast %broadcast_in_dim3A_566 : i32 to vector<16xi32>
      %parallel_loop3A_568 = arith.constant 0 : i32
      %parallel_loop3A_569 = arith.constant 80 : i32
      %parallel_loop3A_570 = arith.constant 1 : i32
      scf.for %parallel_loop3A_673 = %parallel_loop3A_568 to %parallel_loop3A_569 step %parallel_loop3A_570  : i32 {
        %parallel_loop3A_674 = arith.constant 0 : i32
        %parallel_loop3A_675 = vector.broadcast %parallel_loop3A_674 : i32 to vector<16xi32>
        %parallel_loop3A_676 = vector.broadcast %parallel_loop3A_673 : i32 to vector<16xi32>
        %parallel_loop3A_677 = arith.addi %parallel_loop3A_675, %parallel_loop3A_676 : vector<16xi32>
        %parallel_loop3A_678 = tpu.vector_load_idx %arg8[%broadcast_in_dim3A_567, %parallel_loop3A_677] : memref<3x80xf32, #tpu.memory_space<vmem>>[vector<16xi32>, vector<16xi32>], vector<16xf32>,
        %parallel_loop3A_679 = arith.constant 2 : i32
        %parallel_loop3A_680 = arith.index_cast %parallel_loop3A_679 : i32 to index
        %parallel_loop3A_681 = arith.index_cast %parallel_loop3A_673 : i32 to index
        %parallel_loop3A_682 = arith.constant 0 : index
        %parallel_loop3A_683 = tpu.vector_load %arg9[%parallel_loop3A_680, %parallel_loop3A_681, %parallel_loop3A_682] {strides = array<i32>} : memref<3x80x128xf32, #tpu.memory_space<vmem>>, vector<16xf32>,
        %parallel_loop3A_684 = arith.mulf %parallel_loop3A_683, %parallel_loop3A_678 : vector<16xf32>
        %parallel_loop3A_685 = arith.constant 2 : i32
        %parallel_loop3A_686 = arith.index_cast %parallel_loop3A_685 : i32 to index
        %parallel_loop3A_687 = arith.index_cast %parallel_loop3A_673 : i32 to index
        %parallel_loop3A_688 = arith.constant 0 : index
        %parallel_loop3A_689 = tpu.vector_load %arg9[%parallel_loop3A_686, %parallel_loop3A_687, %parallel_loop3A_688] {strides = array<i32>} : memref<3x80x128xf32, #tpu.memory_space<vmem>>, vector<16xf32>,
        tpu.vector_store %arg9[%parallel_loop3A_686, %parallel_loop3A_687, %parallel_loop3A_688], %parallel_loop3A_684 {strides = array<i32>} : memref<3x80x128xf32, #tpu.memory_space<vmem>>, vector<16xf32>,
        %parallel_loop3A_690 = arith.constant 2 : i32
        %parallel_loop3A_691 = arith.index_cast %parallel_loop3A_690 : i32 to index
        %parallel_loop3A_692 = arith.index_cast %parallel_loop3A_673 : i32 to index
        %parallel_loop3A_693 = arith.constant 16 : index
        %parallel_loop3A_694 = tpu.vector_load %arg9[%parallel_loop3A_691, %parallel_loop3A_692, %parallel_loop3A_693] {strides = array<i32>} : memref<3x80x128xf32, #tpu.memory_space<vmem>>, vector<16xf32>,
        %parallel_loop3A_695 = arith.mulf %parallel_loop3A_694, %parallel_loop3A_678 : vector<16xf32>
        %parallel_loop3A_696 = arith.constant 2 : i32
        %parallel_loop3A_697 = arith.index_cast %parallel_loop3A_696 : i32 to index
        %parallel_loop3A_698 = arith.index_cast %parallel_loop3A_673 : i32 to index
        %parallel_loop3A_699 = arith.constant 16 : index
        %parallel_loop3A_700 = tpu.vector_load %arg9[%parallel_loop3A_697, %parallel_loop3A_698, %parallel_loop3A_699] {strides = array<i32>} : memref<3x80x128xf32, #tpu.memory_space<vmem>>, vector<16xf32>,
        tpu.vector_store %arg9[%parallel_loop3A_697, %parallel_loop3A_698, %parallel_loop3A_699], %parallel_loop3A_695 {strides = array<i32>} : memref<3x80x128xf32, #tpu.memory_space<vmem>>, vector<16xf32>,
        %parallel_loop3A_701 = arith.constant 2 : i32
        %parallel_loop3A_702 = arith.index_cast %parallel_loop3A_701 : i32 to index
        %parallel_loop3A_703 = arith.index_cast %parallel_loop3A_673 : i32 to index
        %parallel_loop3A_704 = arith.constant 32 : index
        %parallel_loop3A_705 = tpu.vector_load %arg9[%parallel_loop3A_702, %parallel_loop3A_703, %parallel_loop3A_704] {strides = array<i32>} : memref<3x80x128xf32, #tpu.memory_space<vmem>>, vector<16xf32>,
        %parallel_loop3A_706 = arith.mulf %parallel_loop3A_705, %parallel_loop3A_678 : vector<16xf32>
        %parallel_loop3A_707 = arith.constant 2 : i32
        %parallel_loop3A_708 = arith.index_cast %parallel_loop3A_707 : i32 to index
        %parallel_loop3A_709 = arith.index_cast %parallel_loop3A_673 : i32 to index
        %parallel_loop3A_710 = arith.constant 32 : index
        %parallel_loop3A_711 = tpu.vector_load %arg9[%parallel_loop3A_708, %parallel_loop3A_709, %parallel_loop3A_710] {strides = array<i32>} : memref<3x80x128xf32, #tpu.memory_space<vmem>>, vector<16xf32>,
        tpu.vector_store %arg9[%parallel_loop3A_708, %parallel_loop3A_709, %parallel_loop3A_710], %parallel_loop3A_706 {strides = array<i32>} : memref<3x80x128xf32, #tpu.memory_space<vmem>>, vector<16xf32>,
        %parallel_loop3A_712 = arith.constant 2 : i32
        %parallel_loop3A_713 = arith.index_cast %parallel_loop3A_712 : i32 to index
        %parallel_loop3A_714 = arith.index_cast %parallel_loop3A_673 : i32 to index
        %parallel_loop3A_715 = arith.constant 48 : index
        %parallel_loop3A_716 = tpu.vector_load %arg9[%parallel_loop3A_713, %parallel_loop3A_714, %parallel_loop3A_715] {strides = array<i32>} : memref<3x80x128xf32, #tpu.memory_space<vmem>>, vector<16xf32>,
        %parallel_loop3A_717 = arith.mulf %parallel_loop3A_716, %parallel_loop3A_678 : vector<16xf32>
        %parallel_loop3A_718 = arith.constant 2 : i32
        %parallel_loop3A_719 = arith.index_cast %parallel_loop3A_718 : i32 to index
        %parallel_loop3A_720 = arith.index_cast %parallel_loop3A_673 : i32 to index
        %parallel_loop3A_721 = arith.constant 48 : index
        %parallel_loop3A_722 = tpu.vector_load %arg9[%parallel_loop3A_719, %parallel_loop3A_720, %parallel_loop3A_721] {strides = array<i32>} : memref<3x80x128xf32, #tpu.memory_space<vmem>>, vector<16xf32>,
        tpu.vector_store %arg9[%parallel_loop3A_719, %parallel_loop3A_720, %parallel_loop3A_721], %parallel_loop3A_717 {strides = array<i32>} : memref<3x80x128xf32, #tpu.memory_space<vmem>>, vector<16xf32>,
        %parallel_loop3A_723 = arith.constant 2 : i32
        %parallel_loop3A_724 = arith.index_cast %parallel_loop3A_723 : i32 to index
        %parallel_loop3A_725 = arith.index_cast %parallel_loop3A_673 : i32 to index
        %parallel_loop3A_726 = arith.constant 64 : index
        %parallel_loop3A_727 = tpu.vector_load %arg9[%parallel_loop3A_724, %parallel_loop3A_725, %parallel_loop3A_726] {strides = array<i32>} : memref<3x80x128xf32, #tpu.memory_space<vmem>>, vector<16xf32>,
        %parallel_loop3A_728 = arith.mulf %parallel_loop3A_727, %parallel_loop3A_678 : vector<16xf32>
        %parallel_loop3A_729 = arith.constant 2 : i32
        %parallel_loop3A_730 = arith.index_cast %parallel_loop3A_729 : i32 to index
        %parallel_loop3A_731 = arith.index_cast %parallel_loop3A_673 : i32 to index
        %parallel_loop3A_732 = arith.constant 64 : index
        %parallel_loop3A_733 = tpu.vector_load %arg9[%parallel_loop3A_730, %parallel_loop3A_731, %parallel_loop3A_732] {strides = array<i32>} : memref<3x80x128xf32, #tpu.memory_space<vmem>>, vector<16xf32>,
        tpu.vector_store %arg9[%parallel_loop3A_730, %parallel_loop3A_731, %parallel_loop3A_732], %parallel_loop3A_728 {strides = array<i32>} : memref<3x80x128xf32, #tpu.memory_space<vmem>>, vector<16xf32>,
        %parallel_loop3A_734 = arith.constant 2 : i32
        %parallel_loop3A_735 = arith.index_cast %parallel_loop3A_734 : i32 to index
        %parallel_loop3A_736 = arith.index_cast %parallel_loop3A_673 : i32 to index
        %parallel_loop3A_737 = arith.constant 80 : index
        %parallel_loop3A_738 = tpu.vector_load %arg9[%parallel_loop3A_735, %parallel_loop3A_736, %parallel_loop3A_737] {strides = array<i32>} : memref<3x80x128xf32, #tpu.memory_space<vmem>>, vector<16xf32>,
        %parallel_loop3A_739 = arith.mulf %parallel_loop3A_738, %parallel_loop3A_678 : vector<16xf32>
        %parallel_loop3A_740 = arith.constant 2 : i32
        %parallel_loop3A_741 = arith.index_cast %parallel_loop3A_740 : i32 to index
        %parallel_loop3A_742 = arith.index_cast %parallel_loop3A_673 : i32 to index
        %parallel_loop3A_743 = arith.constant 80 : index
        %parallel_loop3A_744 = tpu.vector_load %arg9[%parallel_loop3A_741, %parallel_loop3A_742, %parallel_loop3A_743] {strides = array<i32>} : memref<3x80x128xf32, #tpu.memory_space<vmem>>, vector<16xf32>,
        tpu.vector_store %arg9[%parallel_loop3A_741, %parallel_loop3A_742, %parallel_loop3A_743], %parallel_loop3A_739 {strides = array<i32>} : memref<3x80x128xf32, #tpu.memory_space<vmem>>, vector<16xf32>,
        %parallel_loop3A_745 = arith.constant 2 : i32
        %parallel_loop3A_746 = arith.index_cast %parallel_loop3A_745 : i32 to index
        %parallel_loop3A_747 = arith.index_cast %parallel_loop3A_673 : i32 to index
        %parallel_loop3A_748 = arith.constant 96 : index
        %parallel_loop3A_749 = tpu.vector_load %arg9[%parallel_loop3A_746, %parallel_loop3A_747, %parallel_loop3A_748] {strides = array<i32>} : memref<3x80x128xf32, #tpu.memory_space<vmem>>, vector<16xf32>,
        %parallel_loop3A_750 = arith.mulf %parallel_loop3A_749, %parallel_loop3A_678 : vector<16xf32>
        %parallel_loop3A_751 = arith.constant 2 : i32
        %parallel_loop3A_752 = arith.index_cast %parallel_loop3A_751 : i32 to index
        %parallel_loop3A_753 = arith.index_cast %parallel_loop3A_673 : i32 to index
        %parallel_loop3A_754 = arith.constant 96 : index
        %parallel_loop3A_755 = tpu.vector_load %arg9[%parallel_loop3A_752, %parallel_loop3A_753, %parallel_loop3A_754] {strides = array<i32>} : memref<3x80x128xf32, #tpu.memory_space<vmem>>, vector<16xf32>,
        tpu.vector_store %arg9[%parallel_loop3A_752, %parallel_loop3A_753, %parallel_loop3A_754], %parallel_loop3A_750 {strides = array<i32>} : memref<3x80x128xf32, #tpu.memory_space<vmem>>, vector<16xf32>,
        %parallel_loop3A_756 = arith.constant 2 : i32
        %parallel_loop3A_757 = arith.index_cast %parallel_loop3A_756 : i32 to index
        %parallel_loop3A_758 = arith.index_cast %parallel_loop3A_673 : i32 to index
        %parallel_loop3A_759 = arith.constant 112 : index
        %parallel_loop3A_760 = tpu.vector_load %arg9[%parallel_loop3A_757, %parallel_loop3A_758, %parallel_loop3A_759] {strides = array<i32>} : memref<3x80x128xf32, #tpu.memory_space<vmem>>, vector<16xf32>,
        %parallel_loop3A_761 = arith.mulf %parallel_loop3A_760, %parallel_loop3A_678 : vector<16xf32>
        %parallel_loop3A_762 = arith.constant 2 : i32
        %parallel_loop3A_763 = arith.index_cast %parallel_loop3A_762 : i32 to index
        %parallel_loop3A_764 = arith.index_cast %parallel_loop3A_673 : i32 to index
        %parallel_loop3A_765 = arith.constant 112 : index
        %parallel_loop3A_766 = tpu.vector_load %arg9[%parallel_loop3A_763, %parallel_loop3A_764, %parallel_loop3A_765] {strides = array<i32>} : memref<3x80x128xf32, #tpu.memory_space<vmem>>, vector<16xf32>,
        tpu.vector_store %arg9[%parallel_loop3A_763, %parallel_loop3A_764, %parallel_loop3A_765], %parallel_loop3A_761 {strides = array<i32>} : memref<3x80x128xf32, #tpu.memory_space<vmem>>, vector<16xf32>,
      } {sc.loop_unroll_factor = 4 : i64, sc.parallel_access}
      %dma_start3A_571 = arith.constant 2 : i32
      %dma_start3A_572 = arith.constant 2 : i32
      %dma_start3A_573 = arith.constant 0 : i32
      %dma_start3A_574 = arith.constant 0 : i32
      %dma_start3A_575 = tpu.memref_slice %arg9[%dma_start3A_571, %dma_start3A_573, %dma_start3A_574] : memref<3x80x128xf32, #tpu.memory_space<vmem>> -> memref<1x80x128xf32, #tpu.memory_space<vmem>>
      %dma_start3A_576 = tpu.memref_squeeze %dma_start3A_575 : memref<1x80x128xf32, #tpu.memory_space<vmem>> -> memref<80x128xf32, #tpu.memory_space<vmem>>
      %dma_start3A_577 = arith.constant 0 : i32
      %dma_start3A_578 = tpu.memref_slice %arg7[%dma_start3A_572, %dma_start3A_577] : memref<3x80xi32, #tpu.memory_space<vmem>> -> memref<1x80xi32, #tpu.memory_space<vmem>>
      %dma_start3A_579 = tpu.memref_squeeze %dma_start3A_578 : memref<1x80xi32, #tpu.memory_space<vmem>> -> memref<80xi32, #tpu.memory_space<vmem>>
      %dma_start3A_580 = arith.constant 0 : i32
      %dma_start3A_581 = arith.constant 0 : i32
      %dma_start3A_582 = tpu.memref_slice %arg10[%dma_start3A_580, %dma_start3A_581] : memref<10000x128xf32, #tpu.memory_space<vmem_shared>> -> memref<10000x128xf32, #tpu.memory_space<vmem_shared>>
      tpu.enqueue_indirect_dma source(%dma_start3A_576 : memref<80x128xf32, #tpu.memory_space<vmem>>) target(%dma_start3A_582 : memref<10000x128xf32, #tpu.memory_space<vmem_shared>>) offsets(%dma_start3A_579 : memref<80xi32, #tpu.memory_space<vmem>>) semaphore(%arg16 : memref<!tpu.dma_semaphore, #tpu.memory_space<semaphore_mem>>) {add = true}
      %dma_wait3A_583 = arith.constant 1 : i32
      %dma_wait3A_584 = arith.constant 1 : i32
      %dma_wait3A_585 = arith.constant 0 : i32
      %dma_wait3A_586 = arith.constant 0 : i32
      %dma_wait3A_587 = tpu.memref_slice %arg9[%dma_wait3A_583, %dma_wait3A_585, %dma_wait3A_586] : memref<3x80x128xf32, #tpu.memory_space<vmem>> -> memref<1x80x128xf32, #tpu.memory_space<vmem>>
      %dma_wait3A_588 = tpu.memref_squeeze %dma_wait3A_587 : memref<1x80x128xf32, #tpu.memory_space<vmem>> -> memref<80x128xf32, #tpu.memory_space<vmem>>
      %dma_wait3A_589 = arith.constant 0 : i32
      %dma_wait3A_590 = tpu.memref_slice %arg7[%dma_wait3A_584, %dma_wait3A_589] : memref<3x80xi32, #tpu.memory_space<vmem>> -> memref<1x80xi32, #tpu.memory_space<vmem>>
      %dma_wait3A_591 = tpu.memref_squeeze %dma_wait3A_590 : memref<1x80xi32, #tpu.memory_space<vmem>> -> memref<80xi32, #tpu.memory_space<vmem>>
      %dma_wait3A_592 = arith.constant 0 : i32
      %dma_wait3A_593 = arith.constant 0 : i32
      %dma_wait3A_594 = tpu.memref_slice %arg10[%dma_wait3A_592, %dma_wait3A_593] : memref<10000x128xf32, #tpu.memory_space<vmem_shared>> -> memref<10000x128xf32, #tpu.memory_space<vmem_shared>>
      tpu.wait_indirect_dma semaphore(%arg15 : memref<!tpu.dma_semaphore, #tpu.memory_space<semaphore_mem>>) src(%dma_wait3A_588 : memref<80x128xf32, #tpu.memory_space<vmem>>) dst(%dma_wait3A_594 : memref<10000x128xf32, #tpu.memory_space<vmem_shared>>)
      %add3A_595 = arith.constant 2 : i32
      %add3A_596 = arith.addi %add3A_533, %add3A_595 : i32
      %lt3A_597 = arith.constant 125 : i32
      %lt3A_598 = arith.cmpi slt, %add3A_596, %lt3A_597 : i32
      %convert_element_type3A_599 = arith.extui %lt3A_598 : i1 to i32
      %cond3A_600 = arith.constant 0 : i32
      %cond3A_601 = arith.cmpi ne, %convert_element_type3A_599, %cond3A_600 : i32
      scf.if %cond3A_601 {
        %add3A_673 = arith.constant 2 : i32
        %add3A_674 = arith.addi %add3A_533, %add3A_673 : i32
        %mul3A_675 = arith.constant 80 : i32
        %mul3A_676 = arith.muli %add3A_674, %mul3A_675 : i32
        %add3A_677 = arith.addi %mul3A_2, %mul3A_676 : i32
        %add3A_678 = arith.constant 320000 : i32
        %add3A_679 = arith.addi %add3A_678, %add3A_677 : i32
        %dma_start3A_680 = arith.constant 1 : i32
        %dma_start3A_681 = arith.constant 0 : i32
        %dma_start3A_682 = tpu.memref_slice %arg7[%dma_start3A_680, %dma_start3A_681] : memref<3x80xi32, #tpu.memory_space<vmem>> -> memref<1x80xi32, #tpu.memory_space<vmem>>
        %dma_start3A_683 = tpu.memref_squeeze %dma_start3A_682 : memref<1x80xi32, #tpu.memory_space<vmem>> -> memref<80xi32, #tpu.memory_space<vmem>>
        %dma_start3A_684 = tpu.memref_slice %arg3[%add3A_679] : memref<640000xi32, #tpu.memory_space<hbm>> -> memref<80xi32, #tpu.memory_space<hbm>>
        %dma_start3A_685 = arith.constant 0 : i32
        %dma_start3A_686 = tpu.memref_slice %arg7[%dma_start3A_680, %dma_start3A_685] : memref<3x80xi32, #tpu.memory_space<vmem>> -> memref<1x80xi32, #tpu.memory_space<vmem>>
        %dma_start3A_687 = tpu.memref_squeeze %dma_start3A_686 : memref<1x80xi32, #tpu.memory_space<vmem>> -> memref<80xi32, #tpu.memory_space<vmem>>
        %dma_start3A_688 = tpu.memref_slice %arg3[%add3A_679] : memref<640000xi32, #tpu.memory_space<hbm>> -> memref<80xi32, #tpu.memory_space<hbm>>
        tpu.enqueue_dma source(%dma_start3A_688 : memref<80xi32, #tpu.memory_space<hbm>>) target(%dma_start3A_687 : memref<80xi32, #tpu.memory_space<vmem>>) target_semaphore(%arg18 : memref<!tpu.dma_semaphore, #tpu.memory_space<semaphore_mem>>)
        %dma_start3A_689 = arith.constant 1 : i32
        %dma_start3A_690 = arith.constant 0 : i32
        %dma_start3A_691 = tpu.memref_slice %arg8[%dma_start3A_689, %dma_start3A_690] : memref<3x80xf32, #tpu.memory_space<vmem>> -> memref<1x80xf32, #tpu.memory_space<vmem>>
        %dma_start3A_692 = tpu.memref_squeeze %dma_start3A_691 : memref<1x80xf32, #tpu.memory_space<vmem>> -> memref<80xf32, #tpu.memory_space<vmem>>
        %dma_start3A_693 = tpu.memref_slice %arg4[%add3A_677] : memref<320000xf32, #tpu.memory_space<hbm>> -> memref<80xf32, #tpu.memory_space<hbm>>
        %dma_start3A_694 = arith.constant 0 : i32
        %dma_start3A_695 = tpu.memref_slice %arg8[%dma_start3A_689, %dma_start3A_694] : memref<3x80xf32, #tpu.memory_space<vmem>> -> memref<1x80xf32, #tpu.memory_space<vmem>>
        %dma_start3A_696 = tpu.memref_squeeze %dma_start3A_695 : memref<1x80xf32, #tpu.memory_space<vmem>> -> memref<80xf32, #tpu.memory_space<vmem>>
        %dma_start3A_697 = tpu.memref_slice %arg4[%add3A_677] : memref<320000xf32, #tpu.memory_space<hbm>> -> memref<80xf32, #tpu.memory_space<hbm>>
        tpu.enqueue_dma source(%dma_start3A_697 : memref<80xf32, #tpu.memory_space<hbm>>) target(%dma_start3A_696 : memref<80xf32, #tpu.memory_space<vmem>>) target_semaphore(%arg18 : memref<!tpu.dma_semaphore, #tpu.memory_space<semaphore_mem>>)
        %add3A_698 = arith.constant 2 : i32
        %add3A_699 = arith.addi %add3A_533, %add3A_698 : i32
        %mul3A_700 = arith.constant 80 : i32
        %mul3A_701 = arith.muli %add3A_699, %mul3A_700 : i32
        %dma_start3A_702 = arith.constant 1 : i32
        %dma_start3A_703 = arith.constant 0 : i32
        %dma_start3A_704 = arith.constant 0 : i32
        %dma_start3A_705 = tpu.memref_slice %arg9[%dma_start3A_702, %dma_start3A_703, %dma_start3A_704] : memref<3x80x128xf32, #tpu.memory_space<vmem>> -> memref<1x80x128xf32, #tpu.memory_space<vmem>>
        %dma_start3A_706 = tpu.memref_squeeze %dma_start3A_705 : memref<1x80x128xf32, #tpu.memory_space<vmem>> -> memref<80x128xf32, #tpu.memory_space<vmem>>
        %dma_start3A_707 = tpu.memref_slice %arg6[%mul3A_701] : memref<10000xi32, #tpu.memory_space<vmem>> -> memref<80xi32, #tpu.memory_space<vmem>>
        %dma_start3A_708 = arith.constant 0 : i32
        %dma_start3A_709 = arith.constant 0 : i32
        %dma_start3A_710 = tpu.memref_slice %arg2[%dma_start3A_708, %dma_start3A_709] : memref<10000x128xf32, #tpu.memory_space<hbm>> -> memref<10000x128xf32, #tpu.memory_space<hbm>>
        tpu.enqueue_indirect_dma source(%dma_start3A_710 : memref<10000x128xf32, #tpu.memory_space<hbm>>) target(%dma_start3A_706 : memref<80x128xf32, #tpu.memory_space<vmem>>) offsets(%dma_start3A_707 : memref<80xi32, #tpu.memory_space<vmem>>) semaphore(%arg12 : memref<!tpu.dma_semaphore, #tpu.memory_space<semaphore_mem>>)
      } else {
      }
      %add3A_602 = arith.constant 2 : i32
      %add3A_603 = arith.addi %add3A_463, %add3A_602 : i32
      %dma_wait3A_604 = arith.constant 0 : i32
      %dma_wait3A_605 = arith.constant 0 : i32
      %dma_wait3A_606 = arith.constant 0 : i32
      %dma_wait3A_607 = tpu.memref_slice %arg9[%dma_wait3A_604, %dma_wait3A_605, %dma_wait3A_606] : memref<3x80x128xf32, #tpu.memory_space<vmem>> -> memref<1x80x128xf32, #tpu.memory_space<vmem>>
      %dma_wait3A_608 = tpu.memref_squeeze %dma_wait3A_607 : memref<1x80x128xf32, #tpu.memory_space<vmem>> -> memref<80x128xf32, #tpu.memory_space<vmem>>
      %dma_wait3A_609 = arith.constant 0 : i32
      %dma_wait3A_610 = tpu.memref_slice %arg6[%dma_wait3A_609] : memref<10000xi32, #tpu.memory_space<vmem>> -> memref<80xi32, #tpu.memory_space<vmem>>
      %dma_wait3A_611 = arith.constant 0 : i32
      %dma_wait3A_612 = arith.constant 0 : i32
      %dma_wait3A_613 = tpu.memref_slice %arg2[%dma_wait3A_611, %dma_wait3A_612] : memref<10000x128xf32, #tpu.memory_space<hbm>> -> memref<10000x128xf32, #tpu.memory_space<hbm>>
      tpu.wait_indirect_dma semaphore(%arg11 : memref<!tpu.dma_semaphore, #tpu.memory_space<semaphore_mem>>) src(%dma_wait3A_613 : memref<10000x128xf32, #tpu.memory_space<hbm>>) dst(%dma_wait3A_608 : memref<80x128xf32, #tpu.memory_space<vmem>>)
      %dma_wait3A_614 = arith.constant 0 : i32
      %dma_wait3A_615 = arith.constant 0 : i32
      %dma_wait3A_616 = tpu.memref_slice %arg7[%dma_wait3A_614, %dma_wait3A_615] : memref<3x80xi32, #tpu.memory_space<vmem>> -> memref<1x80xi32, #tpu.memory_space<vmem>>
      %dma_wait3A_617 = tpu.memref_squeeze %dma_wait3A_616 : memref<1x80xi32, #tpu.memory_space<vmem>> -> memref<80xi32, #tpu.memory_space<vmem>>
      %dma_wait3A_618 = arith.constant 0 : i32
      %dma_wait3A_619 = tpu.memref_slice %arg3[%dma_wait3A_618] : memref<640000xi32, #tpu.memory_space<hbm>> -> memref<80xi32, #tpu.memory_space<hbm>>
      %dma_wait3A_620 = arith.constant 0 : i32
      %dma_wait3A_621 = tpu.memref_slice %arg7[%dma_wait3A_614, %dma_wait3A_620] : memref<3x80xi32, #tpu.memory_space<vmem>> -> memref<1x80xi32, #tpu.memory_space<vmem>>
      %dma_wait3A_622 = tpu.memref_squeeze %dma_wait3A_621 : memref<1x80xi32, #tpu.memory_space<vmem>> -> memref<80xi32, #tpu.memory_space<vmem>>
      %dma_wait3A_623 = arith.constant 0 : i32
      %dma_wait3A_624 = tpu.memref_slice %arg3[%dma_wait3A_623] : memref<640000xi32, #tpu.memory_space<hbm>> -> memref<80xi32, #tpu.memory_space<hbm>>
      tpu.wait_dma2 semaphore(%arg17 : memref<!tpu.dma_semaphore, #tpu.memory_space<semaphore_mem>>) src(%dma_wait3A_624 : memref<80xi32, #tpu.memory_space<hbm>>) dst(%dma_wait3A_622 : memref<80xi32, #tpu.memory_space<vmem>>)
      %dma_wait3A_625 = arith.constant 0 : i32
      %dma_wait3A_626 = arith.constant 0 : i32
      %dma_wait3A_627 = tpu.memref_slice %arg8[%dma_wait3A_625, %dma_wait3A_626] : memref<3x80xf32, #tpu.memory_space<vmem>> -> memref<1x80xf32, #tpu.memory_space<vmem>>
      %dma_wait3A_628 = tpu.memref_squeeze %dma_wait3A_627 : memref<1x80xf32, #tpu.memory_space<vmem>> -> memref<80xf32, #tpu.memory_space<vmem>>
      %dma_wait3A_629 = arith.constant 0 : i32
      %dma_wait3A_630 = tpu.memref_slice %arg4[%dma_wait3A_629] : memref<320000xf32, #tpu.memory_space<hbm>> -> memref<80xf32, #tpu.memory_space<hbm>>
      %dma_wait3A_631 = arith.constant 0 : i32
      %dma_wait3A_632 = tpu.memref_slice %arg8[%dma_wait3A_625, %dma_wait3A_631] : memref<3x80xf32, #tpu.memory_space<vmem>> -> memref<1x80xf32, #tpu.memory_space<vmem>>
      %dma_wait3A_633 = tpu.memref_squeeze %dma_wait3A_632 : memref<1x80xf32, #tpu.memory_space<vmem>> -> memref<80xf32, #tpu.memory_space<vmem>>
      %dma_wait3A_634 = arith.constant 0 : i32
      %dma_wait3A_635 = tpu.memref_slice %arg4[%dma_wait3A_634] : memref<320000xf32, #tpu.memory_space<hbm>> -> memref<80xf32, #tpu.memory_space<hbm>>
      tpu.wait_dma2 semaphore(%arg17 : memref<!tpu.dma_semaphore, #tpu.memory_space<semaphore_mem>>) src(%dma_wait3A_635 : memref<80xf32, #tpu.memory_space<hbm>>) dst(%dma_wait3A_633 : memref<80xf32, #tpu.memory_space<vmem>>)
      %broadcast_in_dim3A_636 = arith.constant 0 : i32
      %broadcast_in_dim3A_637 = vector.broadcast %broadcast_in_dim3A_636 : i32 to vector<16xi32>
      %parallel_loop3A_638 = arith.constant 0 : i32
      %parallel_loop3A_639 = arith.constant 80 : i32
      %parallel_loop3A_640 = arith.constant 1 : i32
      scf.for %parallel_loop3A_673 = %parallel_loop3A_638 to %parallel_loop3A_639 step %parallel_loop3A_640  : i32 {
        %parallel_loop3A_674 = arith.constant 0 : i32
        %parallel_loop3A_675 = vector.broadcast %parallel_loop3A_674 : i32 to vector<16xi32>
        %parallel_loop3A_676 = vector.broadcast %parallel_loop3A_673 : i32 to vector<16xi32>
        %parallel_loop3A_677 = arith.addi %parallel_loop3A_675, %parallel_loop3A_676 : vector<16xi32>
        %parallel_loop3A_678 = tpu.vector_load_idx %arg8[%broadcast_in_dim3A_637, %parallel_loop3A_677] : memref<3x80xf32, #tpu.memory_space<vmem>>[vector<16xi32>, vector<16xi32>], vector<16xf32>,
        %parallel_loop3A_679 = arith.constant 0 : i32
        %parallel_loop3A_680 = arith.index_cast %parallel_loop3A_679 : i32 to index
        %parallel_loop3A_681 = arith.index_cast %parallel_loop3A_673 : i32 to index
        %parallel_loop3A_682 = arith.constant 0 : index
        %parallel_loop3A_683 = tpu.vector_load %arg9[%parallel_loop3A_680, %parallel_loop3A_681, %parallel_loop3A_682] {strides = array<i32>} : memref<3x80x128xf32, #tpu.memory_space<vmem>>, vector<16xf32>,
        %parallel_loop3A_684 = arith.mulf %parallel_loop3A_683, %parallel_loop3A_678 : vector<16xf32>
        %parallel_loop3A_685 = arith.constant 0 : i32
        %parallel_loop3A_686 = arith.index_cast %parallel_loop3A_685 : i32 to index
        %parallel_loop3A_687 = arith.index_cast %parallel_loop3A_673 : i32 to index
        %parallel_loop3A_688 = arith.constant 0 : index
        %parallel_loop3A_689 = tpu.vector_load %arg9[%parallel_loop3A_686, %parallel_loop3A_687, %parallel_loop3A_688] {strides = array<i32>} : memref<3x80x128xf32, #tpu.memory_space<vmem>>, vector<16xf32>,
        tpu.vector_store %arg9[%parallel_loop3A_686, %parallel_loop3A_687, %parallel_loop3A_688], %parallel_loop3A_684 {strides = array<i32>} : memref<3x80x128xf32, #tpu.memory_space<vmem>>, vector<16xf32>,
        %parallel_loop3A_690 = arith.constant 0 : i32
        %parallel_loop3A_691 = arith.index_cast %parallel_loop3A_690 : i32 to index
        %parallel_loop3A_692 = arith.index_cast %parallel_loop3A_673 : i32 to index
        %parallel_loop3A_693 = arith.constant 16 : index
        %parallel_loop3A_694 = tpu.vector_load %arg9[%parallel_loop3A_691, %parallel_loop3A_692, %parallel_loop3A_693] {strides = array<i32>} : memref<3x80x128xf32, #tpu.memory_space<vmem>>, vector<16xf32>,
        %parallel_loop3A_695 = arith.mulf %parallel_loop3A_694, %parallel_loop3A_678 : vector<16xf32>
        %parallel_loop3A_696 = arith.constant 0 : i32
        %parallel_loop3A_697 = arith.index_cast %parallel_loop3A_696 : i32 to index
        %parallel_loop3A_698 = arith.index_cast %parallel_loop3A_673 : i32 to index
        %parallel_loop3A_699 = arith.constant 16 : index
        %parallel_loop3A_700 = tpu.vector_load %arg9[%parallel_loop3A_697, %parallel_loop3A_698, %parallel_loop3A_699] {strides = array<i32>} : memref<3x80x128xf32, #tpu.memory_space<vmem>>, vector<16xf32>,
        tpu.vector_store %arg9[%parallel_loop3A_697, %parallel_loop3A_698, %parallel_loop3A_699], %parallel_loop3A_695 {strides = array<i32>} : memref<3x80x128xf32, #tpu.memory_space<vmem>>, vector<16xf32>,
        %parallel_loop3A_701 = arith.constant 0 : i32
        %parallel_loop3A_702 = arith.index_cast %parallel_loop3A_701 : i32 to index
        %parallel_loop3A_703 = arith.index_cast %parallel_loop3A_673 : i32 to index
        %parallel_loop3A_704 = arith.constant 32 : index
        %parallel_loop3A_705 = tpu.vector_load %arg9[%parallel_loop3A_702, %parallel_loop3A_703, %parallel_loop3A_704] {strides = array<i32>} : memref<3x80x128xf32, #tpu.memory_space<vmem>>, vector<16xf32>,
        %parallel_loop3A_706 = arith.mulf %parallel_loop3A_705, %parallel_loop3A_678 : vector<16xf32>
        %parallel_loop3A_707 = arith.constant 0 : i32
        %parallel_loop3A_708 = arith.index_cast %parallel_loop3A_707 : i32 to index
        %parallel_loop3A_709 = arith.index_cast %parallel_loop3A_673 : i32 to index
        %parallel_loop3A_710 = arith.constant 32 : index
        %parallel_loop3A_711 = tpu.vector_load %arg9[%parallel_loop3A_708, %parallel_loop3A_709, %parallel_loop3A_710] {strides = array<i32>} : memref<3x80x128xf32, #tpu.memory_space<vmem>>, vector<16xf32>,
        tpu.vector_store %arg9[%parallel_loop3A_708, %parallel_loop3A_709, %parallel_loop3A_710], %parallel_loop3A_706 {strides = array<i32>} : memref<3x80x128xf32, #tpu.memory_space<vmem>>, vector<16xf32>,
        %parallel_loop3A_712 = arith.constant 0 : i32
        %parallel_loop3A_713 = arith.index_cast %parallel_loop3A_712 : i32 to index
        %parallel_loop3A_714 = arith.index_cast %parallel_loop3A_673 : i32 to index
        %parallel_loop3A_715 = arith.constant 48 : index
        %parallel_loop3A_716 = tpu.vector_load %arg9[%parallel_loop3A_713, %parallel_loop3A_714, %parallel_loop3A_715] {strides = array<i32>} : memref<3x80x128xf32, #tpu.memory_space<vmem>>, vector<16xf32>,
        %parallel_loop3A_717 = arith.mulf %parallel_loop3A_716, %parallel_loop3A_678 : vector<16xf32>
        %parallel_loop3A_718 = arith.constant 0 : i32
        %parallel_loop3A_719 = arith.index_cast %parallel_loop3A_718 : i32 to index
        %parallel_loop3A_720 = arith.index_cast %parallel_loop3A_673 : i32 to index
        %parallel_loop3A_721 = arith.constant 48 : index
        %parallel_loop3A_722 = tpu.vector_load %arg9[%parallel_loop3A_719, %parallel_loop3A_720, %parallel_loop3A_721] {strides = array<i32>} : memref<3x80x128xf32, #tpu.memory_space<vmem>>, vector<16xf32>,
        tpu.vector_store %arg9[%parallel_loop3A_719, %parallel_loop3A_720, %parallel_loop3A_721], %parallel_loop3A_717 {strides = array<i32>} : memref<3x80x128xf32, #tpu.memory_space<vmem>>, vector<16xf32>,
        %parallel_loop3A_723 = arith.constant 0 : i32
        %parallel_loop3A_724 = arith.index_cast %parallel_loop3A_723 : i32 to index
        %parallel_loop3A_725 = arith.index_cast %parallel_loop3A_673 : i32 to index
        %parallel_loop3A_726 = arith.constant 64 : index
        %parallel_loop3A_727 = tpu.vector_load %arg9[%parallel_loop3A_724, %parallel_loop3A_725, %parallel_loop3A_726] {strides = array<i32>} : memref<3x80x128xf32, #tpu.memory_space<vmem>>, vector<16xf32>,
        %parallel_loop3A_728 = arith.mulf %parallel_loop3A_727, %parallel_loop3A_678 : vector<16xf32>
        %parallel_loop3A_729 = arith.constant 0 : i32
        %parallel_loop3A_730 = arith.index_cast %parallel_loop3A_729 : i32 to index
        %parallel_loop3A_731 = arith.index_cast %parallel_loop3A_673 : i32 to index
        %parallel_loop3A_732 = arith.constant 64 : index
        %parallel_loop3A_733 = tpu.vector_load %arg9[%parallel_loop3A_730, %parallel_loop3A_731, %parallel_loop3A_732] {strides = array<i32>} : memref<3x80x128xf32, #tpu.memory_space<vmem>>, vector<16xf32>,
        tpu.vector_store %arg9[%parallel_loop3A_730, %parallel_loop3A_731, %parallel_loop3A_732], %parallel_loop3A_728 {strides = array<i32>} : memref<3x80x128xf32, #tpu.memory_space<vmem>>, vector<16xf32>,
        %parallel_loop3A_734 = arith.constant 0 : i32
        %parallel_loop3A_735 = arith.index_cast %parallel_loop3A_734 : i32 to index
        %parallel_loop3A_736 = arith.index_cast %parallel_loop3A_673 : i32 to index
        %parallel_loop3A_737 = arith.constant 80 : index
        %parallel_loop3A_738 = tpu.vector_load %arg9[%parallel_loop3A_735, %parallel_loop3A_736, %parallel_loop3A_737] {strides = array<i32>} : memref<3x80x128xf32, #tpu.memory_space<vmem>>, vector<16xf32>,
        %parallel_loop3A_739 = arith.mulf %parallel_loop3A_738, %parallel_loop3A_678 : vector<16xf32>
        %parallel_loop3A_740 = arith.constant 0 : i32
        %parallel_loop3A_741 = arith.index_cast %parallel_loop3A_740 : i32 to index
        %parallel_loop3A_742 = arith.index_cast %parallel_loop3A_673 : i32 to index
        %parallel_loop3A_743 = arith.constant 80 : index
        %parallel_loop3A_744 = tpu.vector_load %arg9[%parallel_loop3A_741, %parallel_loop3A_742, %parallel_loop3A_743] {strides = array<i32>} : memref<3x80x128xf32, #tpu.memory_space<vmem>>, vector<16xf32>,
        tpu.vector_store %arg9[%parallel_loop3A_741, %parallel_loop3A_742, %parallel_loop3A_743], %parallel_loop3A_739 {strides = array<i32>} : memref<3x80x128xf32, #tpu.memory_space<vmem>>, vector<16xf32>,
        %parallel_loop3A_745 = arith.constant 0 : i32
        %parallel_loop3A_746 = arith.index_cast %parallel_loop3A_745 : i32 to index
        %parallel_loop3A_747 = arith.index_cast %parallel_loop3A_673 : i32 to index
        %parallel_loop3A_748 = arith.constant 96 : index
        %parallel_loop3A_749 = tpu.vector_load %arg9[%parallel_loop3A_746, %parallel_loop3A_747, %parallel_loop3A_748] {strides = array<i32>} : memref<3x80x128xf32, #tpu.memory_space<vmem>>, vector<16xf32>,
        %parallel_loop3A_750 = arith.mulf %parallel_loop3A_749, %parallel_loop3A_678 : vector<16xf32>
        %parallel_loop3A_751 = arith.constant 0 : i32
        %parallel_loop3A_752 = arith.index_cast %parallel_loop3A_751 : i32 to index
        %parallel_loop3A_753 = arith.index_cast %parallel_loop3A_673 : i32 to index
        %parallel_loop3A_754 = arith.constant 96 : index
        %parallel_loop3A_755 = tpu.vector_load %arg9[%parallel_loop3A_752, %parallel_loop3A_753, %parallel_loop3A_754] {strides = array<i32>} : memref<3x80x128xf32, #tpu.memory_space<vmem>>, vector<16xf32>,
        tpu.vector_store %arg9[%parallel_loop3A_752, %parallel_loop3A_753, %parallel_loop3A_754], %parallel_loop3A_750 {strides = array<i32>} : memref<3x80x128xf32, #tpu.memory_space<vmem>>, vector<16xf32>,
        %parallel_loop3A_756 = arith.constant 0 : i32
        %parallel_loop3A_757 = arith.index_cast %parallel_loop3A_756 : i32 to index
        %parallel_loop3A_758 = arith.index_cast %parallel_loop3A_673 : i32 to index
        %parallel_loop3A_759 = arith.constant 112 : index
        %parallel_loop3A_760 = tpu.vector_load %arg9[%parallel_loop3A_757, %parallel_loop3A_758, %parallel_loop3A_759] {strides = array<i32>} : memref<3x80x128xf32, #tpu.memory_space<vmem>>, vector<16xf32>,
        %parallel_loop3A_761 = arith.mulf %parallel_loop3A_760, %parallel_loop3A_678 : vector<16xf32>
        %parallel_loop3A_762 = arith.constant 0 : i32
        %parallel_loop3A_763 = arith.index_cast %parallel_loop3A_762 : i32 to index
        %parallel_loop3A_764 = arith.index_cast %parallel_loop3A_673 : i32 to index
        %parallel_loop3A_765 = arith.constant 112 : index
        %parallel_loop3A_766 = tpu.vector_load %arg9[%parallel_loop3A_763, %parallel_loop3A_764, %parallel_loop3A_765] {strides = array<i32>} : memref<3x80x128xf32, #tpu.memory_space<vmem>>, vector<16xf32>,
        tpu.vector_store %arg9[%parallel_loop3A_763, %parallel_loop3A_764, %parallel_loop3A_765], %parallel_loop3A_761 {strides = array<i32>} : memref<3x80x128xf32, #tpu.memory_space<vmem>>, vector<16xf32>,
      } {sc.loop_unroll_factor = 4 : i64, sc.parallel_access}
      %dma_start3A_641 = arith.constant 0 : i32
      %dma_start3A_642 = arith.constant 0 : i32
      %dma_start3A_643 = arith.constant 0 : i32
      %dma_start3A_644 = arith.constant 0 : i32
      %dma_start3A_645 = tpu.memref_slice %arg9[%dma_start3A_641, %dma_start3A_643, %dma_start3A_644] : memref<3x80x128xf32, #tpu.memory_space<vmem>> -> memref<1x80x128xf32, #tpu.memory_space<vmem>>
      %dma_start3A_646 = tpu.memref_squeeze %dma_start3A_645 : memref<1x80x128xf32, #tpu.memory_space<vmem>> -> memref<80x128xf32, #tpu.memory_space<vmem>>
      %dma_start3A_647 = arith.constant 0 : i32
      %dma_start3A_648 = tpu.memref_slice %arg7[%dma_start3A_642, %dma_start3A_647] : memref<3x80xi32, #tpu.memory_space<vmem>> -> memref<1x80xi32, #tpu.memory_space<vmem>>
      %dma_start3A_649 = tpu.memref_squeeze %dma_start3A_648 : memref<1x80xi32, #tpu.memory_space<vmem>> -> memref<80xi32, #tpu.memory_space<vmem>>
      %dma_start3A_650 = arith.constant 0 : i32
      %dma_start3A_651 = arith.constant 0 : i32
      %dma_start3A_652 = tpu.memref_slice %arg10[%dma_start3A_650, %dma_start3A_651] : memref<10000x128xf32, #tpu.memory_space<vmem_shared>> -> memref<10000x128xf32, #tpu.memory_space<vmem_shared>>
      tpu.enqueue_indirect_dma source(%dma_start3A_646 : memref<80x128xf32, #tpu.memory_space<vmem>>) target(%dma_start3A_652 : memref<10000x128xf32, #tpu.memory_space<vmem_shared>>) offsets(%dma_start3A_649 : memref<80xi32, #tpu.memory_space<vmem>>) semaphore(%arg14 : memref<!tpu.dma_semaphore, #tpu.memory_space<semaphore_mem>>) {add = true}
      %dma_wait3A_653 = arith.constant 2 : i32
      %dma_wait3A_654 = arith.constant 2 : i32
      %dma_wait3A_655 = arith.constant 0 : i32
      %dma_wait3A_656 = arith.constant 0 : i32
      %dma_wait3A_657 = tpu.memref_slice %arg9[%dma_wait3A_653, %dma_wait3A_655, %dma_wait3A_656] : memref<3x80x128xf32, #tpu.memory_space<vmem>> -> memref<1x80x128xf32, #tpu.memory_space<vmem>>
      %dma_wait3A_658 = tpu.memref_squeeze %dma_wait3A_657 : memref<1x80x128xf32, #tpu.memory_space<vmem>> -> memref<80x128xf32, #tpu.memory_space<vmem>>
      %dma_wait3A_659 = arith.constant 0 : i32
      %dma_wait3A_660 = tpu.memref_slice %arg7[%dma_wait3A_654, %dma_wait3A_659] : memref<3x80xi32, #tpu.memory_space<vmem>> -> memref<1x80xi32, #tpu.memory_space<vmem>>
      %dma_wait3A_661 = tpu.memref_squeeze %dma_wait3A_660 : memref<1x80xi32, #tpu.memory_space<vmem>> -> memref<80xi32, #tpu.memory_space<vmem>>
      %dma_wait3A_662 = arith.constant 0 : i32
      %dma_wait3A_663 = arith.constant 0 : i32
      %dma_wait3A_664 = tpu.memref_slice %arg10[%dma_wait3A_662, %dma_wait3A_663] : memref<10000x128xf32, #tpu.memory_space<vmem_shared>> -> memref<10000x128xf32, #tpu.memory_space<vmem_shared>>
      tpu.wait_indirect_dma semaphore(%arg16 : memref<!tpu.dma_semaphore, #tpu.memory_space<semaphore_mem>>) src(%dma_wait3A_658 : memref<80x128xf32, #tpu.memory_space<vmem>>) dst(%dma_wait3A_664 : memref<10000x128xf32, #tpu.memory_space<vmem_shared>>)
      %add3A_665 = arith.constant 2 : i32
      %add3A_666 = arith.addi %add3A_603, %add3A_665 : i32
      %lt3A_667 = arith.constant 125 : i32
      %lt3A_668 = arith.cmpi slt, %add3A_666, %lt3A_667 : i32
      %convert_element_type3A_669 = arith.extui %lt3A_668 : i1 to i32
      %cond3A_670 = arith.constant 0 : i32
      %cond3A_671 = arith.cmpi ne, %convert_element_type3A_669, %cond3A_670 : i32
      scf.if %cond3A_671 {
        %add3A_673 = arith.constant 2 : i32
        %add3A_674 = arith.addi %add3A_603, %add3A_673 : i32
        %mul3A_675 = arith.constant 80 : i32
        %mul3A_676 = arith.muli %add3A_674, %mul3A_675 : i32
        %add3A_677 = arith.addi %mul3A_2, %mul3A_676 : i32
        %add3A_678 = arith.constant 320000 : i32
        %add3A_679 = arith.addi %add3A_678, %add3A_677 : i32
        %dma_start3A_680 = arith.constant 2 : i32
        %dma_start3A_681 = arith.constant 0 : i32
        %dma_start3A_682 = tpu.memref_slice %arg7[%dma_start3A_680, %dma_start3A_681] : memref<3x80xi32, #tpu.memory_space<vmem>> -> memref<1x80xi32, #tpu.memory_space<vmem>>
        %dma_start3A_683 = tpu.memref_squeeze %dma_start3A_682 : memref<1x80xi32, #tpu.memory_space<vmem>> -> memref<80xi32, #tpu.memory_space<vmem>>
        %dma_start3A_684 = tpu.memref_slice %arg3[%add3A_679] : memref<640000xi32, #tpu.memory_space<hbm>> -> memref<80xi32, #tpu.memory_space<hbm>>
        %dma_start3A_685 = arith.constant 0 : i32
        %dma_start3A_686 = tpu.memref_slice %arg7[%dma_start3A_680, %dma_start3A_685] : memref<3x80xi32, #tpu.memory_space<vmem>> -> memref<1x80xi32, #tpu.memory_space<vmem>>
        %dma_start3A_687 = tpu.memref_squeeze %dma_start3A_686 : memref<1x80xi32, #tpu.memory_space<vmem>> -> memref<80xi32, #tpu.memory_space<vmem>>
        %dma_start3A_688 = tpu.memref_slice %arg3[%add3A_679] : memref<640000xi32, #tpu.memory_space<hbm>> -> memref<80xi32, #tpu.memory_space<hbm>>
        tpu.enqueue_dma source(%dma_start3A_688 : memref<80xi32, #tpu.memory_space<hbm>>) target(%dma_start3A_687 : memref<80xi32, #tpu.memory_space<vmem>>) target_semaphore(%arg19 : memref<!tpu.dma_semaphore, #tpu.memory_space<semaphore_mem>>)
        %dma_start3A_689 = arith.constant 2 : i32
        %dma_start3A_690 = arith.constant 0 : i32
        %dma_start3A_691 = tpu.memref_slice %arg8[%dma_start3A_689, %dma_start3A_690] : memref<3x80xf32, #tpu.memory_space<vmem>> -> memref<1x80xf32, #tpu.memory_space<vmem>>
        %dma_start3A_692 = tpu.memref_squeeze %dma_start3A_691 : memref<1x80xf32, #tpu.memory_space<vmem>> -> memref<80xf32, #tpu.memory_space<vmem>>
        %dma_start3A_693 = tpu.memref_slice %arg4[%add3A_677] : memref<320000xf32, #tpu.memory_space<hbm>> -> memref<80xf32, #tpu.memory_space<hbm>>
        %dma_start3A_694 = arith.constant 0 : i32
        %dma_start3A_695 = tpu.memref_slice %arg8[%dma_start3A_689, %dma_start3A_694] : memref<3x80xf32, #tpu.memory_space<vmem>> -> memref<1x80xf32, #tpu.memory_space<vmem>>
        %dma_start3A_696 = tpu.memref_squeeze %dma_start3A_695 : memref<1x80xf32, #tpu.memory_space<vmem>> -> memref<80xf32, #tpu.memory_space<vmem>>
        %dma_start3A_697 = tpu.memref_slice %arg4[%add3A_677] : memref<320000xf32, #tpu.memory_space<hbm>> -> memref<80xf32, #tpu.memory_space<hbm>>
        tpu.enqueue_dma source(%dma_start3A_697 : memref<80xf32, #tpu.memory_space<hbm>>) target(%dma_start3A_696 : memref<80xf32, #tpu.memory_space<vmem>>) target_semaphore(%arg19 : memref<!tpu.dma_semaphore, #tpu.memory_space<semaphore_mem>>)
        %add3A_698 = arith.constant 2 : i32
        %add3A_699 = arith.addi %add3A_603, %add3A_698 : i32
        %mul3A_700 = arith.constant 80 : i32
        %mul3A_701 = arith.muli %add3A_699, %mul3A_700 : i32
        %dma_start3A_702 = arith.constant 2 : i32
        %dma_start3A_703 = arith.constant 0 : i32
        %dma_start3A_704 = arith.constant 0 : i32
        %dma_start3A_705 = tpu.memref_slice %arg9[%dma_start3A_702, %dma_start3A_703, %dma_start3A_704] : memref<3x80x128xf32, #tpu.memory_space<vmem>> -> memref<1x80x128xf32, #tpu.memory_space<vmem>>
        %dma_start3A_706 = tpu.memref_squeeze %dma_start3A_705 : memref<1x80x128xf32, #tpu.memory_space<vmem>> -> memref<80x128xf32, #tpu.memory_space<vmem>>
        %dma_start3A_707 = tpu.memref_slice %arg6[%mul3A_701] : memref<10000xi32, #tpu.memory_space<vmem>> -> memref<80xi32, #tpu.memory_space<vmem>>
        %dma_start3A_708 = arith.constant 0 : i32
        %dma_start3A_709 = arith.constant 0 : i32
        %dma_start3A_710 = tpu.memref_slice %arg2[%dma_start3A_708, %dma_start3A_709] : memref<10000x128xf32, #tpu.memory_space<hbm>> -> memref<10000x128xf32, #tpu.memory_space<hbm>>
        tpu.enqueue_indirect_dma source(%dma_start3A_710 : memref<10000x128xf32, #tpu.memory_space<hbm>>) target(%dma_start3A_706 : memref<80x128xf32, #tpu.memory_space<vmem>>) offsets(%dma_start3A_707 : memref<80xi32, #tpu.memory_space<vmem>>) semaphore(%arg13 : memref<!tpu.dma_semaphore, #tpu.memory_space<semaphore_mem>>)
      } else {
      }
      %scan3A_672 = arith.constant 0 : i32
      scf.yield %scan3A_672 : i32
    }
    %scan3A_271 = arith.constant 41 : i32
    %dma_wait3A_272 = arith.constant 1 : i32
    %dma_wait3A_273 = arith.constant 0 : i32
    %dma_wait3A_274 = arith.constant 0 : i32
    %dma_wait3A_275 = tpu.memref_slice %arg9[%dma_wait3A_272, %dma_wait3A_273, %dma_wait3A_274] : memref<3x80x128xf32, #tpu.memory_space<vmem>> -> memref<1x80x128xf32, #tpu.memory_space<vmem>>
    %dma_wait3A_276 = tpu.memref_squeeze %dma_wait3A_275 : memref<1x80x128xf32, #tpu.memory_space<vmem>> -> memref<80x128xf32, #tpu.memory_space<vmem>>
    %dma_wait3A_277 = arith.constant 0 : i32
    %dma_wait3A_278 = tpu.memref_slice %arg6[%dma_wait3A_277] : memref<10000xi32, #tpu.memory_space<vmem>> -> memref<80xi32, #tpu.memory_space<vmem>>
    %dma_wait3A_279 = arith.constant 0 : i32
    %dma_wait3A_280 = arith.constant 0 : i32
    %dma_wait3A_281 = tpu.memref_slice %arg2[%dma_wait3A_279, %dma_wait3A_280] : memref<10000x128xf32, #tpu.memory_space<hbm>> -> memref<10000x128xf32, #tpu.memory_space<hbm>>
    tpu.wait_indirect_dma semaphore(%arg12 : memref<!tpu.dma_semaphore, #tpu.memory_space<semaphore_mem>>) src(%dma_wait3A_281 : memref<10000x128xf32, #tpu.memory_space<hbm>>) dst(%dma_wait3A_276 : memref<80x128xf32, #tpu.memory_space<vmem>>)
    %dma_wait3A_282 = arith.constant 1 : i32
    %dma_wait3A_283 = arith.constant 0 : i32
    %dma_wait3A_284 = tpu.memref_slice %arg7[%dma_wait3A_282, %dma_wait3A_283] : memref<3x80xi32, #tpu.memory_space<vmem>> -> memref<1x80xi32, #tpu.memory_space<vmem>>
    %dma_wait3A_285 = tpu.memref_squeeze %dma_wait3A_284 : memref<1x80xi32, #tpu.memory_space<vmem>> -> memref<80xi32, #tpu.memory_space<vmem>>
    %dma_wait3A_286 = arith.constant 0 : i32
    %dma_wait3A_287 = tpu.memref_slice %arg3[%dma_wait3A_286] : memref<640000xi32, #tpu.memory_space<hbm>> -> memref<80xi32, #tpu.memory_space<hbm>>
    %dma_wait3A_288 = arith.constant 0 : i32
    %dma_wait3A_289 = tpu.memref_slice %arg7[%dma_wait3A_282, %dma_wait3A_288] : memref<3x80xi32, #tpu.memory_space<vmem>> -> memref<1x80xi32, #tpu.memory_space<vmem>>
    %dma_wait3A_290 = tpu.memref_squeeze %dma_wait3A_289 : memref<1x80xi32, #tpu.memory_space<vmem>> -> memref<80xi32, #tpu.memory_space<vmem>>
    %dma_wait3A_291 = arith.constant 0 : i32
    %dma_wait3A_292 = tpu.memref_slice %arg3[%dma_wait3A_291] : memref<640000xi32, #tpu.memory_space<hbm>> -> memref<80xi32, #tpu.memory_space<hbm>>
    tpu.wait_dma2 semaphore(%arg18 : memref<!tpu.dma_semaphore, #tpu.memory_space<semaphore_mem>>) src(%dma_wait3A_292 : memref<80xi32, #tpu.memory_space<hbm>>) dst(%dma_wait3A_290 : memref<80xi32, #tpu.memory_space<vmem>>)
    %dma_wait3A_293 = arith.constant 1 : i32
    %dma_wait3A_294 = arith.constant 0 : i32
    %dma_wait3A_295 = tpu.memref_slice %arg8[%dma_wait3A_293, %dma_wait3A_294] : memref<3x80xf32, #tpu.memory_space<vmem>> -> memref<1x80xf32, #tpu.memory_space<vmem>>
    %dma_wait3A_296 = tpu.memref_squeeze %dma_wait3A_295 : memref<1x80xf32, #tpu.memory_space<vmem>> -> memref<80xf32, #tpu.memory_space<vmem>>
    %dma_wait3A_297 = arith.constant 0 : i32
    %dma_wait3A_298 = tpu.memref_slice %arg4[%dma_wait3A_297] : memref<320000xf32, #tpu.memory_space<hbm>> -> memref<80xf32, #tpu.memory_space<hbm>>
    %dma_wait3A_299 = arith.constant 0 : i32
    %dma_wait3A_300 = tpu.memref_slice %arg8[%dma_wait3A_293, %dma_wait3A_299] : memref<3x80xf32, #tpu.memory_space<vmem>> -> memref<1x80xf32, #tpu.memory_space<vmem>>
    %dma_wait3A_301 = tpu.memref_squeeze %dma_wait3A_300 : memref<1x80xf32, #tpu.memory_space<vmem>> -> memref<80xf32, #tpu.memory_space<vmem>>
    %dma_wait3A_302 = arith.constant 0 : i32
    %dma_wait3A_303 = tpu.memref_slice %arg4[%dma_wait3A_302] : memref<320000xf32, #tpu.memory_space<hbm>> -> memref<80xf32, #tpu.memory_space<hbm>>
    tpu.wait_dma2 semaphore(%arg18 : memref<!tpu.dma_semaphore, #tpu.memory_space<semaphore_mem>>) src(%dma_wait3A_303 : memref<80xf32, #tpu.memory_space<hbm>>) dst(%dma_wait3A_301 : memref<80xf32, #tpu.memory_space<vmem>>)
    %broadcast_in_dim3A_304 = arith.constant 1 : i32
    %broadcast_in_dim3A_305 = vector.broadcast %broadcast_in_dim3A_304 : i32 to vector<16xi32>
    %parallel_loop3A_306 = arith.constant 0 : i32
    %parallel_loop3A_307 = arith.constant 80 : i32
    %parallel_loop3A_308 = arith.constant 1 : i32
    scf.for %parallel_loop3A_458 = %parallel_loop3A_306 to %parallel_loop3A_307 step %parallel_loop3A_308  : i32 {
      %parallel_loop3A_459 = arith.constant 0 : i32
      %parallel_loop3A_460 = vector.broadcast %parallel_loop3A_459 : i32 to vector<16xi32>
      %parallel_loop3A_461 = vector.broadcast %parallel_loop3A_458 : i32 to vector<16xi32>
      %parallel_loop3A_462 = arith.addi %parallel_loop3A_460, %parallel_loop3A_461 : vector<16xi32>
      %parallel_loop3A_463 = tpu.vector_load_idx %arg8[%broadcast_in_dim3A_305, %parallel_loop3A_462] : memref<3x80xf32, #tpu.memory_space<vmem>>[vector<16xi32>, vector<16xi32>], vector<16xf32>,
      %parallel_loop3A_464 = arith.constant 1 : i32
      %parallel_loop3A_465 = arith.index_cast %parallel_loop3A_464 : i32 to index
      %parallel_loop3A_466 = arith.index_cast %parallel_loop3A_458 : i32 to index
      %parallel_loop3A_467 = arith.constant 0 : index
      %parallel_loop3A_468 = tpu.vector_load %arg9[%parallel_loop3A_465, %parallel_loop3A_466, %parallel_loop3A_467] {strides = array<i32>} : memref<3x80x128xf32, #tpu.memory_space<vmem>>, vector<16xf32>,
      %parallel_loop3A_469 = arith.mulf %parallel_loop3A_468, %parallel_loop3A_463 : vector<16xf32>
      %parallel_loop3A_470 = arith.constant 1 : i32
      %parallel_loop3A_471 = arith.index_cast %parallel_loop3A_470 : i32 to index
      %parallel_loop3A_472 = arith.index_cast %parallel_loop3A_458 : i32 to index
      %parallel_loop3A_473 = arith.constant 0 : index
      %parallel_loop3A_474 = tpu.vector_load %arg9[%parallel_loop3A_471, %parallel_loop3A_472, %parallel_loop3A_473] {strides = array<i32>} : memref<3x80x128xf32, #tpu.memory_space<vmem>>, vector<16xf32>,
      tpu.vector_store %arg9[%parallel_loop3A_471, %parallel_loop3A_472, %parallel_loop3A_473], %parallel_loop3A_469 {strides = array<i32>} : memref<3x80x128xf32, #tpu.memory_space<vmem>>, vector<16xf32>,
      %parallel_loop3A_475 = arith.constant 1 : i32
      %parallel_loop3A_476 = arith.index_cast %parallel_loop3A_475 : i32 to index
      %parallel_loop3A_477 = arith.index_cast %parallel_loop3A_458 : i32 to index
      %parallel_loop3A_478 = arith.constant 16 : index
      %parallel_loop3A_479 = tpu.vector_load %arg9[%parallel_loop3A_476, %parallel_loop3A_477, %parallel_loop3A_478] {strides = array<i32>} : memref<3x80x128xf32, #tpu.memory_space<vmem>>, vector<16xf32>,
      %parallel_loop3A_480 = arith.mulf %parallel_loop3A_479, %parallel_loop3A_463 : vector<16xf32>
      %parallel_loop3A_481 = arith.constant 1 : i32
      %parallel_loop3A_482 = arith.index_cast %parallel_loop3A_481 : i32 to index
      %parallel_loop3A_483 = arith.index_cast %parallel_loop3A_458 : i32 to index
      %parallel_loop3A_484 = arith.constant 16 : index
      %parallel_loop3A_485 = tpu.vector_load %arg9[%parallel_loop3A_482, %parallel_loop3A_483, %parallel_loop3A_484] {strides = array<i32>} : memref<3x80x128xf32, #tpu.memory_space<vmem>>, vector<16xf32>,
      tpu.vector_store %arg9[%parallel_loop3A_482, %parallel_loop3A_483, %parallel_loop3A_484], %parallel_loop3A_480 {strides = array<i32>} : memref<3x80x128xf32, #tpu.memory_space<vmem>>, vector<16xf32>,
      %parallel_loop3A_486 = arith.constant 1 : i32
      %parallel_loop3A_487 = arith.index_cast %parallel_loop3A_486 : i32 to index
      %parallel_loop3A_488 = arith.index_cast %parallel_loop3A_458 : i32 to index
      %parallel_loop3A_489 = arith.constant 32 : index
      %parallel_loop3A_490 = tpu.vector_load %arg9[%parallel_loop3A_487, %parallel_loop3A_488, %parallel_loop3A_489] {strides = array<i32>} : memref<3x80x128xf32, #tpu.memory_space<vmem>>, vector<16xf32>,
      %parallel_loop3A_491 = arith.mulf %parallel_loop3A_490, %parallel_loop3A_463 : vector<16xf32>
      %parallel_loop3A_492 = arith.constant 1 : i32
      %parallel_loop3A_493 = arith.index_cast %parallel_loop3A_492 : i32 to index
      %parallel_loop3A_494 = arith.index_cast %parallel_loop3A_458 : i32 to index
      %parallel_loop3A_495 = arith.constant 32 : index
      %parallel_loop3A_496 = tpu.vector_load %arg9[%parallel_loop3A_493, %parallel_loop3A_494, %parallel_loop3A_495] {strides = array<i32>} : memref<3x80x128xf32, #tpu.memory_space<vmem>>, vector<16xf32>,
      tpu.vector_store %arg9[%parallel_loop3A_493, %parallel_loop3A_494, %parallel_loop3A_495], %parallel_loop3A_491 {strides = array<i32>} : memref<3x80x128xf32, #tpu.memory_space<vmem>>, vector<16xf32>,
      %parallel_loop3A_497 = arith.constant 1 : i32
      %parallel_loop3A_498 = arith.index_cast %parallel_loop3A_497 : i32 to index
      %parallel_loop3A_499 = arith.index_cast %parallel_loop3A_458 : i32 to index
      %parallel_loop3A_500 = arith.constant 48 : index
      %parallel_loop3A_501 = tpu.vector_load %arg9[%parallel_loop3A_498, %parallel_loop3A_499, %parallel_loop3A_500] {strides = array<i32>} : memref<3x80x128xf32, #tpu.memory_space<vmem>>, vector<16xf32>,
      %parallel_loop3A_502 = arith.mulf %parallel_loop3A_501, %parallel_loop3A_463 : vector<16xf32>
      %parallel_loop3A_503 = arith.constant 1 : i32
      %parallel_loop3A_504 = arith.index_cast %parallel_loop3A_503 : i32 to index
      %parallel_loop3A_505 = arith.index_cast %parallel_loop3A_458 : i32 to index
      %parallel_loop3A_506 = arith.constant 48 : index
      %parallel_loop3A_507 = tpu.vector_load %arg9[%parallel_loop3A_504, %parallel_loop3A_505, %parallel_loop3A_506] {strides = array<i32>} : memref<3x80x128xf32, #tpu.memory_space<vmem>>, vector<16xf32>,
      tpu.vector_store %arg9[%parallel_loop3A_504, %parallel_loop3A_505, %parallel_loop3A_506], %parallel_loop3A_502 {strides = array<i32>} : memref<3x80x128xf32, #tpu.memory_space<vmem>>, vector<16xf32>,
      %parallel_loop3A_508 = arith.constant 1 : i32
      %parallel_loop3A_509 = arith.index_cast %parallel_loop3A_508 : i32 to index
      %parallel_loop3A_510 = arith.index_cast %parallel_loop3A_458 : i32 to index
      %parallel_loop3A_511 = arith.constant 64 : index
      %parallel_loop3A_512 = tpu.vector_load %arg9[%parallel_loop3A_509, %parallel_loop3A_510, %parallel_loop3A_511] {strides = array<i32>} : memref<3x80x128xf32, #tpu.memory_space<vmem>>, vector<16xf32>,
      %parallel_loop3A_513 = arith.mulf %parallel_loop3A_512, %parallel_loop3A_463 : vector<16xf32>
      %parallel_loop3A_514 = arith.constant 1 : i32
      %parallel_loop3A_515 = arith.index_cast %parallel_loop3A_514 : i32 to index
      %parallel_loop3A_516 = arith.index_cast %parallel_loop3A_458 : i32 to index
      %parallel_loop3A_517 = arith.constant 64 : index
      %parallel_loop3A_518 = tpu.vector_load %arg9[%parallel_loop3A_515, %parallel_loop3A_516, %parallel_loop3A_517] {strides = array<i32>} : memref<3x80x128xf32, #tpu.memory_space<vmem>>, vector<16xf32>,
      tpu.vector_store %arg9[%parallel_loop3A_515, %parallel_loop3A_516, %parallel_loop3A_517], %parallel_loop3A_513 {strides = array<i32>} : memref<3x80x128xf32, #tpu.memory_space<vmem>>, vector<16xf32>,
      %parallel_loop3A_519 = arith.constant 1 : i32
      %parallel_loop3A_520 = arith.index_cast %parallel_loop3A_519 : i32 to index
      %parallel_loop3A_521 = arith.index_cast %parallel_loop3A_458 : i32 to index
      %parallel_loop3A_522 = arith.constant 80 : index
      %parallel_loop3A_523 = tpu.vector_load %arg9[%parallel_loop3A_520, %parallel_loop3A_521, %parallel_loop3A_522] {strides = array<i32>} : memref<3x80x128xf32, #tpu.memory_space<vmem>>, vector<16xf32>,
      %parallel_loop3A_524 = arith.mulf %parallel_loop3A_523, %parallel_loop3A_463 : vector<16xf32>
      %parallel_loop3A_525 = arith.constant 1 : i32
      %parallel_loop3A_526 = arith.index_cast %parallel_loop3A_525 : i32 to index
      %parallel_loop3A_527 = arith.index_cast %parallel_loop3A_458 : i32 to index
      %parallel_loop3A_528 = arith.constant 80 : index
      %parallel_loop3A_529 = tpu.vector_load %arg9[%parallel_loop3A_526, %parallel_loop3A_527, %parallel_loop3A_528] {strides = array<i32>} : memref<3x80x128xf32, #tpu.memory_space<vmem>>, vector<16xf32>,
      tpu.vector_store %arg9[%parallel_loop3A_526, %parallel_loop3A_527, %parallel_loop3A_528], %parallel_loop3A_524 {strides = array<i32>} : memref<3x80x128xf32, #tpu.memory_space<vmem>>, vector<16xf32>,
      %parallel_loop3A_530 = arith.constant 1 : i32
      %parallel_loop3A_531 = arith.index_cast %parallel_loop3A_530 : i32 to index
      %parallel_loop3A_532 = arith.index_cast %parallel_loop3A_458 : i32 to index
      %parallel_loop3A_533 = arith.constant 96 : index
      %parallel_loop3A_534 = tpu.vector_load %arg9[%parallel_loop3A_531, %parallel_loop3A_532, %parallel_loop3A_533] {strides = array<i32>} : memref<3x80x128xf32, #tpu.memory_space<vmem>>, vector<16xf32>,
      %parallel_loop3A_535 = arith.mulf %parallel_loop3A_534, %parallel_loop3A_463 : vector<16xf32>
      %parallel_loop3A_536 = arith.constant 1 : i32
      %parallel_loop3A_537 = arith.index_cast %parallel_loop3A_536 : i32 to index
      %parallel_loop3A_538 = arith.index_cast %parallel_loop3A_458 : i32 to index
      %parallel_loop3A_539 = arith.constant 96 : index
      %parallel_loop3A_540 = tpu.vector_load %arg9[%parallel_loop3A_537, %parallel_loop3A_538, %parallel_loop3A_539] {strides = array<i32>} : memref<3x80x128xf32, #tpu.memory_space<vmem>>, vector<16xf32>,
      tpu.vector_store %arg9[%parallel_loop3A_537, %parallel_loop3A_538, %parallel_loop3A_539], %parallel_loop3A_535 {strides = array<i32>} : memref<3x80x128xf32, #tpu.memory_space<vmem>>, vector<16xf32>,
      %parallel_loop3A_541 = arith.constant 1 : i32
      %parallel_loop3A_542 = arith.index_cast %parallel_loop3A_541 : i32 to index
      %parallel_loop3A_543 = arith.index_cast %parallel_loop3A_458 : i32 to index
      %parallel_loop3A_544 = arith.constant 112 : index
      %parallel_loop3A_545 = tpu.vector_load %arg9[%parallel_loop3A_542, %parallel_loop3A_543, %parallel_loop3A_544] {strides = array<i32>} : memref<3x80x128xf32, #tpu.memory_space<vmem>>, vector<16xf32>,
      %parallel_loop3A_546 = arith.mulf %parallel_loop3A_545, %parallel_loop3A_463 : vector<16xf32>
      %parallel_loop3A_547 = arith.constant 1 : i32
      %parallel_loop3A_548 = arith.index_cast %parallel_loop3A_547 : i32 to index
      %parallel_loop3A_549 = arith.index_cast %parallel_loop3A_458 : i32 to index
      %parallel_loop3A_550 = arith.constant 112 : index
      %parallel_loop3A_551 = tpu.vector_load %arg9[%parallel_loop3A_548, %parallel_loop3A_549, %parallel_loop3A_550] {strides = array<i32>} : memref<3x80x128xf32, #tpu.memory_space<vmem>>, vector<16xf32>,
      tpu.vector_store %arg9[%parallel_loop3A_548, %parallel_loop3A_549, %parallel_loop3A_550], %parallel_loop3A_546 {strides = array<i32>} : memref<3x80x128xf32, #tpu.memory_space<vmem>>, vector<16xf32>,
    } {sc.loop_unroll_factor = 4 : i64, sc.parallel_access}
    %dma_start3A_309 = arith.constant 1 : i32
    %dma_start3A_310 = arith.constant 1 : i32
    %dma_start3A_311 = arith.constant 0 : i32
    %dma_start3A_312 = arith.constant 0 : i32
    %dma_start3A_313 = tpu.memref_slice %arg9[%dma_start3A_309, %dma_start3A_311, %dma_start3A_312] : memref<3x80x128xf32, #tpu.memory_space<vmem>> -> memref<1x80x128xf32, #tpu.memory_space<vmem>>
    %dma_start3A_314 = tpu.memref_squeeze %dma_start3A_313 : memref<1x80x128xf32, #tpu.memory_space<vmem>> -> memref<80x128xf32, #tpu.memory_space<vmem>>
    %dma_start3A_315 = arith.constant 0 : i32
    %dma_start3A_316 = tpu.memref_slice %arg7[%dma_start3A_310, %dma_start3A_315] : memref<3x80xi32, #tpu.memory_space<vmem>> -> memref<1x80xi32, #tpu.memory_space<vmem>>
    %dma_start3A_317 = tpu.memref_squeeze %dma_start3A_316 : memref<1x80xi32, #tpu.memory_space<vmem>> -> memref<80xi32, #tpu.memory_space<vmem>>
    %dma_start3A_318 = arith.constant 0 : i32
    %dma_start3A_319 = arith.constant 0 : i32
    %dma_start3A_320 = tpu.memref_slice %arg10[%dma_start3A_318, %dma_start3A_319] : memref<10000x128xf32, #tpu.memory_space<vmem_shared>> -> memref<10000x128xf32, #tpu.memory_space<vmem_shared>>
    tpu.enqueue_indirect_dma source(%dma_start3A_314 : memref<80x128xf32, #tpu.memory_space<vmem>>) target(%dma_start3A_320 : memref<10000x128xf32, #tpu.memory_space<vmem_shared>>) offsets(%dma_start3A_317 : memref<80xi32, #tpu.memory_space<vmem>>) semaphore(%arg15 : memref<!tpu.dma_semaphore, #tpu.memory_space<semaphore_mem>>) {add = true}
    %dma_wait3A_321 = arith.constant 0 : i32
    %dma_wait3A_322 = arith.constant 0 : i32
    %dma_wait3A_323 = arith.constant 0 : i32
    %dma_wait3A_324 = arith.constant 0 : i32
    %dma_wait3A_325 = tpu.memref_slice %arg9[%dma_wait3A_321, %dma_wait3A_323, %dma_wait3A_324] : memref<3x80x128xf32, #tpu.memory_space<vmem>> -> memref<1x80x128xf32, #tpu.memory_space<vmem>>
    %dma_wait3A_326 = tpu.memref_squeeze %dma_wait3A_325 : memref<1x80x128xf32, #tpu.memory_space<vmem>> -> memref<80x128xf32, #tpu.memory_space<vmem>>
    %dma_wait3A_327 = arith.constant 0 : i32
    %dma_wait3A_328 = tpu.memref_slice %arg7[%dma_wait3A_322, %dma_wait3A_327] : memref<3x80xi32, #tpu.memory_space<vmem>> -> memref<1x80xi32, #tpu.memory_space<vmem>>
    %dma_wait3A_329 = tpu.memref_squeeze %dma_wait3A_328 : memref<1x80xi32, #tpu.memory_space<vmem>> -> memref<80xi32, #tpu.memory_space<vmem>>
    %dma_wait3A_330 = arith.constant 0 : i32
    %dma_wait3A_331 = arith.constant 0 : i32
    %dma_wait3A_332 = tpu.memref_slice %arg10[%dma_wait3A_330, %dma_wait3A_331] : memref<10000x128xf32, #tpu.memory_space<vmem_shared>> -> memref<10000x128xf32, #tpu.memory_space<vmem_shared>>
    tpu.wait_indirect_dma semaphore(%arg14 : memref<!tpu.dma_semaphore, #tpu.memory_space<semaphore_mem>>) src(%dma_wait3A_326 : memref<80x128xf32, #tpu.memory_space<vmem>>) dst(%dma_wait3A_332 : memref<10000x128xf32, #tpu.memory_space<vmem_shared>>)
    %dma_wait3A_333 = arith.constant 1 : i32
    %dma_wait3A_334 = arith.constant 1 : i32
    %dma_wait3A_335 = arith.constant 0 : i32
    %dma_wait3A_336 = arith.constant 0 : i32
    %dma_wait3A_337 = tpu.memref_slice %arg9[%dma_wait3A_333, %dma_wait3A_335, %dma_wait3A_336] : memref<3x80x128xf32, #tpu.memory_space<vmem>> -> memref<1x80x128xf32, #tpu.memory_space<vmem>>
    %dma_wait3A_338 = tpu.memref_squeeze %dma_wait3A_337 : memref<1x80x128xf32, #tpu.memory_space<vmem>> -> memref<80x128xf32, #tpu.memory_space<vmem>>
    %dma_wait3A_339 = arith.constant 0 : i32
    %dma_wait3A_340 = tpu.memref_slice %arg7[%dma_wait3A_334, %dma_wait3A_339] : memref<3x80xi32, #tpu.memory_space<vmem>> -> memref<1x80xi32, #tpu.memory_space<vmem>>
    %dma_wait3A_341 = tpu.memref_squeeze %dma_wait3A_340 : memref<1x80xi32, #tpu.memory_space<vmem>> -> memref<80xi32, #tpu.memory_space<vmem>>
    %dma_wait3A_342 = arith.constant 0 : i32
    %dma_wait3A_343 = arith.constant 0 : i32
    %dma_wait3A_344 = tpu.memref_slice %arg10[%dma_wait3A_342, %dma_wait3A_343] : memref<10000x128xf32, #tpu.memory_space<vmem_shared>> -> memref<10000x128xf32, #tpu.memory_space<vmem_shared>>
    tpu.wait_indirect_dma semaphore(%arg15 : memref<!tpu.dma_semaphore, #tpu.memory_space<semaphore_mem>>) src(%dma_wait3A_338 : memref<80x128xf32, #tpu.memory_space<vmem>>) dst(%dma_wait3A_344 : memref<10000x128xf32, #tpu.memory_space<vmem_shared>>)
    %barrier3A_345 = arith.constant 0 : index
    tpu.barrier barrier_id(%barrier3A_345)
    %add3A_346 = arith.constant 0 : i32
    %add3A_347 = arith.addi %add3A_346, %arg1 : i32
    %lt3A_348 = arith.constant 125 : i32
    %lt3A_349 = arith.cmpi slt, %add3A_347, %lt3A_348 : i32
    %convert_element_type3A_350 = arith.extui %lt3A_349 : i1 to i32
    %cond3A_351 = arith.constant 0 : i32
    %cond3A_352 = arith.cmpi ne, %convert_element_type3A_350, %cond3A_351 : i32
    scf.if %cond3A_352 {
      %mul3A_458 = arith.constant 80 : i32
      %mul3A_459 = arith.muli %add3A_347, %mul3A_458 : i32
      %mul3A_460 = arith.constant 80 : i32
      %mul3A_461 = arith.muli %add3A_347, %mul3A_460 : i32
      %dma_start3A_462 = arith.constant 0 : i32
      %dma_start3A_463 = tpu.memref_slice %arg5[%arg0, %mul3A_461, %dma_start3A_462] : memref<2x10000x128xf32, #tpu.memory_space<hbm>> -> memref<1x80x128xf32, #tpu.memory_space<hbm>>
      %dma_start3A_464 = tpu.memref_squeeze %dma_start3A_463 : memref<1x80x128xf32, #tpu.memory_space<hbm>> -> memref<80x128xf32, #tpu.memory_space<hbm>>
      %dma_start3A_465 = arith.constant 0 : i32
      %dma_start3A_466 = tpu.memref_slice %arg10[%mul3A_459, %dma_start3A_465] : memref<10000x128xf32, #tpu.memory_space<vmem_shared>> -> memref<80x128xf32, #tpu.memory_space<vmem_shared>>
      tpu.enqueue_dma source(%dma_start3A_466 : memref<80x128xf32, #tpu.memory_space<vmem_shared>>) target(%dma_start3A_464 : memref<80x128xf32, #tpu.memory_space<hbm>>) target_semaphore(%arg11 : memref<!tpu.dma_semaphore, #tpu.memory_space<semaphore_mem>>)
    } else {
    }
    %add3A_353 = arith.constant 16 : i32
    %add3A_354 = arith.addi %add3A_353, %arg1 : i32
    %lt3A_355 = arith.constant 125 : i32
    %lt3A_356 = arith.cmpi slt, %add3A_354, %lt3A_355 : i32
    %convert_element_type3A_357 = arith.extui %lt3A_356 : i1 to i32
    %cond3A_358 = arith.constant 0 : i32
    %cond3A_359 = arith.cmpi ne, %convert_element_type3A_357, %cond3A_358 : i32
    scf.if %cond3A_359 {
      %mul3A_458 = arith.constant 80 : i32
      %mul3A_459 = arith.muli %add3A_354, %mul3A_458 : i32
      %mul3A_460 = arith.constant 80 : i32
      %mul3A_461 = arith.muli %add3A_354, %mul3A_460 : i32
      %dma_start3A_462 = arith.constant 0 : i32
      %dma_start3A_463 = tpu.memref_slice %arg5[%arg0, %mul3A_461, %dma_start3A_462] : memref<2x10000x128xf32, #tpu.memory_space<hbm>> -> memref<1x80x128xf32, #tpu.memory_space<hbm>>
      %dma_start3A_464 = tpu.memref_squeeze %dma_start3A_463 : memref<1x80x128xf32, #tpu.memory_space<hbm>> -> memref<80x128xf32, #tpu.memory_space<hbm>>
      %dma_start3A_465 = arith.constant 0 : i32
      %dma_start3A_466 = tpu.memref_slice %arg10[%mul3A_459, %dma_start3A_465] : memref<10000x128xf32, #tpu.memory_space<vmem_shared>> -> memref<80x128xf32, #tpu.memory_space<vmem_shared>>
      tpu.enqueue_dma source(%dma_start3A_466 : memref<80x128xf32, #tpu.memory_space<vmem_shared>>) target(%dma_start3A_464 : memref<80x128xf32, #tpu.memory_space<hbm>>) target_semaphore(%arg12 : memref<!tpu.dma_semaphore, #tpu.memory_space<semaphore_mem>>)
    } else {
    }
    %add3A_360 = arith.constant 32 : i32
    %add3A_361 = arith.addi %add3A_360, %arg1 : i32
    %lt3A_362 = arith.constant 125 : i32
    %lt3A_363 = arith.cmpi slt, %add3A_361, %lt3A_362 : i32
    %convert_element_type3A_364 = arith.extui %lt3A_363 : i1 to i32
    %cond3A_365 = arith.constant 0 : i32
    %cond3A_366 = arith.cmpi ne, %convert_element_type3A_364, %cond3A_365 : i32
    scf.if %cond3A_366 {
      %mul3A_458 = arith.constant 80 : i32
      %mul3A_459 = arith.muli %add3A_361, %mul3A_458 : i32
      %mul3A_460 = arith.constant 80 : i32
      %mul3A_461 = arith.muli %add3A_361, %mul3A_460 : i32
      %dma_start3A_462 = arith.constant 0 : i32
      %dma_start3A_463 = tpu.memref_slice %arg5[%arg0, %mul3A_461, %dma_start3A_462] : memref<2x10000x128xf32, #tpu.memory_space<hbm>> -> memref<1x80x128xf32, #tpu.memory_space<hbm>>
      %dma_start3A_464 = tpu.memref_squeeze %dma_start3A_463 : memref<1x80x128xf32, #tpu.memory_space<hbm>> -> memref<80x128xf32, #tpu.memory_space<hbm>>
      %dma_start3A_465 = arith.constant 0 : i32
      %dma_start3A_466 = tpu.memref_slice %arg10[%mul3A_459, %dma_start3A_465] : memref<10000x128xf32, #tpu.memory_space<vmem_shared>> -> memref<80x128xf32, #tpu.memory_space<vmem_shared>>
      tpu.enqueue_dma source(%dma_start3A_466 : memref<80x128xf32, #tpu.memory_space<vmem_shared>>) target(%dma_start3A_464 : memref<80x128xf32, #tpu.memory_space<hbm>>) target_semaphore(%arg13 : memref<!tpu.dma_semaphore, #tpu.memory_space<semaphore_mem>>)
    } else {
    }
    %add3A_367 = arith.constant 48 : i32
    %add3A_368 = arith.addi %add3A_367, %arg1 : i32
    %lt3A_369 = arith.constant 125 : i32
    %lt3A_370 = arith.cmpi slt, %add3A_368, %lt3A_369 : i32
    %convert_element_type3A_371 = arith.extui %lt3A_370 : i1 to i32
    %cond3A_372 = arith.constant 0 : i32
    %cond3A_373 = arith.cmpi ne, %convert_element_type3A_371, %cond3A_372 : i32
    scf.if %cond3A_373 {
      %mul3A_458 = arith.constant 80 : i32
      %mul3A_459 = arith.muli %add3A_368, %mul3A_458 : i32
      %mul3A_460 = arith.constant 80 : i32
      %mul3A_461 = arith.muli %add3A_368, %mul3A_460 : i32
      %dma_start3A_462 = arith.constant 0 : i32
      %dma_start3A_463 = tpu.memref_slice %arg5[%arg0, %mul3A_461, %dma_start3A_462] : memref<2x10000x128xf32, #tpu.memory_space<hbm>> -> memref<1x80x128xf32, #tpu.memory_space<hbm>>
      %dma_start3A_464 = tpu.memref_squeeze %dma_start3A_463 : memref<1x80x128xf32, #tpu.memory_space<hbm>> -> memref<80x128xf32, #tpu.memory_space<hbm>>
      %dma_start3A_465 = arith.constant 0 : i32
      %dma_start3A_466 = tpu.memref_slice %arg10[%mul3A_459, %dma_start3A_465] : memref<10000x128xf32, #tpu.memory_space<vmem_shared>> -> memref<80x128xf32, #tpu.memory_space<vmem_shared>>
      tpu.enqueue_dma source(%dma_start3A_466 : memref<80x128xf32, #tpu.memory_space<vmem_shared>>) target(%dma_start3A_464 : memref<80x128xf32, #tpu.memory_space<hbm>>) target_semaphore(%arg11 : memref<!tpu.dma_semaphore, #tpu.memory_space<semaphore_mem>>)
    } else {
    }
    %add3A_374 = arith.constant 64 : i32
    %add3A_375 = arith.addi %add3A_374, %arg1 : i32
    %lt3A_376 = arith.constant 125 : i32
    %lt3A_377 = arith.cmpi slt, %add3A_375, %lt3A_376 : i32
    %convert_element_type3A_378 = arith.extui %lt3A_377 : i1 to i32
    %cond3A_379 = arith.constant 0 : i32
    %cond3A_380 = arith.cmpi ne, %convert_element_type3A_378, %cond3A_379 : i32
    scf.if %cond3A_380 {
      %mul3A_458 = arith.constant 80 : i32
      %mul3A_459 = arith.muli %add3A_375, %mul3A_458 : i32
      %mul3A_460 = arith.constant 80 : i32
      %mul3A_461 = arith.muli %add3A_375, %mul3A_460 : i32
      %dma_start3A_462 = arith.constant 0 : i32
      %dma_start3A_463 = tpu.memref_slice %arg5[%arg0, %mul3A_461, %dma_start3A_462] : memref<2x10000x128xf32, #tpu.memory_space<hbm>> -> memref<1x80x128xf32, #tpu.memory_space<hbm>>
      %dma_start3A_464 = tpu.memref_squeeze %dma_start3A_463 : memref<1x80x128xf32, #tpu.memory_space<hbm>> -> memref<80x128xf32, #tpu.memory_space<hbm>>
      %dma_start3A_465 = arith.constant 0 : i32
      %dma_start3A_466 = tpu.memref_slice %arg10[%mul3A_459, %dma_start3A_465] : memref<10000x128xf32, #tpu.memory_space<vmem_shared>> -> memref<80x128xf32, #tpu.memory_space<vmem_shared>>
      tpu.enqueue_dma source(%dma_start3A_466 : memref<80x128xf32, #tpu.memory_space<vmem_shared>>) target(%dma_start3A_464 : memref<80x128xf32, #tpu.memory_space<hbm>>) target_semaphore(%arg12 : memref<!tpu.dma_semaphore, #tpu.memory_space<semaphore_mem>>)
    } else {
    }
    %add3A_381 = arith.constant 80 : i32
    %add3A_382 = arith.addi %add3A_381, %arg1 : i32
    %lt3A_383 = arith.constant 125 : i32
    %lt3A_384 = arith.cmpi slt, %add3A_382, %lt3A_383 : i32
    %convert_element_type3A_385 = arith.extui %lt3A_384 : i1 to i32
    %cond3A_386 = arith.constant 0 : i32
    %cond3A_387 = arith.cmpi ne, %convert_element_type3A_385, %cond3A_386 : i32
    scf.if %cond3A_387 {
      %mul3A_458 = arith.constant 80 : i32
      %mul3A_459 = arith.muli %add3A_382, %mul3A_458 : i32
      %mul3A_460 = arith.constant 80 : i32
      %mul3A_461 = arith.muli %add3A_382, %mul3A_460 : i32
      %dma_start3A_462 = arith.constant 0 : i32
      %dma_start3A_463 = tpu.memref_slice %arg5[%arg0, %mul3A_461, %dma_start3A_462] : memref<2x10000x128xf32, #tpu.memory_space<hbm>> -> memref<1x80x128xf32, #tpu.memory_space<hbm>>
      %dma_start3A_464 = tpu.memref_squeeze %dma_start3A_463 : memref<1x80x128xf32, #tpu.memory_space<hbm>> -> memref<80x128xf32, #tpu.memory_space<hbm>>
      %dma_start3A_465 = arith.constant 0 : i32
      %dma_start3A_466 = tpu.memref_slice %arg10[%mul3A_459, %dma_start3A_465] : memref<10000x128xf32, #tpu.memory_space<vmem_shared>> -> memref<80x128xf32, #tpu.memory_space<vmem_shared>>
      tpu.enqueue_dma source(%dma_start3A_466 : memref<80x128xf32, #tpu.memory_space<vmem_shared>>) target(%dma_start3A_464 : memref<80x128xf32, #tpu.memory_space<hbm>>) target_semaphore(%arg13 : memref<!tpu.dma_semaphore, #tpu.memory_space<semaphore_mem>>)
    } else {
    }
    %add3A_388 = arith.constant 96 : i32
    %add3A_389 = arith.addi %add3A_388, %arg1 : i32
    %lt3A_390 = arith.constant 125 : i32
    %lt3A_391 = arith.cmpi slt, %add3A_389, %lt3A_390 : i32
    %convert_element_type3A_392 = arith.extui %lt3A_391 : i1 to i32
    %cond3A_393 = arith.constant 0 : i32
    %cond3A_394 = arith.cmpi ne, %convert_element_type3A_392, %cond3A_393 : i32
    scf.if %cond3A_394 {
      %mul3A_458 = arith.constant 80 : i32
      %mul3A_459 = arith.muli %add3A_389, %mul3A_458 : i32
      %mul3A_460 = arith.constant 80 : i32
      %mul3A_461 = arith.muli %add3A_389, %mul3A_460 : i32
      %dma_start3A_462 = arith.constant 0 : i32
      %dma_start3A_463 = tpu.memref_slice %arg5[%arg0, %mul3A_461, %dma_start3A_462] : memref<2x10000x128xf32, #tpu.memory_space<hbm>> -> memref<1x80x128xf32, #tpu.memory_space<hbm>>
      %dma_start3A_464 = tpu.memref_squeeze %dma_start3A_463 : memref<1x80x128xf32, #tpu.memory_space<hbm>> -> memref<80x128xf32, #tpu.memory_space<hbm>>
      %dma_start3A_465 = arith.constant 0 : i32
      %dma_start3A_466 = tpu.memref_slice %arg10[%mul3A_459, %dma_start3A_465] : memref<10000x128xf32, #tpu.memory_space<vmem_shared>> -> memref<80x128xf32, #tpu.memory_space<vmem_shared>>
      tpu.enqueue_dma source(%dma_start3A_466 : memref<80x128xf32, #tpu.memory_space<vmem_shared>>) target(%dma_start3A_464 : memref<80x128xf32, #tpu.memory_space<hbm>>) target_semaphore(%arg11 : memref<!tpu.dma_semaphore, #tpu.memory_space<semaphore_mem>>)
    } else {
    }
    %add3A_395 = arith.constant 112 : i32
    %add3A_396 = arith.addi %add3A_395, %arg1 : i32
    %lt3A_397 = arith.constant 125 : i32
    %lt3A_398 = arith.cmpi slt, %add3A_396, %lt3A_397 : i32
    %convert_element_type3A_399 = arith.extui %lt3A_398 : i1 to i32
    %cond3A_400 = arith.constant 0 : i32
    %cond3A_401 = arith.cmpi ne, %convert_element_type3A_399, %cond3A_400 : i32
    scf.if %cond3A_401 {
      %mul3A_458 = arith.constant 80 : i32
      %mul3A_459 = arith.muli %add3A_396, %mul3A_458 : i32
      %mul3A_460 = arith.constant 80 : i32
      %mul3A_461 = arith.muli %add3A_396, %mul3A_460 : i32
      %dma_start3A_462 = arith.constant 0 : i32
      %dma_start3A_463 = tpu.memref_slice %arg5[%arg0, %mul3A_461, %dma_start3A_462] : memref<2x10000x128xf32, #tpu.memory_space<hbm>> -> memref<1x80x128xf32, #tpu.memory_space<hbm>>
      %dma_start3A_464 = tpu.memref_squeeze %dma_start3A_463 : memref<1x80x128xf32, #tpu.memory_space<hbm>> -> memref<80x128xf32, #tpu.memory_space<hbm>>
      %dma_start3A_465 = arith.constant 0 : i32
      %dma_start3A_466 = tpu.memref_slice %arg10[%mul3A_459, %dma_start3A_465] : memref<10000x128xf32, #tpu.memory_space<vmem_shared>> -> memref<80x128xf32, #tpu.memory_space<vmem_shared>>
      tpu.enqueue_dma source(%dma_start3A_466 : memref<80x128xf32, #tpu.memory_space<vmem_shared>>) target(%dma_start3A_464 : memref<80x128xf32, #tpu.memory_space<hbm>>) target_semaphore(%arg12 : memref<!tpu.dma_semaphore, #tpu.memory_space<semaphore_mem>>)
    } else {
    }
    %add3A_402 = arith.constant 0 : i32
    %add3A_403 = arith.addi %add3A_402, %arg1 : i32
    %lt3A_404 = arith.constant 125 : i32
    %lt3A_405 = arith.cmpi slt, %add3A_403, %lt3A_404 : i32
    %convert_element_type3A_406 = arith.extui %lt3A_405 : i1 to i32
    %cond3A_407 = arith.constant 0 : i32
    %cond3A_408 = arith.cmpi ne, %convert_element_type3A_406, %cond3A_407 : i32
    scf.if %cond3A_408 {
      %mul3A_458 = arith.constant 80 : i32
      %mul3A_459 = arith.muli %add3A_403, %mul3A_458 : i32
      %mul3A_460 = arith.constant 80 : i32
      %mul3A_461 = arith.muli %add3A_403, %mul3A_460 : i32
      %dma_wait3A_462 = arith.constant 0 : i32
      %dma_wait3A_463 = tpu.memref_slice %arg5[%arg0, %mul3A_461, %dma_wait3A_462] : memref<2x10000x128xf32, #tpu.memory_space<hbm>> -> memref<1x80x128xf32, #tpu.memory_space<hbm>>
      %dma_wait3A_464 = tpu.memref_squeeze %dma_wait3A_463 : memref<1x80x128xf32, #tpu.memory_space<hbm>> -> memref<80x128xf32, #tpu.memory_space<hbm>>
      %dma_wait3A_465 = arith.constant 0 : i32
      %dma_wait3A_466 = tpu.memref_slice %arg10[%mul3A_459, %dma_wait3A_465] : memref<10000x128xf32, #tpu.memory_space<vmem_shared>> -> memref<80x128xf32, #tpu.memory_space<vmem_shared>>
      tpu.wait_dma2 semaphore(%arg11 : memref<!tpu.dma_semaphore, #tpu.memory_space<semaphore_mem>>) src(%dma_wait3A_466 : memref<80x128xf32, #tpu.memory_space<vmem_shared>>) dst(%dma_wait3A_464 : memref<80x128xf32, #tpu.memory_space<hbm>>)
    } else {
    }
    %add3A_409 = arith.constant 16 : i32
    %add3A_410 = arith.addi %add3A_409, %arg1 : i32
    %lt3A_411 = arith.constant 125 : i32
    %lt3A_412 = arith.cmpi slt, %add3A_410, %lt3A_411 : i32
    %convert_element_type3A_413 = arith.extui %lt3A_412 : i1 to i32
    %cond3A_414 = arith.constant 0 : i32
    %cond3A_415 = arith.cmpi ne, %convert_element_type3A_413, %cond3A_414 : i32
    scf.if %cond3A_415 {
      %mul3A_458 = arith.constant 80 : i32
      %mul3A_459 = arith.muli %add3A_410, %mul3A_458 : i32
      %mul3A_460 = arith.constant 80 : i32
      %mul3A_461 = arith.muli %add3A_410, %mul3A_460 : i32
      %dma_wait3A_462 = arith.constant 0 : i32
      %dma_wait3A_463 = tpu.memref_slice %arg5[%arg0, %mul3A_461, %dma_wait3A_462] : memref<2x10000x128xf32, #tpu.memory_space<hbm>> -> memref<1x80x128xf32, #tpu.memory_space<hbm>>
      %dma_wait3A_464 = tpu.memref_squeeze %dma_wait3A_463 : memref<1x80x128xf32, #tpu.memory_space<hbm>> -> memref<80x128xf32, #tpu.memory_space<hbm>>
      %dma_wait3A_465 = arith.constant 0 : i32
      %dma_wait3A_466 = tpu.memref_slice %arg10[%mul3A_459, %dma_wait3A_465] : memref<10000x128xf32, #tpu.memory_space<vmem_shared>> -> memref<80x128xf32, #tpu.memory_space<vmem_shared>>
      tpu.wait_dma2 semaphore(%arg12 : memref<!tpu.dma_semaphore, #tpu.memory_space<semaphore_mem>>) src(%dma_wait3A_466 : memref<80x128xf32, #tpu.memory_space<vmem_shared>>) dst(%dma_wait3A_464 : memref<80x128xf32, #tpu.memory_space<hbm>>)
    } else {
    }
    %add3A_416 = arith.constant 32 : i32
    %add3A_417 = arith.addi %add3A_416, %arg1 : i32
    %lt3A_418 = arith.constant 125 : i32
    %lt3A_419 = arith.cmpi slt, %add3A_417, %lt3A_418 : i32
    %convert_element_type3A_420 = arith.extui %lt3A_419 : i1 to i32
    %cond3A_421 = arith.constant 0 : i32
    %cond3A_422 = arith.cmpi ne, %convert_element_type3A_420, %cond3A_421 : i32
    scf.if %cond3A_422 {
      %mul3A_458 = arith.constant 80 : i32
      %mul3A_459 = arith.muli %add3A_417, %mul3A_458 : i32
      %mul3A_460 = arith.constant 80 : i32
      %mul3A_461 = arith.muli %add3A_417, %mul3A_460 : i32
      %dma_wait3A_462 = arith.constant 0 : i32
      %dma_wait3A_463 = tpu.memref_slice %arg5[%arg0, %mul3A_461, %dma_wait3A_462] : memref<2x10000x128xf32, #tpu.memory_space<hbm>> -> memref<1x80x128xf32, #tpu.memory_space<hbm>>
      %dma_wait3A_464 = tpu.memref_squeeze %dma_wait3A_463 : memref<1x80x128xf32, #tpu.memory_space<hbm>> -> memref<80x128xf32, #tpu.memory_space<hbm>>
      %dma_wait3A_465 = arith.constant 0 : i32
      %dma_wait3A_466 = tpu.memref_slice %arg10[%mul3A_459, %dma_wait3A_465] : memref<10000x128xf32, #tpu.memory_space<vmem_shared>> -> memref<80x128xf32, #tpu.memory_space<vmem_shared>>
      tpu.wait_dma2 semaphore(%arg13 : memref<!tpu.dma_semaphore, #tpu.memory_space<semaphore_mem>>) src(%dma_wait3A_466 : memref<80x128xf32, #tpu.memory_space<vmem_shared>>) dst(%dma_wait3A_464 : memref<80x128xf32, #tpu.memory_space<hbm>>)
    } else {
    }
    %add3A_423 = arith.constant 48 : i32
    %add3A_424 = arith.addi %add3A_423, %arg1 : i32
    %lt3A_425 = arith.constant 125 : i32
    %lt3A_426 = arith.cmpi slt, %add3A_424, %lt3A_425 : i32
    %convert_element_type3A_427 = arith.extui %lt3A_426 : i1 to i32
    %cond3A_428 = arith.constant 0 : i32
    %cond3A_429 = arith.cmpi ne, %convert_element_type3A_427, %cond3A_428 : i32
    scf.if %cond3A_429 {
      %mul3A_458 = arith.constant 80 : i32
      %mul3A_459 = arith.muli %add3A_424, %mul3A_458 : i32
      %mul3A_460 = arith.constant 80 : i32
      %mul3A_461 = arith.muli %add3A_424, %mul3A_460 : i32
      %dma_wait3A_462 = arith.constant 0 : i32
      %dma_wait3A_463 = tpu.memref_slice %arg5[%arg0, %mul3A_461, %dma_wait3A_462] : memref<2x10000x128xf32, #tpu.memory_space<hbm>> -> memref<1x80x128xf32, #tpu.memory_space<hbm>>
      %dma_wait3A_464 = tpu.memref_squeeze %dma_wait3A_463 : memref<1x80x128xf32, #tpu.memory_space<hbm>> -> memref<80x128xf32, #tpu.memory_space<hbm>>
      %dma_wait3A_465 = arith.constant 0 : i32
      %dma_wait3A_466 = tpu.memref_slice %arg10[%mul3A_459, %dma_wait3A_465] : memref<10000x128xf32, #tpu.memory_space<vmem_shared>> -> memref<80x128xf32, #tpu.memory_space<vmem_shared>>
      tpu.wait_dma2 semaphore(%arg11 : memref<!tpu.dma_semaphore, #tpu.memory_space<semaphore_mem>>) src(%dma_wait3A_466 : memref<80x128xf32, #tpu.memory_space<vmem_shared>>) dst(%dma_wait3A_464 : memref<80x128xf32, #tpu.memory_space<hbm>>)
    } else {
    }
    %add3A_430 = arith.constant 64 : i32
    %add3A_431 = arith.addi %add3A_430, %arg1 : i32
    %lt3A_432 = arith.constant 125 : i32
    %lt3A_433 = arith.cmpi slt, %add3A_431, %lt3A_432 : i32
    %convert_element_type3A_434 = arith.extui %lt3A_433 : i1 to i32
    %cond3A_435 = arith.constant 0 : i32
    %cond3A_436 = arith.cmpi ne, %convert_element_type3A_434, %cond3A_435 : i32
    scf.if %cond3A_436 {
      %mul3A_458 = arith.constant 80 : i32
      %mul3A_459 = arith.muli %add3A_431, %mul3A_458 : i32
      %mul3A_460 = arith.constant 80 : i32
      %mul3A_461 = arith.muli %add3A_431, %mul3A_460 : i32
      %dma_wait3A_462 = arith.constant 0 : i32
      %dma_wait3A_463 = tpu.memref_slice %arg5[%arg0, %mul3A_461, %dma_wait3A_462] : memref<2x10000x128xf32, #tpu.memory_space<hbm>> -> memref<1x80x128xf32, #tpu.memory_space<hbm>>
      %dma_wait3A_464 = tpu.memref_squeeze %dma_wait3A_463 : memref<1x80x128xf32, #tpu.memory_space<hbm>> -> memref<80x128xf32, #tpu.memory_space<hbm>>
      %dma_wait3A_465 = arith.constant 0 : i32
      %dma_wait3A_466 = tpu.memref_slice %arg10[%mul3A_459, %dma_wait3A_465] : memref<10000x128xf32, #tpu.memory_space<vmem_shared>> -> memref<80x128xf32, #tpu.memory_space<vmem_shared>>
      tpu.wait_dma2 semaphore(%arg12 : memref<!tpu.dma_semaphore, #tpu.memory_space<semaphore_mem>>) src(%dma_wait3A_466 : memref<80x128xf32, #tpu.memory_space<vmem_shared>>) dst(%dma_wait3A_464 : memref<80x128xf32, #tpu.memory_space<hbm>>)
    } else {
    }
    %add3A_437 = arith.constant 80 : i32
    %add3A_438 = arith.addi %add3A_437, %arg1 : i32
    %lt3A_439 = arith.constant 125 : i32
    %lt3A_440 = arith.cmpi slt, %add3A_438, %lt3A_439 : i32
    %convert_element_type3A_441 = arith.extui %lt3A_440 : i1 to i32
    %cond3A_442 = arith.constant 0 : i32
    %cond3A_443 = arith.cmpi ne, %convert_element_type3A_441, %cond3A_442 : i32
    scf.if %cond3A_443 {
      %mul3A_458 = arith.constant 80 : i32
      %mul3A_459 = arith.muli %add3A_438, %mul3A_458 : i32
      %mul3A_460 = arith.constant 80 : i32
      %mul3A_461 = arith.muli %add3A_438, %mul3A_460 : i32
      %dma_wait3A_462 = arith.constant 0 : i32
      %dma_wait3A_463 = tpu.memref_slice %arg5[%arg0, %mul3A_461, %dma_wait3A_462] : memref<2x10000x128xf32, #tpu.memory_space<hbm>> -> memref<1x80x128xf32, #tpu.memory_space<hbm>>
      %dma_wait3A_464 = tpu.memref_squeeze %dma_wait3A_463 : memref<1x80x128xf32, #tpu.memory_space<hbm>> -> memref<80x128xf32, #tpu.memory_space<hbm>>
      %dma_wait3A_465 = arith.constant 0 : i32
      %dma_wait3A_466 = tpu.memref_slice %arg10[%mul3A_459, %dma_wait3A_465] : memref<10000x128xf32, #tpu.memory_space<vmem_shared>> -> memref<80x128xf32, #tpu.memory_space<vmem_shared>>
      tpu.wait_dma2 semaphore(%arg13 : memref<!tpu.dma_semaphore, #tpu.memory_space<semaphore_mem>>) src(%dma_wait3A_466 : memref<80x128xf32, #tpu.memory_space<vmem_shared>>) dst(%dma_wait3A_464 : memref<80x128xf32, #tpu.memory_space<hbm>>)
    } else {
    }
    %add3A_444 = arith.constant 96 : i32
    %add3A_445 = arith.addi %add3A_444, %arg1 : i32
    %lt3A_446 = arith.constant 125 : i32
    %lt3A_447 = arith.cmpi slt, %add3A_445, %lt3A_446 : i32
    %convert_element_type3A_448 = arith.extui %lt3A_447 : i1 to i32
    %cond3A_449 = arith.constant 0 : i32
    %cond3A_450 = arith.cmpi ne, %convert_element_type3A_448, %cond3A_449 : i32
    scf.if %cond3A_450 {
      %mul3A_458 = arith.constant 80 : i32
      %mul3A_459 = arith.muli %add3A_445, %mul3A_458 : i32
      %mul3A_460 = arith.constant 80 : i32
      %mul3A_461 = arith.muli %add3A_445, %mul3A_460 : i32
      %dma_wait3A_462 = arith.constant 0 : i32
      %dma_wait3A_463 = tpu.memref_slice %arg5[%arg0, %mul3A_461, %dma_wait3A_462] : memref<2x10000x128xf32, #tpu.memory_space<hbm>> -> memref<1x80x128xf32, #tpu.memory_space<hbm>>
      %dma_wait3A_464 = tpu.memref_squeeze %dma_wait3A_463 : memref<1x80x128xf32, #tpu.memory_space<hbm>> -> memref<80x128xf32, #tpu.memory_space<hbm>>
      %dma_wait3A_465 = arith.constant 0 : i32
      %dma_wait3A_466 = tpu.memref_slice %arg10[%mul3A_459, %dma_wait3A_465] : memref<10000x128xf32, #tpu.memory_space<vmem_shared>> -> memref<80x128xf32, #tpu.memory_space<vmem_shared>>
      tpu.wait_dma2 semaphore(%arg11 : memref<!tpu.dma_semaphore, #tpu.memory_space<semaphore_mem>>) src(%dma_wait3A_466 : memref<80x128xf32, #tpu.memory_space<vmem_shared>>) dst(%dma_wait3A_464 : memref<80x128xf32, #tpu.memory_space<hbm>>)
    } else {
    }
    %add3A_451 = arith.constant 112 : i32
    %add3A_452 = arith.addi %add3A_451, %arg1 : i32
    %lt3A_453 = arith.constant 125 : i32
    %lt3A_454 = arith.cmpi slt, %add3A_452, %lt3A_453 : i32
    %convert_element_type3A_455 = arith.extui %lt3A_454 : i1 to i32
    %cond3A_456 = arith.constant 0 : i32
    %cond3A_457 = arith.cmpi ne, %convert_element_type3A_455, %cond3A_456 : i32
    scf.if %cond3A_457 {
      %mul3A_458 = arith.constant 80 : i32
      %mul3A_459 = arith.muli %add3A_452, %mul3A_458 : i32
      %mul3A_460 = arith.constant 80 : i32
      %mul3A_461 = arith.muli %add3A_452, %mul3A_460 : i32
      %dma_wait3A_462 = arith.constant 0 : i32
      %dma_wait3A_463 = tpu.memref_slice %arg5[%arg0, %mul3A_461, %dma_wait3A_462] : memref<2x10000x128xf32, #tpu.memory_space<hbm>> -> memref<1x80x128xf32, #tpu.memory_space<hbm>>
      %dma_wait3A_464 = tpu.memref_squeeze %dma_wait3A_463 : memref<1x80x128xf32, #tpu.memory_space<hbm>> -> memref<80x128xf32, #tpu.memory_space<hbm>>
      %dma_wait3A_465 = arith.constant 0 : i32
      %dma_wait3A_466 = tpu.memref_slice %arg10[%mul3A_459, %dma_wait3A_465] : memref<10000x128xf32, #tpu.memory_space<vmem_shared>> -> memref<80x128xf32, #tpu.memory_space<vmem_shared>>
      tpu.wait_dma2 semaphore(%arg12 : memref<!tpu.dma_semaphore, #tpu.memory_space<semaphore_mem>>) src(%dma_wait3A_466 : memref<80x128xf32, #tpu.memory_space<vmem_shared>>) dst(%dma_wait3A_464 : memref<80x128xf32, #tpu.memory_space<hbm>>)
    } else {
    }
    return
  }
}

</mosaic_0001>

<sc_bundles>
// kernel: _edge_pass.3.cloned.1.call-start
scs
__scs_entry_jumppad:
0x0: {  	(pc) =	sbr.rel $0x88, $3  }
0x1: {  	(tag) =	ssettag $0x0;
	lr =	simm.s32 $0x1  }
0x2: {  	[smem:$0x3F9E] =	sst lr;
	_ =	strace $0xD0000000  }
0x3: {  	_ = 	snop  }
0x4: {  	_ = 	snop  }
0x5: {  	_ = 	snop  }
0x6: {  	_ = 	snop  }
0x7: {  	_ = 	snop  }
__scs_overlays_trampoline_lowered:
0x8: {  	[smem:$0x3FAD] =	sst s0  }
0x9: {  	[smem:$0x3FAE] =	sst s1  }
0xa: {  	[smem:$0x3FAF] =	sst s2  }
0xb: {  	[smem:$0x3FB0] =	sst s3  }
0xc: {  	[smem:$0x3FB1] =	sst s4  }
0xd: {  	[smem:$0x3FB2] =	sst s5  }
0xe: {  	[smem:$0x3FB3] =	sst s6  }
0xf: {  	[smem:$0x3FB4] =	sst s7  }
0x10: {  	[smem:$0x3FB5] =	sst s8  }
0x11: {  	[smem:$0x3FB6] =	sst s9;
	s0 =	simm.s32 @!p0 $0x0  }
0x12: {  	s1 =	sld [smem:$0x3F9C];
	s0 =	simm.s32 @p0 $0x1  }
0x13: {  	[smem:$0x3FB7] =	sst s0;
	s0 =	simm.s32 @!p1 $0x0  }
0x14: {  	s2 =	sld [smem:$0x3F9B];
	s0 =	simm.s32 @p1 $0x1  }
0x15: {  	[smem:$0x3FB8] =	sst s0;
	s0 =	simm.s32 @!p2 $0x0  }
0x16: {  	s3 =	sld [smem:$0x3FDB];
	s0 =	simm.s32 @p2 $0x1  }
0x17: {  	s4 =	simm.s32 $0x1BF5;
	[smem:$0x3FBA] =	sst s0  }
0x18: {  	s0 =	sld [smem:$0x3F9D];
	_ =	swait.ge [sflag:s4], $0x0  }
0x19: {  	s7 =	sld [smem:$0x3F9E]  }
0x1a: {  	s8 =	sadd.s32 $0xFFFFE003, lr  }
0x1b: {  	s9 =	sadd.s32 $0xFFFFFEF7, lr;
	s5 =	simm.s32 $0xFFFFFFFF;
	p2 =	slt.u32 s8, $0xFFFFF086  }
0x1c: {  	p1 =	slt.u32 s9, $0xF7A;
	s5 =	simm.s32 @!p2 $0x0  }
0x1d: {  	s5 =	simm.s32 @p1 $0x1;
	p0 =	seq.s32 s7, s2  }
0x1e: {  	s7 =	smul.u32 @!p0 $0xF7A, s2;
	p2 =	seq.s32 @!p0 s5, $0x0  }
0x1f: {  	s9 =	smul.u32 $0xF7A, s1;
	s8 =	simm.s32 @!p0 $0x1BF5;
	p2 =	por !p2, p0  }
0x20: {  	[sflag:s8] =	ssyncset.s32 @!p0 $0xFFFFF086;
	s6 =	sadd.s32 @!p0 s3, s7;
	s7 =	simm.s32 @!p0 $0x108  }
0x21: {  	s3 =	sadd.s32 s3, s9;
	s6 =	sadd.s32 @!p0 $0x88, s6;
	s7 =	simm.s32 @p2 $0x1082  }
0x22: {  	[simem:s7], [sflag:s8] =	dma.local @!p0 [hbm:s6], $0xF7A  }
0x23: {  	s9 =	sor.u32 $0xD0000000, s2;
	s6 =	simm.s32 $0x108;
	_ =	swait.ge @!p0 [sflag:s8], $0x0  }
0x24: {  	s3 =	sadd.s32 $0x88, s3;
	s6 =	simm.s32 @!p1 $0x1082;
	[sflag:s4] =	ssyncset.s32 $0xFFFFF086  }
0x25: {  	[simem:s6], [sflag:s4] =	dma.local [hbm:s3], $0xF7A  }
0x26: {  	[smem:$0x3F9E] =	sst s1;
	(tag) =	ssettag s2;
	_ =	strace s9  }
0x27: {  	s1 =	sld [smem:$0x3FAE]  }
0x28: {  	s2 =	sld [smem:$0x3FAF]  }
0x29: {  	s4 =	sld [smem:$0x3FB1]  }
0x2a: {  	p0 =	seq.s32 s5, $0x0;
	s5 =	sld [smem:$0x3FB2]  }
0x2b: {  	s6 =	sld [smem:$0x3FB3]  }
0x2c: {  	s7 =	sld [smem:$0x3FB4]  }
0x2d: {  	s3 =	simm.s32 $0x108;
	s8 =	sld [smem:$0x3FB5]  }
0x2e: {  	s3 =	simm.s32 @!p0 $0x1082;
	s9 =	sld [smem:$0x3FB6]  }
0x2f: {  	lr =	sadd.s32 s0, s3;
	s0 =	sld [smem:$0x3FAD]  }
0x30: {  	s3 =	sld [smem:$0x3FB0]  }
0x31: {  	[smem:$0x3FB9] =	sst s10  }
0x32: {  	s10 =	sld [smem:$0x3FB7];
	_ =	sdelay $0x3  }
0x33: {  	p0 =	seq.s32 s10, $0x1;
	s10 =	sld [smem:$0x3FB9];
	_ =	sdelay $0x3  }
0x34: {  	[smem:$0x3FB9] =	sst s10  }
0x35: {  	s10 =	sld [smem:$0x3FB8];
	_ =	sdelay $0x3  }
0x36: {  	p1 =	seq.s32 s10, $0x1;
	s10 =	sld [smem:$0x3FB9];
	_ =	sdelay $0x3  }
0x37: {  	[smem:$0x3FB9] =	sst s10  }
0x38: {  	s10 =	sld [smem:$0x3FBA]  }
0x39: {  	_ = 	snop;
	(pc) =	sbr.ind lr, $3  }
0x3a: {  	_ = 	snop  }
0x3b: {  	_ = 	snop  }
0x3c: {  	p2 =	seq.s32 s10, $0x1;
	s10 =	sld [smem:$0x3FB9]  }
0x3d: {  	_ =	shalt  }
0x3e: {  	_ =	shalt  }
0x3f: {  	_ =	shalt  }
0x40: {  	_ =	shalt  }
0x41: {  	_ =	shalt  }
0x42: {  	_ =	shalt  }
0x43: {  	_ =	shalt  }
0x44: {  	_ =	shalt  }
0x45: {  	_ =	shalt  }
0x46: {  	_ =	shalt  }
0x47: {  	_ =	shalt  }
0x48: {  	_ =	shalt  }
0x49: {  	_ =	shalt  }
0x4a: {  	_ =	shalt  }
0x4b: {  	_ =	shalt  }
0x4c: {  	_ =	shalt  }
0x4d: {  	_ =	shalt  }
0x4e: {  	_ =	shalt  }
0x4f: {  	_ =	shalt  }
0x50: {  	_ =	shalt  }
0x51: {  	_ =	shalt  }
0x52: {  	_ =	shalt  }
0x53: {  	_ =	shalt  }
0x54: {  	_ =	shalt  }
0x55: {  	_ =	shalt  }
0x56: {  	_ =	shalt  }
0x57: {  	_ =	shalt  }
0x58: {  	_ =	shalt  }
0x59: {  	_ =	shalt  }
0x5a: {  	_ =	shalt  }
0x5b: {  	_ =	shalt  }
0x5c: {  	_ =	shalt  }
0x5d: {  	_ =	shalt  }
0x5e: {  	_ =	shalt  }
0x5f: {  	_ =	shalt  }
0x60: {  	_ =	shalt  }
0x61: {  	_ =	shalt  }
0x62: {  	_ =	shalt  }
0x63: {  	_ =	shalt  }
0x64: {  	_ =	shalt  }
0x65: {  	_ =	shalt  }
0x66: {  	_ =	shalt  }
0x67: {  	_ =	shalt  }
0x68: {  	_ =	shalt  }
0x69: {  	_ =	shalt  }
0x6a: {  	_ =	shalt  }
0x6b: {  	_ =	shalt  }
0x6c: {  	_ =	shalt  }
0x6d: {  	_ =	shalt  }
0x6e: {  	_ =	shalt  }
0x6f: {  	_ =	shalt  }
0x70: {  	_ =	shalt  }
0x71: {  	_ =	shalt  }
0x72: {  	_ =	shalt  }
0x73: {  	_ =	shalt  }
0x74: {  	_ =	shalt  }
0x75: {  	_ =	shalt  }
0x76: {  	_ =	shalt  }
0x77: {  	_ =	shalt  }
0x78: {  	_ =	shalt  }
0x79: {  	_ =	shalt  }
0x7a: {  	_ =	shalt  }
0x7b: {  	_ =	shalt  }
0x7c: {  	_ =	shalt  }
0x7d: {  	_ =	shalt  }
0x7e: {  	_ =	shalt  }
0x7f: {  	_ =	shalt  }
0x80: {  	_ =	shalt  }
0x81: {  	_ =	shalt  }
0x82: {  	_ =	shalt  }
0x83: {  	_ =	shalt  }
0x84: {  	_ =	shalt  }
0x85: {  	_ =	shalt  }
0x86: {  	_ =	shalt  }
0x87: {  	_ =	shalt  }
.Lfunc_end0:
.L_simem_size_0:
called_computation_lowered:
.L_overlay_start_0:
0x88: {  	s2 =	sld [smem:$0x3FD9]  }
0x89: {  	s3 =	sld [smem:$0x3FFE];
	_ =	sdelay $0x1  }
0x8a: {  	s1 =	srdreg.scid  }
0x8b: {  	s0 =	sand.u32 $0x1, s1  }
0x8c: {  	s18 =	sshll.u32 s0, $0xA;
	s2 =	sadd.s32 s3, s2  }
0x8d: {  	s2 =	sadd.s32 s2, s18  }
0x8e: {  	[smem:$0x3FC5] =	sst s2  }
0x8f: {  	_ = 	snop  }
0x90: {  	s2 =	sld [smem:$0x3FC9]  }
0x91: {  	s19 =	sld [smem:$0x3FC8]  }
0x92: {  	s4 =	sld [smem:$0x3FC7]  }
0x93: {  	s5 =	sld [smem:$0x3FD0];
	(tm) =	ssettm $0x1  }
0x94: {  	s6 =	sld [smem:$0x3FFB];
	_ =	sdelay $0x3  }
0x95: {  	_ =	strace s6  }
0x96: {  	s6 =	sld [smem:$0x3FFC];
	_ =	sdelay $0x3  }
0x97: {  	_ =	strace s6  }
0x98: {  	s6 =	sld [smem:$0x3FFD];
	_ =	sdelay $0x3  }
0x99: {  	_ =	strace s6  }
0x9a: {  	_ =	strace $0x8FFFFFFF  }
0x9b: {  	s20 =	sld [smem:$0x3FDB];
	_ =	sdelay $0x1  }
0x9c: {  	s7 =	simm.s32 $_scs_section_size  }
0x9d: {  	s8 =	simm.s32 $_size__tile_overlayer_lowered;
	s9 =	simm.s32 $_tile_overlayer_lowered  }
0x9e: {  	s23 =	simm.s32 $0x1BFF;
	s22 =	sshll.u32 s9, $0x1;
	s6 =	sadd.s32 s7, s20  }
0x9f: {  	s10 =	simm.s32 $0x0;
	s21 =	sshll.u32 s8, $0x1;
	s8 =	sadd.s32 s22, s6  }
0xa0: {  	[timem:s10], [sflag:s23] =	dma.local [hbm:s8], s21  }
0xa1: {  	_ =	swait.ge [sflag:s23], s21  }
0xa2: {  	s7 =	ssub.s32 $0x0, s21;
	[sflag:s23] =	ssyncset.done $0x0  }
0xa3: {  	[sflag:s23] =	ssyncadd.s32 s7;
	_ =	sdelay $0x1  }
0xa4: {  	s24 =	simm.s32 $0x1B8B  }
0xa5: {  	_ =	swait.ge [sflag:s24], $0x1  }
0xa6: {  	[sflag:s24] =	ssyncset.done $0x0  }
0xa7: {  	s25 =	simm.s32 $0x1B8E;
	[sflag:s24] =	ssyncadd.s32 $0xFFFFFFFF  }
0xa8: {  	s26 =	simm.s32 $execute0_lowered;
	[smem:$0x3FD2] =	sst s25  }
0xa9: {  	s7 =	sshll.u32 s26, $0x1;
	_ =	strace $0x80000046;
	[dreg:$0x1] =	wrdreg $0xFFFFFFFF  }
0xaa: {  	s28 =	simm.s32 $_size_execute0_lowered;
	s6 =	sadd.s32 s6, s7;
	[dreg:$0x0] =	wrdreg $0x0  }
0xab: {  	s7 =	sshll.u32 s28, $0x1;
	[dreg:$0x2] =	wrdreg s6  }
0xac: {  	[dreg:$0x3] =	wrdreg s7  }
0xad: {  	[dreg:$0x4] =	wrdreg $0xC0  }
0xae: {  	_ =	task [dreg:s10], $0x5FFFF  }
0xaf: {  	[dreg:$0x1] =	wrdreg $0xFFFFFFFF  }
0xb0: {  	[dreg:$0x0] =	wrdreg $0x60  }
0xb1: {  	[dreg:$0x2] =	wrdreg s2  }
0xb2: {  	[dreg:$0x3] =	wrdreg s19  }
0xb3: {  	[dreg:$0x4] =	wrdreg s4  }
0xb4: {  	[dreg:$0x5] =	wrdreg s5  }
0xb5: {  	[dreg:$0x6] =	wrdreg $0xA3800  }
0xb6: {  	[dreg:$0x7] =	wrdreg $0x9  }
0xb7: {  	_ =	task.clear_ibuf [dreg:s10], $0x8FFFF;
	_ =	strace $0x90000046  }
0xb8: {  	s29 =	simm.s32 $0x9;
	_ =	strace $0x80000048  }
0xb9: {  	_ =	swait.ge [sflag:s29], $0x1  }
0xba: {  	[sflag:s29] =	ssyncadd.s32 $0xFFFFFFFF  }
0xbb: {  	_ =	strace $0x90000048  }
0xbc: {  	_ =	sfence  }
0xbd: {  	s30 =	sld [smem:$0x0];
	_ =	sdelay $0x2  }
0xbe: {  	s31 =	sshll.u32 s1, $0xD;
	s1 =	sshrl.u32 s1, $0x2  }
0xbf: {  	s3 =	sand.u32 $0x4000, s31;
	s1 =	sadd.s32 s1, s30  }
0xc0: {  	s0 =	sor.u32 s3, s0;
	s1 =	sshll.u32 s1, $0x11  }
0xc1: {  	s0 =	sor.u32 s1, s0  }
0xc2: {  	s0 =	sadd.s32 $0x8F2B, s0  }
0xc3: {  	[sflag:s0] =	ssyncadd.remote.s32 $0x1  }
0xc4: {  	_ =	sfence.sel $0xFFFF  }
0xc5: {  	[dreg:$0x0] =	wrdreg $0xFFFFFFFF;
	(pc) =	sbr.abs _section_cstart, $3  }
0xc6: {  	[dreg:$0x1] =	wrdreg $0xFFFFFFFF  }
0xc7: {  	_ =	task.clear_ibuf [dreg:s10], $0x2FFFF;
	_ =	strace $0x9FFFFFFF  }
0xc8: {  	(tm) =	ssettm $0x7FFFFFFF  }
0xc9: {  	_ =	shalt  }
tec
execute0_lowered:
.L_overlay_start_1:
0x0: {  	(tag) =	ssettag $0x1  }
0x1: {  	s1 =	rddreg [dreg:$0x0]  }
0x2: {  	s2 =	rddreg [dreg:$0x1]  }
0x3: {  	s3 =	rddreg [dreg:$0x2]  }
0x4: {  	s0 =	srdreg.scid;
	s8 =	rddreg [dreg:$0x3]  }
0x5: {  	s24 =	stileid.u32;
	s5 =	rddreg [dreg:$0x4]  }
0x6: {  	s7 =	simm.s32 $0x0;
	s0 =	sand.u32 $0x1, s0;
	s10 =	smul.u32 $0x2800, s24  }
0x7: {  	s28 =	simm.s32 $0x4;
	s9 =	sor.u32 $0x10, s24;
	s25 =	smul.u32 $0x138800, s0  }
0x8: {  	s29 =	simm.s32 $0x50;
	s11 =	sor.u32 $0x20, s24;
	s12 =	smul.u32 $0x2800, s9  }
0x9: {  	s30 =	simm.s32 $0x5380;
	s13 =	sor.u32 $0x30, s24;
	s14 =	smul.u32 $0x2800, s11  }
0xa: {  	s31 =	simm.s32 $0x7B80;
	s16 =	sor.u32 $0x40, s24;
	s17 =	smul.u32 $0x2800, s13  }
0xb: {  	s4 =	sshll.u32 s24, $0x1;
	s19 =	sor.u32 $0x60, s24;
	s18 =	smul.u32 $0x2800, s16  }
0xc: {  	[smem:$0x7FF] =	sst s7;
	s20 =	sor.u32 $0x70, s24;
	s22 =	smul.u32 $0x2800, s19  }
0xd: {  	s4 =	sor.u32 s0, s4;
	s0 =	ssub.s32 $0x2, s0;
	s23 =	smul.u32 $0x2800, s20  }
0xe: {  	p0 =	sgt.u32 s24, $0xC;
	s9 =	smul.u32 $0xA000, s9;
	s15 =	sshrl.u32 s0, $0x1  }
0xf: {  	_ =	strace $0x80000047;
	s6 =	smul.u32 $0x2710, s4;
	s0 =	ssub.s32 s0, s15  }
0x10: {  	s15 =	sor.u32 $0x50, s24;
	s10 =	sadd.s32 s10, s25;
	s12 =	sadd.s32 s25, s12  }
0x11: {  	s14 =	sadd.s32 s25, s14;
	s17 =	sadd.s32 s25, s17;
	s18 =	sadd.s32 s25, s18  }
0x12: {  	s22 =	sadd.s32 s25, s22;
	s4 =	sadd.s32 s25, s23;
	s23 =	smul.u32 $0xA000, s24  }
0x13: {  	s9 =	sshrl.u32 s9, $0x2;
	s21 =	smul.u32 $0x2800, s15;
	s10 =	sshrl.u32 s10, $0x3  }
0x14: {  	s26 =	sshrl.u32 s12, $0x3;
	s12 =	sshrl.u32 s14, $0x3;
	s14 =	sshrl.u32 s17, $0x3  }
0x15: {  	s18 =	sshrl.u32 s18, $0x3;
	s4 =	sshrl.u32 s4, $0x3;
	s0 =	smax.u32 s0, $0x1  }
0x16: {  	s10 =	sadd.s32 s8, s10;
	s17 =	sadd.s32 s8, s14;
	[dreg:$0x18] =	wrdreg s0  }
0x17: {  	s4 =	sadd.s32 s8, s4;
	s14 =	smul.u32 $0xA000, s11;
	[dreg:$0x6] =	wrdreg s10  }
0x18: {  	s0 =	simm.s32 $0x2780;
	s21 =	sadd.s32 s25, s21;
	[dreg:$0x9] =	wrdreg s17  }
0x19: {  	s10 =	sadd.s32 s8, s26;
	s25 =	sshrl.u32 s22, $0x3;
	[dreg:$0xd] =	wrdreg s4  }
0x1a: {  	s17 =	sshrl.u32 s23, $0x2;
	s22 =	smul.u32 $0xA000, s15;
	[dreg:$0x7] =	wrdreg s10  }
0x1b: {  	s10 =	sadd.s32 s8, s12;
	s21 =	sshrl.u32 s21, $0x3;
	s26 =	sadd.s32 s8, s25  }
0x1c: {  	s23 =	sadd.s32 s17, s5;
	s25 =	sadd.s32 s9, s5;
	[dreg:$0x8] =	wrdreg s10  }
0x1d: {  	s10 =	sadd.s32 s8, s18;
	[dreg:$0xc] =	wrdreg s26;
	s18 =	smul.u32 $0xA000, s13  }
0x1e: {  	s26 =	smul.u32 $0xA000, s19;
	s15 =	sshrl.u32 s22, $0x2;
	[dreg:$0x10] =	wrdreg s23  }
0x1f: {  	[dreg:$0xa] =	wrdreg s10;
	s10 =	sadd.s32 s8, s21;
	s21 =	smul.u32 $0xA000, s16  }
0x20: {  	[dreg:$0x11] =	wrdreg s25;
	s8 =	sshrl.u32 s14, $0x2;
	s14 =	smul.u32 $0xA000, s20  }
0x21: {  	[dreg:$0xb] =	wrdreg s10;
	s8 =	sadd.s32 s8, s5;
	s11 =	sshrl.u32 s18, $0x2  }
0x22: {  	s10 =	sshrl.u32 s6, $0x3;
	[dreg:$0x12] =	wrdreg s8;
	s9 =	sadd.s32 s11, s5  }
0x23: {  	s16 =	sshrl.u32 s26, $0x2;
	s12 =	sadd.s32 s2, s10;
	[dreg:$0x13] =	wrdreg s9  }
0x24: {  	s13 =	sadd.s32 s3, s10;
	s4 =	sshrl.u32 s21, $0x2;
	[dreg:$0xe] =	wrdreg s12  }
0x25: {  	s17 =	sshrl.u32 s14, $0x2;
	s22 =	sadd.s32 s16, s5;
	[dreg:$0xf] =	wrdreg s13  }
0x26: {  	s8 =	simm.s32 $0x2980;
	s4 =	sadd.s32 s4, s5;
	[dreg:$0x16] =	wrdreg s22  }
0x27: {  	s11 =	simm.s32 $0x2880;
	s18 =	sadd.s32 s17, s5;
	[dreg:$0x14] =	wrdreg s4  }
0x28: {  	s14 =	simm.s32 $0x1;
	s19 =	sadd.s32 $0x9C40, s12;
	[dreg:$0x17] =	wrdreg s18  }
0x29: {  	s16 =	simm.s32 $0x9;
	s20 =	sadd.s32 $0x9C4A, s12;
	[dreg:$0x19] =	wrdreg s19  }
0x2a: {  	s21 =	sadd.s32 $0xA, s13;
	s24 =	sadd.s32 $0x9C54, s12;
	[dreg:$0x1a] =	wrdreg s20  }
0x2b: {  	s26 =	sadd.s32 $0x14, s13;
	s9 =	simm.s32 $0x2800;
	[dreg:$0x1b] =	wrdreg s21  }
0x2c: {  	s13 =	simm.s32 $0x2B80;
	s17 =	simm.s32 $0x8;
	[dreg:$0x1c] =	wrdreg s24  }
0x2d: {  	s4 =	sadd.s32 s15, s5;
	[dreg:$0x1d] =	wrdreg s26;
	s15 =	simm.s32 $0x2  }
0x2e: {  	s26 =	simm.s32 $0x3;
	s18 =	simm.s32 $0x5;
	s19 =	simm.s32 $0x6  }
0x2f: {  	v0 =	vimm.f32 $0.0e+00;
	s20 =	simm.s32 $0x0;
	[dreg:$0x15] =	wrdreg s4;
	s4 =	simm.s32 $0x7  }
.LBB2_1:
0x30: {  	[dreg:$0x1e] =	wrdreg s20  }
0x31: {  	s10 =	rddreg [dreg:$0xe]  }
0x32: {  	[tilespmem:s7], [sflag:$0x4] =	stream.linear.gather [hbm4b:s10+s7], $0x2710, $0x38;
	[tilespmem:$0x1DC00] =	vst v63  }
0x33: {  	s12 =	rddreg [dreg:$0x19]  }
0x34: {  	[tilespmem:s0], [sflag:$0x7] =	stream.linear.gather [hbm4b:s12+s7], $0x50, $0x38;
	[tilespmem:$0x1DC00] =	vst v63  }
0x35: {  	s20 =	rddreg [dreg:$0xf]  }
0x36: {  	[tilespmem:s8], [sflag:$0x7] =	stream.linear.gather [hbm4b:s20+s7], $0x50, $0x38;
	[tilespmem:$0x1DC00] =	vst v63  }
0x37: {  	s21 =	rddreg [dreg:$0x1a]  }
0x38: {  	[tilespmem:s9], [sflag:$0x8] =	stream.linear.gather [hbm4b:s21+s7], $0x50, $0x38;
	[tilespmem:$0x1DC00] =	vst v63  }
0x39: {  	s24 =	rddreg [dreg:$0x1b];
	s12 =	simm.s32 $0x2A00  }
0x3a: {  	[tilespmem:s12], [sflag:$0x8] =	stream.linear.gather [hbm4b:s24+s7], $0x50, $0x38;
	[tilespmem:$0x1DC00] =	vst v63  }
0x3b: {  	s20 =	rddreg [dreg:$0x1c]  }
0x3c: {  	[tilespmem:s11], [sflag:$0x9] =	stream.linear.gather [hbm4b:s20+s7], $0x50, $0x38;
	[tilespmem:$0x1DC00] =	vst v63  }
0x3d: {  	s21 =	rddreg [dreg:$0x1d];
	s24 =	simm.s32 $0x2A80  }
0x3e: {  	[tilespmem:s24], [sflag:$0x9] =	stream.linear.gather [hbm4b:s21+s7], $0x50, $0x38;
	[tilespmem:$0x1DC00] =	vst v63  }
0x3f: {  	s20 =	simm.s32 $0x0;
	s21 =	simm.s32 $0x200  }
.LBB2_2:
0x40: {  	p1 =	sne.s32 s21, $0x9E00;
	[tilespmem:s20+$0x2BF0] =	vst v0  }
0x41: {  	[tilespmem:s20+$0x2B80] =	vst v0  }
0x42: {  	[tilespmem:s20+$0x2B90] =	vst v0  }
.Ltmp0:
0x43: {  	[tilespmem:s20+$0x2BA0] =	vst v0;
	(pc) =	sbr.rel @p1 .LBB2_2-.Ltmp0, $4  }
0x44: {  	[tilespmem:s20+$0x2BB0] =	vst v0  }
0x45: {  	[tilespmem:s20+$0x2BC0] =	vst v0  }
0x46: {  	[tilespmem:s20+$0x2BD0] =	vst v0  }
0x47: {  	[tilespmem:s20+$0x2BE0] =	vst v0;
	s20 =	sshra.s32 s21, $0x2;
	s21 =	sadd.s32 $0x200, s21  }
0x48: {  	[tilespmem:s20+$0x2BF0] =	vst v0  }
0x49: {  	[tilespmem:s20+$0x2B80] =	vst v0  }
0x4a: {  	[tilespmem:s20+$0x2B90] =	vst v0  }
0x4b: {  	[tilespmem:s20+$0x2BA0] =	vst v0  }
0x4c: {  	[tilespmem:s20+$0x2BB0] =	vst v0  }
0x4d: {  	[tilespmem:s20+$0x2BC0] =	vst v0  }
0x4e: {  	[tilespmem:s20+$0x2BD0] =	vst v0  }
0x4f: {  	[tilespmem:s20+$0x2BE0] =	vst v0  }
0x50: {  	[spmem:s23] =	stream.linear.scatter [tilespmem:s13], [sflag:$0x1], $0x2800, $0x38;
	[tilespmem:$0x1DC00] =	vst v63  }
0x51: {  	_ = 	snop  }
0x52: {  	[spmem:s25] =	stream.linear.scatter [tilespmem:s13], [sflag:$0x2], $0x2800, $0x38;
	[tilespmem:$0x1DC00] =	vst v63  }
0x53: {  	s10 =	rddreg [dreg:$0x12]  }
0x54: {  	[spmem:s10] =	stream.linear.scatter [tilespmem:s13], [sflag:$0x3], $0x2800, $0x38;
	[tilespmem:$0x1DC00] =	vst v63  }
0x55: {  	s20 =	rddreg [dreg:$0x13]  }
0x56: {  	[spmem:s20] =	stream.linear.scatter [tilespmem:s13], [sflag:$0x1], $0x2800, $0x38;
	[tilespmem:$0x1DC00] =	vst v63  }
0x57: {  	s21 =	rddreg [dreg:$0x14]  }
0x58: {  	[spmem:s21] =	stream.linear.scatter [tilespmem:s13], [sflag:$0x2], $0x2800, $0x38;
	[tilespmem:$0x1DC00] =	vst v63  }
0x59: {  	s23 =	rddreg [dreg:$0x15]  }
0x5a: {  	[spmem:s23] =	stream.linear.scatter [tilespmem:s13], [sflag:$0x3], $0x2800, $0x38;
	[tilespmem:$0x1DC00] =	vst v63  }
0x5b: {  	_ = 	snop  }
0x5c: {  	[spmem:s22] =	stream.linear.scatter [tilespmem:s13], [sflag:$0x1], $0x2800, $0x38;
	[tilespmem:$0x1DC00] =	vst v63  }
0x5d: {  	s12 =	simm.s32 @!p0 $0x2B80;
	s10 =	rddreg [dreg:$0x17]  }
0x5e: {  	[spmem:s10] =	stream.linear.scatter @!p0 [tilespmem:s12], [sflag:$0x2], $0x2800, $0x38;
	[tilespmem:$0x1DC00] =	vst v63  }
0x5f: {  	_ =	swait.ge [sflag:s14], $0x2800  }
0x60: {  	[sflag:s14] =	ssyncset.done $0x0  }
0x61: {  	[sflag:s14] =	ssyncadd.s32 $0xFFFFD800  }
0x62: {  	_ =	swait.ge [sflag:s15], $0x2800  }
0x63: {  	[sflag:s15] =	ssyncset.done $0x0  }
0x64: {  	[sflag:s15] =	ssyncadd.s32 $0xFFFFD800  }
0x65: {  	_ =	swait.ge [sflag:s26], $0x2800  }
0x66: {  	[sflag:s26] =	ssyncset.done $0x0  }
0x67: {  	[sflag:s26] =	ssyncadd.s32 $0xFFFFD800  }
0x68: {  	_ =	swait.ge [sflag:s14], $0x2800  }
0x69: {  	[sflag:s14] =	ssyncset.done $0x0  }
0x6a: {  	[sflag:s14] =	ssyncadd.s32 $0xFFFFD800  }
0x6b: {  	_ =	swait.ge [sflag:s15], $0x2800  }
0x6c: {  	[sflag:s15] =	ssyncset.done $0x0  }
0x6d: {  	[sflag:s15] =	ssyncadd.s32 $0xFFFFD800  }
0x6e: {  	_ =	swait.ge [sflag:s26], $0x2800  }
0x6f: {  	[sflag:s26] =	ssyncset.done $0x0  }
0x70: {  	[sflag:s26] =	ssyncadd.s32 $0xFFFFD800  }
0x71: {  	_ =	swait.ge [sflag:s14], $0x2800  }
0x72: {  	[sflag:s14] =	ssyncset.done $0x0  }
0x73: {  	s12 =	simm.s32 @!p0 $0x2;
	[sflag:s14] =	ssyncadd.s32 $0xFFFFD800  }
0x74: {  	_ =	swait.ge @!p0 [sflag:s12], $0x2800  }
0x75: {  	[sflag:s12] =	ssyncset.done @!p0 $0x0  }
0x76: {  	[sflag:s12] =	ssyncadd.s32 @!p0 $0xFFFFD800  }
0x77: {  	_ =	swait.ge [sflag:s28], $0x2710  }
0x78: {  	[sflag:s28] =	ssyncset.done $0x0  }
0x79: {  	s24 =	simm.s32 $0x0;
	[sflag:s28] =	ssyncadd.s32 $0xFFFFD8F0  }
0x7a: {  	[tilespmem:s13], [sflag:$0x1] =	stream.indirect.gather [hbm4b:s1+s29], $0x80, s24, s29, $0xb8;
	[tilespmem:$0x1DC00] =	vst v63  }
0x7b: {  	_ = 	snop  }
0x7c: {  	[tilespmem:s30], [sflag:$0x2] =	stream.indirect.gather [hbm4b:s1+s29], $0x80, s29, s29, $0xb8;
	[tilespmem:$0x1DC00] =	vst v63  }
0x7d: {  	s25 =	simm.s32 $0xA0  }
0x7e: {  	[tilespmem:s31], [sflag:$0x3] =	stream.indirect.gather [hbm4b:s1+s29], $0x80, s25, s29, $0xb8;
	[tilespmem:$0x1DC00] =	vst v63  }
0x7f: {  	[bflag:$0x0] =	sbarrier.arrive $0xFFFF  }
0x80: {  	_ =	swait.ge [sflag:s14], $0x2800  }
0x81: {  	v1 =	vmov s24;
	s10 =	simm.s32 $0x2;
	[sflag:s14] =	ssyncset.done $0x0  }
0x82: {  	v1 =	vand.u32 $0xFFFFFFFC, v1;
	v2 =	vmov s10;
	[sflag:s14] =	ssyncadd.s32 $0xFFFFD800  }
0x83: {  	v1 =	vbroadcast v1, $0x0;
	v2 =	vand.u32 $0xFFFFFFFE, v2;
	_ =	swait.ge [sflag:s4], $0x50  }
0x84: {  	v2 =	vbroadcast v2, $0x0;
	[sflag:s4] =	ssyncset.done $0x0  }
0x85: {  	[sflag:s4] =	ssyncadd.s32 $0xFFFFFFB0  }
0x86: {  	_ =	swait.ge [sflag:s4], $0x50  }
0x87: {  	[sflag:s4] =	ssyncset.done $0x0  }
0x88: {  	[sflag:s4] =	ssyncadd.s32 $0xFFFFFFB0  }
0x89: {  	v1 =	vld.idx.msk [tilespmem:v1+s8+$0x0], $0xffff  }
0x8a: {  	s20 =	simm.s32 $0x1;
	s21 =	simm.s32 $0x2C80;
	v2 =	vld.idx.msk [tilespmem:v2+s8+$0x0], $0xffff  }
0x8b: {  	v3 =	vmov s20;
	v4 =	vld [tilespmem:s21+$0x70]  }
0x8c: {  	v3 =	vand.u32 $0xFFFFFFFD, v3;
	v5 =	vld [tilespmem:s21+$0xFFFFFF00]  }
0x8d: {  	v3 =	vbroadcast v3, $0x0;
	v6 =	vld [tilespmem:s21+$0xFFFFFF10]  }
0x8e: {  	v7 =	vld [tilespmem:s21+$0xFFFFFF20]  }
0x8f: {  	v8 =	vld [tilespmem:s21+$0xFFFFFF30]  }
0x90: {  	v9 =	vld [tilespmem:s21+$0xFFFFFF40]  }
0x91: {  	v10 =	vld [tilespmem:s21+$0xFFFFFF50]  }
0x92: {  	v11 =	vld [tilespmem:s21+$0xFFFFFF60];
	v5 =	vmul.f32 v5, v1  }
0x93: {  	v3 =	vld.idx.msk [tilespmem:v3+s8+$0x0], $0xffff;
	v4 =	vmul.f32 v4, v2  }
0x94: {  	v13 =	vld [tilespmem:s21+$0x40];
	[tilespmem:s21+$0xFFFFFF00] =	vst v5;
	v5 =	vmul.f32 v6, v1  }
0x95: {  	v6 =	vld [tilespmem:s21+$0xFFFFFF70];
	[tilespmem:s21+$0x70] =	vst v4;
	v4 =	vmul.f32 v7, v1  }
0x96: {  	v7 =	vld [tilespmem:s21+$0xFFFFFF80];
	[tilespmem:s21+$0xFFFFFF10] =	vst v5;
	v5 =	vmul.f32 v8, v1  }
0x97: {  	v8 =	vld [tilespmem:s21+$0xFFFFFF90];
	[tilespmem:s21+$0xFFFFFF20] =	vst v4;
	v4 =	vmul.f32 v9, v1  }
0x98: {  	v9 =	vld [tilespmem:s21+$0xFFFFFFA0];
	[tilespmem:s21+$0xFFFFFF30] =	vst v5;
	v5 =	vmul.f32 v10, v1  }
0x99: {  	v10 =	vld [tilespmem:s21+$0xFFFFFFB0];
	[tilespmem:s21+$0xFFFFFF40] =	vst v4;
	v4 =	vmul.f32 v11, v1  }
0x9a: {  	v11 =	vld [tilespmem:s21+$0xFFFFFFC0];
	v6 =	vmul.f32 v6, v1;
	[tilespmem:s21+$0xFFFFFF50] =	vst v5  }
0x9b: {  	v5 =	vmul.f32 v7, v3;
	v7 =	vld [tilespmem:s21+$0xFFFFFFD0];
	[tilespmem:s21+$0xFFFFFF60] =	vst v4  }
0x9c: {  	s22 =	simm.s32 $0x3;
	v4 =	vld [tilespmem:s21+$0xFFFFFFE0];
	v8 =	vmul.f32 v8, v3;
	[tilespmem:s21+$0xFFFFFF70] =	vst v6  }
0x9d: {  	v12 =	vmov s22;
	v6 =	vld [tilespmem:s21+$0xFFFFFFF0];
	[tilespmem:s21+$0xFFFFFF80] =	vst v5;
	v5 =	vmul.f32 v9, v3  }
0x9e: {  	v9 =	vld [tilespmem:s21+$0x0];
	[tilespmem:s21+$0xFFFFFF90] =	vst v8;
	v8 =	vmul.f32 v10, v3  }
0x9f: {  	v10 =	vld [tilespmem:s21+$0x10];
	[tilespmem:s21+$0xFFFFFFA0] =	vst v5;
	v5 =	vmul.f32 v11, v3  }
0xa0: {  	[tilespmem:s21+$0xFFFFFFB0] =	vst v8;
	v7 =	vmul.f32 v7, v3;
	v8 =	vld [tilespmem:s21+$0x20]  }
0xa1: {  	v11 =	vld [tilespmem:s21+$0x30];
	v4 =	vmul.f32 v4, v3;
	[tilespmem:s21+$0xFFFFFFC0] =	vst v5  }
0xa2: {  	v1 =	vld.idx.msk [tilespmem:v12+s8+$0x0], $0xffff;
	v3 =	vmul.f32 v6, v3;
	[tilespmem:s21+$0xFFFFFFD0] =	vst v7  }
0xa3: {  	[tilespmem:s21+$0xFFFFFFE0] =	vst v4;
	v5 =	vmul.f32 v9, v2;
	v4 =	vld [tilespmem:s21+$0x50]  }
0xa4: {  	s23 =	simm.s32 $0x4;
	[tilespmem:s21+$0xFFFFFFF0] =	vst v3;
	v6 =	vmul.f32 v10, v2;
	v3 =	vld [tilespmem:s21+$0x60]  }
0xa5: {  	s24 =	simm.s32 $0x7;
	v7 =	vmov s23;
	[tilespmem:s21+$0x0] =	vst v5;
	v9 =	vmul.f32 v8, v2;
	v8 =	vld [tilespmem:s21+$0x80]  }
0xa6: {  	s25 =	simm.s32 $0x5;
	v12 =	vand.u32 $0xFFFFFFFC, v7;
	v7 =	vld [tilespmem:s21+$0x90];
	v5 =	vmov s24;
	v10 =	vmul.f32 v11, v2;
	[tilespmem:s21+$0x10] =	vst v6  }
0xa7: {  	s20 =	simm.s32 $0x8;
	s22 =	simm.s32 $0x2C80;
	s23 =	simm.s32 $0x6;
	v11 =	vmul.f32 v13, v2;
	v6 =	vbroadcast v12, $0x0;
	v12 =	vmov s25;
	[tilespmem:s21+$0x20] =	vst v9;
	v9 =	vld [tilespmem:s21+$0xA0]  }
.LBB2_4:
0xa8: {  	p1 =	slt.u32 s20, $0x4C;
	v12 =	vand.u32 $0xFFFFFFFD, v12;
	v13 =	vmov s23;
	[tilespmem:s21+$0x30] =	vst v10;
	v4 =	vmul.f32 v4, v2;
	v10 =	vld [tilespmem:s21+$0xB0]  }
0xa9: {  	v12 =	vbroadcast v12, $0x0;
	v13 =	vand.u32 $0xFFFFFFFE, v13;
	[tilespmem:s21+$0x40] =	vst v11;
	v2 =	vmul.f32 v3, v2;
	v3 =	vld [tilespmem:s21+$0xC0]  }
0xaa: {  	v11 =	vbroadcast v13, $0x0;
	[tilespmem:s21+$0x50] =	vst v4;
	v4 =	vmul.f32 v8, v1;
	v8 =	vld [tilespmem:s21+$0xD0]  }
0xab: {  	[tilespmem:s21+$0x60] =	vst v2;
	v2 =	vmul.f32 v7, v1;
	v7 =	vld [tilespmem:s21+$0xE0]  }
0xac: {  	[tilespmem:s21+$0x80] =	vst v4;
	v4 =	vmul.f32 v9, v1;
	v9 =	vld [tilespmem:s21+$0xF0]  }
0xad: {  	v5 =	vld.idx.msk [tilespmem:v5+s8+$0x0], $0xffff;
	[tilespmem:s21+$0x90] =	vst v2;
	v2 =	vmul.f32 v10, v1  }
0xae: {  	v6 =	vld.idx.msk [tilespmem:v6+s8+$0x0], $0xffff;
	[tilespmem:s21+$0xA0] =	vst v4;
	v3 =	vmul.f32 v3, v1  }
0xaf: {  	v4 =	vld.idx.msk [tilespmem:v12+s8+$0x0], $0xffff;
	[tilespmem:s21+$0xB0] =	vst v2;
	v8 =	vmul.f32 v8, v1  }
0xb0: {  	s21 =	sadd.s32 $0x200, s21;
	v2 =	vld.idx.msk [tilespmem:v11+s8+$0x0], $0xffff;
	[tilespmem:s22+$0xC0] =	vst v3;
	v3 =	vmul.f32 v7, v1  }
0xb1: {  	v7 =	vld [tilespmem:s21+$0x70];
	[tilespmem:s22+$0xD0] =	vst v8;
	v9 =	vmul.f32 v9, v1  }
0xb2: {  	v8 =	vld [tilespmem:s21+$0xFFFFFF00];
	[tilespmem:s22+$0xE0] =	vst v3  }
0xb3: {  	v1 =	vmov v5;
	v3 =	vld [tilespmem:s21+$0xFFFFFF10];
	[tilespmem:s22+$0xF0] =	vst v9;
	s22 =	smov.u32 s21  }
0xb4: {  	v5 =	vld [tilespmem:s21+$0xFFFFFF20]  }
0xb5: {  	v9 =	vld [tilespmem:s21+$0xFFFFFF30]  }
0xb6: {  	v10 =	vld [tilespmem:s21+$0xFFFFFF40];
	v7 =	vmul.f32 v7, v2  }
0xb7: {  	v8 =	vmul.f32 v8, v6;
	v11 =	vld [tilespmem:s21+$0xFFFFFF50]  }
0xb8: {  	v3 =	vmul.f32 v3, v6;
	v12 =	vld [tilespmem:s21+$0xFFFFFF60];
	[tilespmem:s21+$0x70] =	vst v7  }
0xb9: {  	[tilespmem:s21+$0xFFFFFF00] =	vst v8;
	v5 =	vmul.f32 v5, v6;
	v7 =	vld [tilespmem:s21+$0xFFFFFF70]  }
0xba: {  	[tilespmem:s21+$0xFFFFFF10] =	vst v3;
	v3 =	vmul.f32 v9, v6;
	v8 =	vld [tilespmem:s21+$0xFFFFFF80]  }
0xbb: {  	[tilespmem:s21+$0xFFFFFF20] =	vst v5;
	v5 =	vmul.f32 v10, v6;
	v9 =	vld [tilespmem:s21+$0xFFFFFF90]  }
0xbc: {  	[tilespmem:s21+$0xFFFFFF30] =	vst v3;
	v3 =	vmul.f32 v11, v6;
	v10 =	vld [tilespmem:s21+$0xFFFFFFA0]  }
0xbd: {  	[tilespmem:s21+$0xFFFFFF40] =	vst v5;
	v5 =	vmul.f32 v12, v6;
	v11 =	vld [tilespmem:s21+$0xFFFFFFB0]  }
0xbe: {  	[tilespmem:s21+$0xFFFFFF50] =	vst v3;
	v3 =	vmul.f32 v7, v6;
	v6 =	vld [tilespmem:s21+$0xFFFFFFC0]  }
0xbf: {  	[tilespmem:s21+$0xFFFFFF60] =	vst v5;
	v5 =	vmul.f32 v8, v4;
	v7 =	vld [tilespmem:s21+$0xFFFFFFD0]  }
0xc0: {  	[tilespmem:s21+$0xFFFFFF70] =	vst v3;
	v3 =	vmul.f32 v9, v4;
	v8 =	vld [tilespmem:s21+$0xFFFFFFE0]  }
0xc1: {  	[tilespmem:s21+$0xFFFFFF80] =	vst v5;
	v5 =	vmul.f32 v10, v4;
	v9 =	vld [tilespmem:s21+$0xFFFFFFF0]  }
0xc2: {  	[tilespmem:s21+$0xFFFFFF90] =	vst v3;
	v3 =	vmul.f32 v11, v4;
	v10 =	vld [tilespmem:s21+$0x0]  }
0xc3: {  	[tilespmem:s21+$0xFFFFFFA0] =	vst v5;
	v5 =	vmul.f32 v6, v4;
	v6 =	vld [tilespmem:s21+$0x10]  }
0xc4: {  	[tilespmem:s21+$0xFFFFFFB0] =	vst v3;
	v3 =	vmul.f32 v7, v4;
	v7 =	vld [tilespmem:s21+$0x20]  }
0xc5: {  	[tilespmem:s21+$0xFFFFFFC0] =	vst v5;
	v5 =	vmul.f32 v8, v4;
	v11 =	vld [tilespmem:s21+$0x30]  }
0xc6: {  	[tilespmem:s21+$0xFFFFFFD0] =	vst v3;
	v3 =	vmul.f32 v9, v4;
	v9 =	vld [tilespmem:s21+$0x40]  }
.Ltmp1:
0xc7: {  	[tilespmem:s21+$0xFFFFFFE0] =	vst v5;
	v5 =	vmul.f32 v10, v2;
	v4 =	vld [tilespmem:s21+$0x50];
	(pc) =	sbr.rel @p1 .LBB2_4-.Ltmp1, $4  }
0xc8: {  	[tilespmem:s21+$0xFFFFFFF0] =	vst v3;
	v6 =	vmul.f32 v6, v2;
	v3 =	vld [tilespmem:s21+$0x60]  }
0xc9: {  	s12 =	sadd.s32 $0x3, s20;
	v10 =	vmov s20;
	[tilespmem:s21+$0x0] =	vst v5;
	v13 =	vmul.f32 v7, v2;
	v8 =	vld [tilespmem:s21+$0x80]  }
0xca: {  	s23 =	sadd.s32 $0x1, s20;
	v12 =	vand.u32 $0xFFFFFFFC, v10;
	v5 =	vmov s12;
	[tilespmem:s21+$0x10] =	vst v6;
	v10 =	vmul.f32 v11, v2;
	v7 =	vld [tilespmem:s21+$0x90]  }
0xcb: {  	v6 =	vbroadcast v12, $0x0;
	v12 =	vmov s23;
	s23 =	sadd.s32 $0x2, s20;
	s20 =	sadd.s32 $0x4, s20;
	[tilespmem:s21+$0x20] =	vst v13;
	v11 =	vmul.f32 v9, v2;
	v9 =	vld [tilespmem:s21+$0xA0]  }
0xcc: {  	v13 =	vld [tilespmem:s21+$0xB0]  }
0xcd: {  	v15 =	vld [tilespmem:s21+$0xC0]  }
0xce: {  	v16 =	vld [tilespmem:s21+$0xD0]  }
0xcf: {  	v17 =	vld [tilespmem:s21+$0xE0]  }
0xd0: {  	v29 =	vld [tilespmem:s21+$0xF0];
	[tilespmem:s21+$0x30] =	vst v10;
	v4 =	vmul.f32 v4, v2  }
0xd1: {  	v5 =	vld.idx.msk [tilespmem:v5+s8+$0x0], $0xffff;
	[tilespmem:s21+$0x40] =	vst v11;
	v2 =	vmul.f32 v3, v2  }
0xd2: {  	s20 =	sadd.s32 $0x200, s21;
	v3 =	vld.idx.msk [tilespmem:v6+s8+$0x0], $0xffff;
	v8 =	vmul.f32 v8, v1;
	[tilespmem:s21+$0x50] =	vst v4  }
0xd3: {  	v14 =	vmov s23;
	v34 =	vld [tilespmem:s20+$0x70];
	v30 =	vmul.f32 v7, v1;
	[tilespmem:s21+$0x60] =	vst v2  }
0xd4: {  	v14 =	vand.u32 $0xFFFFFFFE, v14;
	v35 =	vld [tilespmem:s20+$0xFFFFFF00];
	[tilespmem:s21+$0x80] =	vst v8;
	v2 =	vmul.f32 v9, v1  }
0xd5: {  	v37 =	vld [tilespmem:s20+$0xFFFFFF10];
	v14 =	vbroadcast v14, $0x0;
	[tilespmem:s21+$0x90] =	vst v30;
	v33 =	vmul.f32 v13, v1  }
0xd6: {  	v38 =	vld [tilespmem:s20+$0xFFFFFF20];
	[tilespmem:s21+$0xA0] =	vst v2;
	v2 =	vmul.f32 v15, v1  }
0xd7: {  	v12 =	vand.u32 $0xFFFFFFFD, v12;
	v39 =	vld [tilespmem:s20+$0xFFFFFF30];
	v36 =	vmul.f32 v16, v1;
	[tilespmem:s21+$0xB0] =	vst v33  }
0xd8: {  	v12 =	vbroadcast v12, $0x0;
	v41 =	vld [tilespmem:s20+$0xFFFFFF50];
	[tilespmem:s22+$0xC0] =	vst v2;
	v2 =	vmul.f32 v17, v1  }
0xd9: {  	v43 =	vld [tilespmem:s20+$0xFFFFFF60];
	[tilespmem:s22+$0xD0] =	vst v36;
	v1 =	vmul.f32 v29, v1  }
0xda: {  	v42 =	vmul.f32 v37, v3;
	[tilespmem:s22+$0xE0] =	vst v2;
	v2 =	vld [tilespmem:s20+$0xFFFFFF40]  }
0xdb: {  	v32 =	vld.idx.msk [tilespmem:v14+s8+$0x0], $0xffff;
	[tilespmem:s22+$0xF0] =	vst v1;
	v1 =	vmul.f32 v35, v3  }
0xdc: {  	v44 =	vld [tilespmem:s20+$0xFFFFFF70];
	v4 =	vmul.f32 v39, v3;
	[tilespmem:s20+$0xFFFFFF10] =	vst v42  }
0xdd: {  	v45 =	vld [tilespmem:s20+$0xFFFFFF80];
	[tilespmem:s20+$0xFFFFFF00] =	vst v1;
	v1 =	vmul.f32 v38, v3  }
0xde: {  	v46 =	vmul.f32 v41, v3;
	v31 =	vld.idx.msk [tilespmem:v12+s8+$0x0], $0xffff;
	[tilespmem:s20+$0xFFFFFF30] =	vst v4  }
0xdf: {  	[tilespmem:s20+$0xFFFFFF20] =	vst v1;
	v1 =	vmul.f32 v2, v3;
	v2 =	vld [tilespmem:s20+$0xFFFFFF90]  }
0xe0: {  	v47 =	vld [tilespmem:s20+$0xFFFFFFA0];
	[tilespmem:s20+$0xFFFFFF50] =	vst v46;
	v40 =	vmul.f32 v34, v32  }
0xe1: {  	v48 =	vld [tilespmem:s20+$0xFFFFFFB0];
	[tilespmem:s20+$0xFFFFFF40] =	vst v1;
	v1 =	vmul.f32 v43, v3  }
0xe2: {  	v49 =	vld [tilespmem:s20+$0xFFFFFFC0];
	[tilespmem:s20+$0x70] =	vst v40;
	v3 =	vmul.f32 v44, v3  }
0xe3: {  	v50 =	vld [tilespmem:s20+$0xFFFFFFD0];
	[tilespmem:s20+$0xFFFFFF60] =	vst v1;
	v1 =	vmul.f32 v45, v31  }
0xe4: {  	[tilespmem:s20+$0xFFFFFF70] =	vst v3;
	v3 =	vld [tilespmem:s20+$0xFFFFFFE0];
	v2 =	vmul.f32 v2, v31  }
0xe5: {  	v51 =	vld [tilespmem:s20+$0xFFFFFFF0];
	[tilespmem:s20+$0xFFFFFF80] =	vst v1;
	v1 =	vmul.f32 v47, v31  }
0xe6: {  	v52 =	vld [tilespmem:s20+$0x0];
	[tilespmem:s20+$0xFFFFFF90] =	vst v2;
	v2 =	vmul.f32 v48, v31  }
0xe7: {  	v53 =	vld [tilespmem:s20+$0x10];
	[tilespmem:s20+$0xFFFFFFA0] =	vst v1;
	v1 =	vmul.f32 v49, v31  }
0xe8: {  	v54 =	vld [tilespmem:s20+$0x20];
	[tilespmem:s20+$0xFFFFFFB0] =	vst v2;
	v2 =	vmul.f32 v50, v31  }
0xe9: {  	[tilespmem:s20+$0xFFFFFFC0] =	vst v1;
	v1 =	vmul.f32 v3, v31;
	v3 =	vld [tilespmem:s20+$0x30]  }
0xea: {  	v55 =	vld [tilespmem:s20+$0x40];
	[tilespmem:s20+$0xFFFFFFD0] =	vst v2;
	v2 =	vmul.f32 v51, v31  }
0xeb: {  	v56 =	vld [tilespmem:s20+$0x50];
	[tilespmem:s20+$0xFFFFFFE0] =	vst v1;
	v1 =	vmul.f32 v52, v32  }
0xec: {  	v57 =	vld [tilespmem:s20+$0x60];
	[tilespmem:s20+$0xFFFFFFF0] =	vst v2;
	v2 =	vmul.f32 v53, v32  }
0xed: {  	v58 =	vld [tilespmem:s20+$0x80];
	[tilespmem:s20+$0x0] =	vst v1;
	v1 =	vmul.f32 v54, v32  }
0xee: {  	[tilespmem:s20+$0x10] =	vst v2;
	v2 =	vmul.f32 v3, v32;
	v3 =	vld [tilespmem:s20+$0x90]  }
0xef: {  	v59 =	vld [tilespmem:s20+$0xA0];
	[tilespmem:s20+$0x20] =	vst v1;
	v1 =	vmul.f32 v55, v32  }
0xf0: {  	v60 =	vld [tilespmem:s20+$0xB0];
	[tilespmem:s20+$0x30] =	vst v2;
	v2 =	vmul.f32 v56, v32  }
0xf1: {  	v61 =	vld [tilespmem:s20+$0xC0];
	[tilespmem:s20+$0x40] =	vst v1;
	v1 =	vmul.f32 v57, v32  }
0xf2: {  	v62 =	vld [tilespmem:s20+$0xD0];
	[tilespmem:s20+$0x50] =	vst v2;
	v2 =	vmul.f32 v58, v5  }
0xf3: {  	[tilespmem:s20+$0x60] =	vst v1;
	v1 =	vmul.f32 v3, v5;
	v3 =	vld [tilespmem:s20+$0xE0]  }
0xf4: {  	v63 =	vld [tilespmem:s20+$0xF0];
	[tilespmem:s20+$0x80] =	vst v2;
	v2 =	vmul.f32 v59, v5  }
0xf5: {  	[tilespmem:s20+$0x90] =	vst v1;
	v1 =	vmul.f32 v60, v5  }
0xf6: {  	[tilespmem:s20+$0xA0] =	vst v2;
	v2 =	vmul.f32 v61, v5  }
0xf7: {  	[tilespmem:s20+$0xB0] =	vst v1;
	v1 =	vmul.f32 v62, v5  }
0xf8: {  	[tilespmem:s20+$0xC0] =	vst v2;
	v2 =	vmul.f32 v3, v5  }
0xf9: {  	[tilespmem:s20+$0xD0] =	vst v1;
	v1 =	vmul.f32 v63, v5  }
0xfa: {  	[tilespmem:s20+$0xE0] =	vst v2  }
0xfb: {  	s21 =	simm.s32 $0x0;
	s22 =	simm.s32 $0x0;
	[tilespmem:s20+$0xF0] =	vst v1  }
0xfc: {  	[spmem:s5] =	stream.indirect.scatter.add.f32 [tilespmem:s13], [sflag:$0x4], $0x80, s0, s29, $0xb8;
	[tilespmem:$0x1DC00] =	vst v63  }
.LBB2_6:
0xfd: {  	_ =	swait.ge [sflag:s15], $0x2800;
	v1 =	vmov s21  }
0xfe: {  	[sflag:s15] =	ssyncset.done $0x0;
	v1 =	vand.u32 $0x7C, v1  }
0xff: {  	s12 =	simm.s32 $0x3;
	[sflag:s15] =	ssyncadd.s32 $0xFFFFD800;
	v1 =	vor.u32 $0x80, v1  }
0x100: {  	v2 =	vmov s12;
	_ =	swait.ge [sflag:s17], $0x50;
	v1 =	vbroadcast v1, $0x0  }
0x101: {  	v2 =	vand.u32 $0x7F, v2;
	[sflag:s17] =	ssyncset.done $0x0  }
0x102: {  	v2 =	vor.u32 $0x80, v2;
	[sflag:s17] =	ssyncadd.s32 $0xFFFFFFB0  }
0x103: {  	v2 =	vbroadcast v2, $0x0;
	_ =	swait.ge [sflag:s17], $0x50  }
0x104: {  	[sflag:s17] =	ssyncset.done $0x0  }
0x105: {  	[sflag:s17] =	ssyncadd.s32 $0xFFFFFFB0  }
0x106: {  	s23 =	simm.s32 $0x5570;
	v3 =	vld.idx.msk [tilespmem:v1+s8+$0x0], $0xffff  }
0x107: {  	s25 =	simm.s32 $0x1;
	v5 =	vld [tilespmem:s23+$0xFFFFFE10]  }
0x108: {  	v4 =	vmov s25;
	v6 =	vld [tilespmem:s23+$0xFFFFFE20]  }
0x109: {  	v1 =	vld.idx.msk [tilespmem:v2+s8+$0x0], $0xffff;
	v2 =	vand.u32 $0x7D, v4  }
0x10a: {  	v7 =	vld [tilespmem:s23+$0xFFFFFE30];
	v2 =	vor.u32 $0x80, v2  }
0x10b: {  	v8 =	vld [tilespmem:s23+$0xFFFFFE40];
	v2 =	vbroadcast v2, $0x0  }
0x10c: {  	v4 =	vld [tilespmem:s23+$0x0]  }
0x10d: {  	v9 =	vld [tilespmem:s23+$0xFFFFFE50]  }
0x10e: {  	v10 =	vld [tilespmem:s23+$0xFFFFFE60];
	v5 =	vmul.f32 v5, v3  }
0x10f: {  	v11 =	vld [tilespmem:s23+$0xFFFFFE70]  }
0x110: {  	s10 =	simm.s32 $0x2;
	v6 =	vmul.f32 v6, v3;
	[tilespmem:s23+$0xFFFFFE10] =	vst v5;
	v5 =	vld [tilespmem:s23+$0xFFFFFE80]  }
0x111: {  	v12 =	vmov s10;
	v4 =	vmul.f32 v4, v1;
	v13 =	vld.idx.msk [tilespmem:v2+s8+$0x0], $0xffff  }
0x112: {  	[tilespmem:s23+$0xFFFFFE20] =	vst v6;
	v6 =	vmul.f32 v8, v3;
	v2 =	vand.u32 $0x7E, v12;
	v12 =	vld [tilespmem:s23+$0xFFFFFE90]  }
0x113: {  	v8 =	vld [tilespmem:s23+$0xFFFFFEB0];
	[tilespmem:s23+$0x0] =	vst v4;
	v4 =	vmul.f32 v7, v3;
	v2 =	vor.u32 $0x80, v2  }
0x114: {  	v7 =	vld [tilespmem:s23+$0xFFFFFEA0];
	[tilespmem:s23+$0xFFFFFE40] =	vst v6;
	v6 =	vmul.f32 v10, v3;
	v2 =	vbroadcast v2, $0x0  }
0x115: {  	v10 =	vld [tilespmem:s23+$0xFFFFFED0];
	[tilespmem:s23+$0xFFFFFE30] =	vst v4;
	v4 =	vmul.f32 v9, v3  }
0x116: {  	v11 =	vmul.f32 v11, v3;
	v9 =	vld [tilespmem:s23+$0xFFFFFEC0];
	[tilespmem:s23+$0xFFFFFE60] =	vst v6;
	v3 =	vmul.f32 v5, v3  }
0x117: {  	v6 =	vld [tilespmem:s23+$0xFFFFFEF0];
	[tilespmem:s23+$0xFFFFFE50] =	vst v4;
	v4 =	vmul.f32 v12, v13  }
0x118: {  	v12 =	vld [tilespmem:s23+$0xFFFFFEE0];
	[tilespmem:s23+$0xFFFFFE80] =	vst v3  }
0x119: {  	v3 =	vmul.f32 v8, v13;
	[tilespmem:s23+$0xFFFFFE90] =	vst v4;
	v4 =	vmul.f32 v7, v13;
	v7 =	vld [tilespmem:s23+$0xFFFFFF10]  }
0x11a: {  	[tilespmem:s23+$0xFFFFFE70] =	vst v11;
	v2 =	vld.idx.msk [tilespmem:v2+s8+$0x0], $0xffff  }
0x11b: {  	v5 =	vld [tilespmem:s23+$0xFFFFFF00];
	[tilespmem:s23+$0xFFFFFEB0] =	vst v3;
	v3 =	vmul.f32 v10, v13  }
0x11c: {  	v8 =	vld [tilespmem:s23+$0xFFFFFF20];
	[tilespmem:s23+$0xFFFFFEA0] =	vst v4;
	v4 =	vmul.f32 v9, v13  }
0x11d: {  	s20 =	simm.s32 $0x4;
	v6 =	vmul.f32 v6, v13;
	v9 =	vld [tilespmem:s23+$0xFFFFFF30];
	[tilespmem:s23+$0xFFFFFED0] =	vst v3  }
0x11e: {  	v11 =	vmov s20;
	v10 =	vld [tilespmem:s23+$0xFFFFFF40];
	[tilespmem:s23+$0xFFFFFEC0] =	vst v4;
	v4 =	vmul.f32 v12, v13  }
0x11f: {  	v11 =	vand.u32 $0x7C, v11;
	v3 =	vld [tilespmem:s23+$0xFFFFFF50];
	[tilespmem:s23+$0xFFFFFEF0] =	vst v6;
	v7 =	vmul.f32 v7, v2  }
0x120: {  	s24 =	simm.s32 $0x5;
	s25 =	simm.s32 $0x6;
	v6 =	vor.u32 $0x80, v11;
	v12 =	vmul.f32 v5, v13;
	[tilespmem:s23+$0xFFFFFEE0] =	vst v4;
	v4 =	vld [tilespmem:s23+$0xFFFFFF60]  }
0x121: {  	v13 =	vmov s24;
	v5 =	vld [tilespmem:s23+$0xFFFFFF70];
	v8 =	vmul.f32 v8, v2;
	[tilespmem:s23+$0xFFFFFF10] =	vst v7;
	v7 =	vmov s25  }
0x122: {  	[tilespmem:s23+$0xFFFFFF00] =	vst v12;
	v12 =	vand.u32 $0x7D, v13;
	v9 =	vmul.f32 v9, v2;
	v11 =	vand.u32 $0x7E, v7;
	v7 =	vld [tilespmem:s23+$0xFFFFFF80]  }
0x123: {  	s12 =	simm.s32 $0x7;
	v6 =	vbroadcast v6, $0x0;
	s24 =	simm.s32 $0x5570;
	v10 =	vmul.f32 v10, v2;
	v12 =	vor.u32 $0x80, v12;
	s25 =	simm.s32 $0x8;
	[tilespmem:s23+$0xFFFFFF20] =	vst v8;
	v8 =	vld [tilespmem:s23+$0xFFFFFF90]  }
.LBB2_7:
0x124: {  	p1 =	slt.u32 s25, $0x4C;
	v11 =	vor.u32 $0x80, v11;
	v13 =	vmov s12;
	[tilespmem:s23+$0xFFFFFF30] =	vst v9;
	v3 =	vmul.f32 v3, v2;
	v9 =	vld [tilespmem:s23+$0xFFFFFFA0]  }
0x125: {  	v12 =	vbroadcast v12, $0x0;
	v13 =	vand.u32 $0x7F, v13;
	[tilespmem:s23+$0xFFFFFF40] =	vst v10;
	v4 =	vmul.f32 v4, v2;
	v10 =	vld [tilespmem:s23+$0xFFFFFFB0]  }
0x126: {  	v11 =	vbroadcast v11, $0x0;
	v13 =	vor.u32 $0x80, v13;
	[tilespmem:s23+$0xFFFFFF50] =	vst v3;
	v3 =	vmul.f32 v5, v2;
	v5 =	vld [tilespmem:s23+$0xFFFFFFC0]  }
0x127: {  	v13 =	vbroadcast v13, $0x0;
	[tilespmem:s23+$0xFFFFFF60] =	vst v4;
	v2 =	vmul.f32 v7, v2;
	v4 =	vld [tilespmem:s23+$0xFFFFFFD0]  }
0x128: {  	[tilespmem:s23+$0xFFFFFF70] =	vst v3;
	v3 =	vmul.f32 v8, v1;
	v7 =	vld [tilespmem:s23+$0xFFFFFFE0]  }
0x129: {  	[tilespmem:s23+$0xFFFFFF80] =	vst v2;
	v2 =	vmul.f32 v9, v1;
	v8 =	vld [tilespmem:s23+$0xFFFFFFF0]  }
0x12a: {  	v6 =	vld.idx.msk [tilespmem:v6+s8+$0x0], $0xffff;
	[tilespmem:s23+$0xFFFFFF90] =	vst v3;
	v3 =	vmul.f32 v10, v1  }
0x12b: {  	v9 =	vld.idx.msk [tilespmem:v12+s8+$0x0], $0xffff;
	[tilespmem:s23+$0xFFFFFFA0] =	vst v2;
	v5 =	vmul.f32 v5, v1  }
0x12c: {  	v2 =	vld.idx.msk [tilespmem:v11+s8+$0x0], $0xffff;
	[tilespmem:s23+$0xFFFFFFB0] =	vst v3;
	v3 =	vmul.f32 v4, v1  }
0x12d: {  	s23 =	sadd.s32 $0x200, s23;
	v4 =	vld.idx.msk [tilespmem:v13+s8+$0x0], $0xffff;
	[tilespmem:s24+$0xFFFFFFC0] =	vst v5;
	v5 =	vmul.f32 v7, v1  }
0x12e: {  	v7 =	vld [tilespmem:s23+$0x0];
	[tilespmem:s24+$0xFFFFFFD0] =	vst v3;
	v1 =	vmul.f32 v8, v1  }
0x12f: {  	v3 =	vld [tilespmem:s23+$0xFFFFFE10];
	[tilespmem:s24+$0xFFFFFFE0] =	vst v5  }
0x130: {  	v5 =	vld [tilespmem:s23+$0xFFFFFE20];
	[tilespmem:s24+$0xFFFFFFF0] =	vst v1;
	s24 =	smov.u32 s23  }
0x131: {  	v8 =	vld [tilespmem:s23+$0xFFFFFE30]  }
0x132: {  	v10 =	vld [tilespmem:s23+$0xFFFFFE40]  }
0x133: {  	v1 =	vmov v4;
	v11 =	vld [tilespmem:s23+$0xFFFFFE50];
	v7 =	vmul.f32 v7, v4  }
0x134: {  	v3 =	vmul.f32 v3, v6;
	v4 =	vld [tilespmem:s23+$0xFFFFFE60]  }
0x135: {  	v5 =	vmul.f32 v5, v6;
	v12 =	vld [tilespmem:s23+$0xFFFFFE70];
	[tilespmem:s23+$0x0] =	vst v7  }
0x136: {  	[tilespmem:s23+$0xFFFFFE10] =	vst v3;
	v3 =	vmul.f32 v8, v6;
	v7 =	vld [tilespmem:s23+$0xFFFFFE80]  }
0x137: {  	[tilespmem:s23+$0xFFFFFE20] =	vst v5;
	v5 =	vmul.f32 v10, v6;
	v8 =	vld [tilespmem:s23+$0xFFFFFE90]  }
0x138: {  	[tilespmem:s23+$0xFFFFFE30] =	vst v3;
	v3 =	vmul.f32 v11, v6;
	v10 =	vld [tilespmem:s23+$0xFFFFFEA0]  }
0x139: {  	[tilespmem:s23+$0xFFFFFE40] =	vst v5;
	v4 =	vmul.f32 v4, v6;
	v5 =	vld [tilespmem:s23+$0xFFFFFEB0]  }
0x13a: {  	[tilespmem:s23+$0xFFFFFE50] =	vst v3;
	v3 =	vmul.f32 v12, v6;
	v11 =	vld [tilespmem:s23+$0xFFFFFEC0]  }
0x13b: {  	[tilespmem:s23+$0xFFFFFE60] =	vst v4;
	v4 =	vmul.f32 v7, v6;
	v6 =	vld [tilespmem:s23+$0xFFFFFED0]  }
0x13c: {  	[tilespmem:s23+$0xFFFFFE70] =	vst v3;
	v3 =	vmul.f32 v8, v9;
	v7 =	vld [tilespmem:s23+$0xFFFFFEE0]  }
0x13d: {  	[tilespmem:s23+$0xFFFFFE80] =	vst v4;
	v4 =	vmul.f32 v10, v9;
	v8 =	vld [tilespmem:s23+$0xFFFFFEF0]  }
0x13e: {  	[tilespmem:s23+$0xFFFFFE90] =	vst v3;
	v3 =	vmul.f32 v5, v9;
	v5 =	vld [tilespmem:s23+$0xFFFFFF00]  }
0x13f: {  	[tilespmem:s23+$0xFFFFFEA0] =	vst v4;
	v4 =	vmul.f32 v11, v9;
	v10 =	vld [tilespmem:s23+$0xFFFFFF10]  }
0x140: {  	[tilespmem:s23+$0xFFFFFEB0] =	vst v3;
	v3 =	vmul.f32 v6, v9;
	v6 =	vld [tilespmem:s23+$0xFFFFFF20]  }
0x141: {  	[tilespmem:s23+$0xFFFFFEC0] =	vst v4;
	v4 =	vmul.f32 v7, v9;
	v7 =	vld [tilespmem:s23+$0xFFFFFF30]  }
0x142: {  	[tilespmem:s23+$0xFFFFFED0] =	vst v3;
	v8 =	vmul.f32 v8, v9;
	v13 =	vld [tilespmem:s23+$0xFFFFFF40]  }
.Ltmp2:
0x143: {  	s12 =	sadd.s32 $0x1, s25;
	v11 =	vmov s25;
	[tilespmem:s23+$0xFFFFFEE0] =	vst v4;
	v5 =	vmul.f32 v5, v9;
	v3 =	vld [tilespmem:s23+$0xFFFFFF50];
	(pc) =	sbr.rel @p1 .LBB2_7-.Ltmp2, $4  }
0x144: {  	v9 =	vand.u32 $0x7C, v11;
	v11 =	vmov s12;
	s12 =	sadd.s32 $0x2, s25;
	[tilespmem:s23+$0xFFFFFEF0] =	vst v8;
	v8 =	vmul.f32 v10, v2;
	v4 =	vld [tilespmem:s23+$0xFFFFFF60]  }
0x145: {  	v10 =	vor.u32 $0x80, v9;
	v9 =	vmov s12;
	[tilespmem:s23+$0xFFFFFF00] =	vst v5;
	v14 =	vmul.f32 v6, v2;
	v5 =	vld [tilespmem:s23+$0xFFFFFF70]  }
0x146: {  	v12 =	vand.u32 $0x7D, v11;
	v11 =	vand.u32 $0x7E, v9;
	[tilespmem:s23+$0xFFFFFF10] =	vst v8;
	v9 =	vmul.f32 v7, v2;
	v7 =	vld [tilespmem:s23+$0xFFFFFF80]  }
0x147: {  	s12 =	sadd.s32 $0x3, s25;
	s25 =	sadd.s32 $0x4, s25;
	v6 =	vbroadcast v10, $0x0;
	v12 =	vor.u32 $0x80, v12;
	[tilespmem:s23+$0xFFFFFF20] =	vst v14;
	v10 =	vmul.f32 v13, v2;
	v8 =	vld [tilespmem:s23+$0xFFFFFF90]  }
0x148: {  	v14 =	vld [tilespmem:s23+$0xFFFFFFA0]  }
0x149: {  	v15 =	vld [tilespmem:s23+$0xFFFFFFB0]  }
0x14a: {  	v13 =	vmov s12;
	v11 =	vor.u32 $0x80, v11;
	v12 =	vbroadcast v12, $0x0;
	v16 =	vld [tilespmem:s23+$0xFFFFFFC0]  }
0x14b: {  	v17 =	vld [tilespmem:s23+$0xFFFFFFD0];
	[tilespmem:s23+$0xFFFFFF30] =	vst v9;
	v3 =	vmul.f32 v3, v2;
	v13 =	vand.u32 $0x7F, v13;
	v11 =	vbroadcast v11, $0x0  }
0x14c: {  	v9 =	vld [tilespmem:s23+$0xFFFFFFE0];
	[tilespmem:s23+$0xFFFFFF40] =	vst v10;
	v4 =	vmul.f32 v4, v2;
	v13 =	vor.u32 $0x80, v13  }
0x14d: {  	v10 =	vld [tilespmem:s23+$0xFFFFFFF0];
	[tilespmem:s23+$0xFFFFFF50] =	vst v3;
	v3 =	vmul.f32 v5, v2;
	v13 =	vbroadcast v13, $0x0  }
0x14e: {  	s20 =	sadd.s32 $0x200, s23;
	v5 =	vld.idx.msk [tilespmem:v6+s8+$0x0], $0xffff;
	[tilespmem:s23+$0xFFFFFF60] =	vst v4;
	v2 =	vmul.f32 v7, v2  }
0x14f: {  	[tilespmem:s23+$0xFFFFFF70] =	vst v3;
	v3 =	vmul.f32 v8, v1;
	v8 =	vld [tilespmem:s20+$0x0]  }
0x150: {  	[tilespmem:s23+$0xFFFFFF80] =	vst v2;
	v2 =	vmul.f32 v14, v1;
	v4 =	vld.idx.msk [tilespmem:v12+s8+$0x0], $0xffff  }
0x151: {  	[tilespmem:s23+$0xFFFFFF90] =	vst v3;
	v3 =	vmul.f32 v15, v1;
	v6 =	vld.idx.msk [tilespmem:v11+s8+$0x0], $0xffff  }
0x152: {  	[tilespmem:s23+$0xFFFFFFA0] =	vst v2;
	v2 =	vmul.f32 v16, v1;
	v11 =	vld [tilespmem:s20+$0xFFFFFE10]  }
0x153: {  	[tilespmem:s23+$0xFFFFFFB0] =	vst v3;
	v3 =	vmul.f32 v17, v1;
	v7 =	vld.idx.msk [tilespmem:v13+s8+$0x0], $0xffff  }
0x154: {  	v12 =	vld [tilespmem:s20+$0xFFFFFE20];
	[tilespmem:s24+$0xFFFFFFC0] =	vst v2;
	v2 =	vmul.f32 v9, v1  }
0x155: {  	v9 =	vld [tilespmem:s20+$0xFFFFFE30];
	v1 =	vmul.f32 v10, v1;
	[tilespmem:s24+$0xFFFFFFD0] =	vst v3  }
0x156: {  	v3 =	vld [tilespmem:s20+$0xFFFFFE40];
	[tilespmem:s24+$0xFFFFFFE0] =	vst v2  }
0x157: {  	v2 =	vld [tilespmem:s20+$0xFFFFFE50];
	[tilespmem:s24+$0xFFFFFFF0] =	vst v1;
	v1 =	vmul.f32 v11, v5  }
0x158: {  	v10 =	vld [tilespmem:s20+$0xFFFFFE60];
	v8 =	vmul.f32 v8, v7  }
0x159: {  	v11 =	vmul.f32 v12, v5;
	v12 =	vld [tilespmem:s20+$0xFFFFFE70];
	[tilespmem:s20+$0xFFFFFE10] =	vst v1  }
0x15a: {  	v1 =	vmul.f32 v9, v5;
	[tilespmem:s20+$0x0] =	vst v8;
	v8 =	vld [tilespmem:s20+$0xFFFFFE80]  }
0x15b: {  	[tilespmem:s20+$0xFFFFFE20] =	vst v11;
	v9 =	vld [tilespmem:s20+$0xFFFFFE90];
	v3 =	vmul.f32 v3, v5  }
0x15c: {  	[tilespmem:s20+$0xFFFFFE30] =	vst v1;
	v1 =	vmul.f32 v2, v5;
	v2 =	vld [tilespmem:s20+$0xFFFFFEA0]  }
0x15d: {  	[tilespmem:s20+$0xFFFFFE40] =	vst v3;
	v3 =	vmul.f32 v10, v5;
	v10 =	vld [tilespmem:s20+$0xFFFFFEB0]  }
0x15e: {  	v11 =	vld [tilespmem:s20+$0xFFFFFEC0];
	[tilespmem:s20+$0xFFFFFE50] =	vst v1;
	v1 =	vmul.f32 v12, v5  }
0x15f: {  	[tilespmem:s20+$0xFFFFFE60] =	vst v3;
	v3 =	vmul.f32 v8, v5;
	v5 =	vld [tilespmem:s20+$0xFFFFFED0]  }
0x160: {  	[tilespmem:s20+$0xFFFFFE70] =	vst v1;
	v1 =	vmul.f32 v9, v4;
	v8 =	vld [tilespmem:s20+$0xFFFFFEE0]  }
0x161: {  	v2 =	vmul.f32 v2, v4;
	[tilespmem:s20+$0xFFFFFE80] =	vst v3;
	v3 =	vld [tilespmem:s20+$0xFFFFFEF0]  }
0x162: {  	v9 =	vld [tilespmem:s20+$0xFFFFFF00];
	[tilespmem:s20+$0xFFFFFE90] =	vst v1;
	v1 =	vmul.f32 v10, v4  }
0x163: {  	v10 =	vld [tilespmem:s20+$0xFFFFFF10];
	[tilespmem:s20+$0xFFFFFEA0] =	vst v2;
	v2 =	vmul.f32 v11, v4  }
0x164: {  	[tilespmem:s20+$0xFFFFFEB0] =	vst v1;
	v1 =	vmul.f32 v5, v4;
	v5 =	vld [tilespmem:s20+$0xFFFFFF20]  }
0x165: {  	[tilespmem:s20+$0xFFFFFEC0] =	vst v2;
	v2 =	vmul.f32 v8, v4;
	v8 =	vld [tilespmem:s20+$0xFFFFFF30]  }
0x166: {  	[tilespmem:s20+$0xFFFFFED0] =	vst v1;
	v1 =	vmul.f32 v3, v4;
	v3 =	vld [tilespmem:s20+$0xFFFFFF40]  }
0x167: {  	[tilespmem:s20+$0xFFFFFEE0] =	vst v2;
	v2 =	vmul.f32 v9, v4;
	v4 =	vld [tilespmem:s20+$0xFFFFFF50]  }
0x168: {  	v9 =	vld [tilespmem:s20+$0xFFFFFF60];
	[tilespmem:s20+$0xFFFFFEF0] =	vst v1;
	v1 =	vmul.f32 v10, v6  }
0x169: {  	[tilespmem:s20+$0xFFFFFF00] =	vst v2;
	v2 =	vmul.f32 v5, v6;
	v5 =	vld [tilespmem:s20+$0xFFFFFF70]  }
0x16a: {  	[tilespmem:s20+$0xFFFFFF10] =	vst v1;
	v1 =	vmul.f32 v8, v6;
	v8 =	vld [tilespmem:s20+$0xFFFFFF80]  }
0x16b: {  	[tilespmem:s20+$0xFFFFFF20] =	vst v2;
	v2 =	vmul.f32 v3, v6;
	v3 =	vld [tilespmem:s20+$0xFFFFFF90]  }
0x16c: {  	[tilespmem:s20+$0xFFFFFF30] =	vst v1;
	v1 =	vmul.f32 v4, v6;
	v4 =	vld [tilespmem:s20+$0xFFFFFFA0]  }
0x16d: {  	[tilespmem:s20+$0xFFFFFF40] =	vst v2;
	v2 =	vmul.f32 v9, v6;
	v9 =	vld [tilespmem:s20+$0xFFFFFFB0]  }
0x16e: {  	[tilespmem:s20+$0xFFFFFF50] =	vst v1;
	v1 =	vmul.f32 v5, v6;
	v5 =	vld [tilespmem:s20+$0xFFFFFFC0]  }
0x16f: {  	[tilespmem:s20+$0xFFFFFF60] =	vst v2;
	v2 =	vmul.f32 v8, v6;
	v6 =	vld [tilespmem:s20+$0xFFFFFFD0]  }
0x170: {  	[tilespmem:s20+$0xFFFFFF70] =	vst v1;
	v1 =	vmul.f32 v3, v7;
	v3 =	vld [tilespmem:s20+$0xFFFFFFE0]  }
0x171: {  	[tilespmem:s20+$0xFFFFFF80] =	vst v2;
	v2 =	vmul.f32 v4, v7;
	v4 =	vld [tilespmem:s20+$0xFFFFFFF0]  }
0x172: {  	[tilespmem:s20+$0xFFFFFF90] =	vst v1;
	v1 =	vmul.f32 v9, v7  }
0x173: {  	[tilespmem:s20+$0xFFFFFFA0] =	vst v2;
	v2 =	vmul.f32 v5, v7  }
0x174: {  	[tilespmem:s20+$0xFFFFFFB0] =	vst v1;
	v1 =	vmul.f32 v6, v7  }
0x175: {  	s23 =	smul.u32 $0xF0, s22;
	[tilespmem:s20+$0xFFFFFFC0] =	vst v2;
	v2 =	vmul.f32 v3, v7  }
0x176: {  	[tilespmem:s20+$0xFFFFFFD0] =	vst v1;
	v1 =	vmul.f32 v4, v7  }
0x177: {  	s10 =	sadd.s32 $0xF0, s23;
	[tilespmem:s20+$0xFFFFFFE0] =	vst v2  }
0x178: {  	s24 =	sadd.s32 s6, s10;
	[tilespmem:s20+$0xFFFFFFF0] =	vst v1  }
0x179: {  	[spmem:s5] =	stream.indirect.scatter.add.f32 [tilespmem:s30], [sflag:$0x5], $0x80, s9, s29, $0xb8;
	[tilespmem:$0x1DC00] =	vst v63  }
0x17a: {  	s20 =	sshrl.u32 s24, $0x3;
	_ =	swait.ge [sflag:s28], $0x2800  }
0x17b: {  	s25 =	sadd.s32 s2, s20;
	[sflag:s28] =	ssyncset.done $0x0  }
0x17c: {  	s24 =	sadd.s32 $0x9C40, s25;
	s25 =	simm.s32 $0x0;
	[sflag:s28] =	ssyncadd.s32 $0xFFFFD800  }
0x17d: {  	[tilespmem:s0], [sflag:$0x7] =	stream.linear.gather [hbm4b:s24+s25], $0x50, $0x38;
	[tilespmem:$0x1DC00] =	vst v63  }
0x17e: {  	s20 =	sadd.s32 s3, s20  }
0x17f: {  	[tilespmem:s8], [sflag:$0x7] =	stream.linear.gather [hbm4b:s20+s25], $0x50, $0x38;
	[tilespmem:$0x1DC00] =	vst v63  }
0x180: {  	_ = 	snop  }
0x181: {  	[tilespmem:s13], [sflag:$0x1] =	stream.indirect.gather [hbm4b:s1+s29], $0x80, s10, s29, $0xb8;
	[tilespmem:$0x1DC00] =	vst v63  }
0x182: {  	v1 =	vmov s25;
	s10 =	simm.s32 $0x3;
	_ =	swait.ge [sflag:s26], $0x2800  }
0x183: {  	v1 =	vand.u32 $0x7C, v1;
	v2 =	vmov s10;
	[sflag:s26] =	ssyncset.done $0x0  }
0x184: {  	v1 =	vor.u32 $0x100, v1;
	v2 =	vand.u32 $0x7F, v2;
	[sflag:s26] =	ssyncadd.s32 $0xFFFFD800  }
0x185: {  	v1 =	vbroadcast v1, $0x0;
	v2 =	vor.u32 $0x100, v2;
	_ =	swait.ge [sflag:s16], $0x50  }
0x186: {  	v2 =	vbroadcast v2, $0x0;
	[sflag:s16] =	ssyncset.done $0x0  }
0x187: {  	[sflag:s16] =	ssyncadd.s32 $0xFFFFFFB0  }
0x188: {  	_ =	swait.ge [sflag:s16], $0x50  }
0x189: {  	[sflag:s16] =	ssyncset.done $0x0  }
0x18a: {  	[sflag:s16] =	ssyncadd.s32 $0xFFFFFFB0  }
0x18b: {  	s20 =	simm.s32 $0x1;
	v3 =	vld.idx.msk [tilespmem:v1+s8+$0x0], $0xffff  }
0x18c: {  	s24 =	simm.s32 $0x7D70;
	v4 =	vmov s20;
	v1 =	vld.idx.msk [tilespmem:v2+s8+$0x0], $0xffff  }
0x18d: {  	v2 =	vand.u32 $0x7D, v4;
	v4 =	vld [tilespmem:s24+$0x0]  }
0x18e: {  	v5 =	vld [tilespmem:s24+$0xFFFFFE10]  }
0x18f: {  	v6 =	vld [tilespmem:s24+$0xFFFFFE20]  }
0x190: {  	v7 =	vld [tilespmem:s24+$0xFFFFFE30];
	v2 =	vor.u32 $0x100, v2  }
0x191: {  	v8 =	vld [tilespmem:s24+$0xFFFFFE40];
	v2 =	vbroadcast v2, $0x0  }
0x192: {  	v9 =	vld [tilespmem:s24+$0xFFFFFE50]  }
0x193: {  	v10 =	vld [tilespmem:s24+$0xFFFFFE60];
	v5 =	vmul.f32 v5, v3  }
0x194: {  	v11 =	vld [tilespmem:s24+$0xFFFFFE70];
	v4 =	vmul.f32 v4, v1  }
0x195: {  	[tilespmem:s24+$0xFFFFFE10] =	vst v5;
	v5 =	vld [tilespmem:s24+$0xFFFFFE80]  }
0x196: {  	s25 =	simm.s32 $0x2;
	v6 =	vmul.f32 v6, v3;
	[tilespmem:s24+$0x0] =	vst v4;
	v4 =	vmul.f32 v7, v3;
	v7 =	vld [tilespmem:s24+$0xFFFFFEA0]  }
0x197: {  	v12 =	vmov s25;
	v13 =	vld.idx.msk [tilespmem:v2+s8+$0x0], $0xffff  }
0x198: {  	[tilespmem:s24+$0xFFFFFE20] =	vst v6;
	v6 =	vmul.f32 v8, v3;
	v2 =	vand.u32 $0x7E, v12;
	v12 =	vld [tilespmem:s24+$0xFFFFFE90]  }
0x199: {  	v11 =	vmul.f32 v11, v3;
	v8 =	vld [tilespmem:s24+$0xFFFFFEB0];
	v2 =	vor.u32 $0x100, v2;
	[tilespmem:s24+$0xFFFFFE30] =	vst v4;
	v4 =	vmul.f32 v9, v3  }
0x19a: {  	v9 =	vld [tilespmem:s24+$0xFFFFFEC0];
	[tilespmem:s24+$0xFFFFFE40] =	vst v6;
	v6 =	vmul.f32 v10, v3;
	v2 =	vbroadcast v2, $0x0  }
0x19b: {  	[tilespmem:s24+$0xFFFFFE70] =	vst v11;
	v10 =	vld [tilespmem:s24+$0xFFFFFED0]  }
0x19c: {  	[tilespmem:s24+$0xFFFFFE60] =	vst v6;
	v6 =	vld [tilespmem:s24+$0xFFFFFEF0];
	v3 =	vmul.f32 v5, v3  }
0x19d: {  	[tilespmem:s24+$0xFFFFFE50] =	vst v4;
	v5 =	vld [tilespmem:s24+$0xFFFFFF00];
	v4 =	vmul.f32 v12, v13  }
0x19e: {  	v12 =	vld [tilespmem:s24+$0xFFFFFEE0];
	[tilespmem:s24+$0xFFFFFE80] =	vst v3;
	v3 =	vmul.f32 v8, v13  }
0x19f: {  	[tilespmem:s24+$0xFFFFFE90] =	vst v4;
	v4 =	vmul.f32 v7, v13;
	v7 =	vld [tilespmem:s24+$0xFFFFFF10]  }
0x1a0: {  	v2 =	vld.idx.msk [tilespmem:v2+s8+$0x0], $0xffff;
	[tilespmem:s24+$0xFFFFFEB0] =	vst v3;
	v3 =	vmul.f32 v10, v13  }
0x1a1: {  	v8 =	vld [tilespmem:s24+$0xFFFFFF20];
	[tilespmem:s24+$0xFFFFFEA0] =	vst v4;
	v4 =	vmul.f32 v9, v13  }
0x1a2: {  	s10 =	simm.s32 $0x4;
	v6 =	vmul.f32 v6, v13;
	v9 =	vld [tilespmem:s24+$0xFFFFFF30];
	[tilespmem:s24+$0xFFFFFED0] =	vst v3  }
0x1a3: {  	v11 =	vmov s10;
	v10 =	vld [tilespmem:s24+$0xFFFFFF40];
	[tilespmem:s24+$0xFFFFFEC0] =	vst v4;
	v4 =	vmul.f32 v12, v13  }
0x1a4: {  	v11 =	vand.u32 $0x7C, v11;
	v3 =	vld [tilespmem:s24+$0xFFFFFF50];
	[tilespmem:s24+$0xFFFFFEF0] =	vst v6;
	v12 =	vmul.f32 v5, v13  }
0x1a5: {  	s20 =	simm.s32 $0x5;
	s25 =	simm.s32 $0x6;
	v6 =	vor.u32 $0x100, v11;
	[tilespmem:s24+$0xFFFFFEE0] =	vst v4;
	v7 =	vmul.f32 v7, v2;
	v4 =	vld [tilespmem:s24+$0xFFFFFF60]  }
0x1a6: {  	v11 =	vmov s25;
	v13 =	vmov s20;
	v5 =	vld [tilespmem:s24+$0xFFFFFF70];
	v8 =	vmul.f32 v8, v2;
	[tilespmem:s24+$0xFFFFFF00] =	vst v12  }
0x1a7: {  	v11 =	vand.u32 $0x7E, v11;
	v12 =	vand.u32 $0x7D, v13;
	v9 =	vmul.f32 v9, v2;
	[tilespmem:s24+$0xFFFFFF10] =	vst v7;
	v7 =	vld [tilespmem:s24+$0xFFFFFF80]  }
0x1a8: {  	s12 =	simm.s32 $0x7;
	s25 =	simm.s32 $0x7D70;
	v6 =	vbroadcast v6, $0x0;
	s20 =	simm.s32 $0x8;
	v10 =	vmul.f32 v10, v2;
	v12 =	vor.u32 $0x100, v12;
	[tilespmem:s24+$0xFFFFFF20] =	vst v8;
	v8 =	vld [tilespmem:s24+$0xFFFFFF90]  }
.LBB2_9:
0x1a9: {  	p1 =	slt.u32 s20, $0x4C;
	v11 =	vor.u32 $0x100, v11;
	v13 =	vmov s12;
	[tilespmem:s24+$0xFFFFFF30] =	vst v9;
	v3 =	vmul.f32 v3, v2;
	v9 =	vld [tilespmem:s24+$0xFFFFFFA0]  }
0x1aa: {  	v12 =	vbroadcast v12, $0x0;
	v13 =	vand.u32 $0x7F, v13;
	[tilespmem:s24+$0xFFFFFF40] =	vst v10;
	v4 =	vmul.f32 v4, v2;
	v10 =	vld [tilespmem:s24+$0xFFFFFFB0]  }
0x1ab: {  	v11 =	vbroadcast v11, $0x0;
	v13 =	vor.u32 $0x100, v13;
	[tilespmem:s24+$0xFFFFFF50] =	vst v3;
	v3 =	vmul.f32 v5, v2;
	v5 =	vld [tilespmem:s24+$0xFFFFFFC0]  }
0x1ac: {  	v13 =	vbroadcast v13, $0x0;
	[tilespmem:s24+$0xFFFFFF60] =	vst v4;
	v2 =	vmul.f32 v7, v2;
	v4 =	vld [tilespmem:s24+$0xFFFFFFD0]  }
0x1ad: {  	[tilespmem:s24+$0xFFFFFF70] =	vst v3;
	v3 =	vmul.f32 v8, v1;
	v7 =	vld [tilespmem:s24+$0xFFFFFFE0]  }
0x1ae: {  	[tilespmem:s24+$0xFFFFFF80] =	vst v2;
	v2 =	vmul.f32 v9, v1;
	v8 =	vld [tilespmem:s24+$0xFFFFFFF0]  }
0x1af: {  	v6 =	vld.idx.msk [tilespmem:v6+s8+$0x0], $0xffff;
	[tilespmem:s24+$0xFFFFFF90] =	vst v3;
	v3 =	vmul.f32 v10, v1  }
0x1b0: {  	v9 =	vld.idx.msk [tilespmem:v12+s8+$0x0], $0xffff;
	[tilespmem:s24+$0xFFFFFFA0] =	vst v2;
	v5 =	vmul.f32 v5, v1  }
0x1b1: {  	v2 =	vld.idx.msk [tilespmem:v11+s8+$0x0], $0xffff;
	[tilespmem:s24+$0xFFFFFFB0] =	vst v3;
	v3 =	vmul.f32 v4, v1  }
0x1b2: {  	s24 =	sadd.s32 $0x200, s24;
	v4 =	vld.idx.msk [tilespmem:v13+s8+$0x0], $0xffff;
	[tilespmem:s25+$0xFFFFFFC0] =	vst v5;
	v5 =	vmul.f32 v7, v1  }
0x1b3: {  	v7 =	vld [tilespmem:s24+$0x0];
	[tilespmem:s25+$0xFFFFFFD0] =	vst v3;
	v1 =	vmul.f32 v8, v1  }
0x1b4: {  	v3 =	vld [tilespmem:s24+$0xFFFFFE10];
	[tilespmem:s25+$0xFFFFFFE0] =	vst v5  }
0x1b5: {  	v5 =	vld [tilespmem:s24+$0xFFFFFE20];
	[tilespmem:s25+$0xFFFFFFF0] =	vst v1;
	s25 =	smov.u32 s24  }
0x1b6: {  	v8 =	vld [tilespmem:s24+$0xFFFFFE30]  }
0x1b7: {  	v10 =	vld [tilespmem:s24+$0xFFFFFE40]  }
0x1b8: {  	v1 =	vmov v4;
	v11 =	vld [tilespmem:s24+$0xFFFFFE50];
	v7 =	vmul.f32 v7, v4  }
0x1b9: {  	v3 =	vmul.f32 v3, v6;
	v4 =	vld [tilespmem:s24+$0xFFFFFE60]  }
0x1ba: {  	v5 =	vmul.f32 v5, v6;
	v12 =	vld [tilespmem:s24+$0xFFFFFE70];
	[tilespmem:s24+$0x0] =	vst v7  }
0x1bb: {  	[tilespmem:s24+$0xFFFFFE10] =	vst v3;
	v3 =	vmul.f32 v8, v6;
	v7 =	vld [tilespmem:s24+$0xFFFFFE80]  }
0x1bc: {  	[tilespmem:s24+$0xFFFFFE20] =	vst v5;
	v5 =	vmul.f32 v10, v6;
	v8 =	vld [tilespmem:s24+$0xFFFFFE90]  }
0x1bd: {  	[tilespmem:s24+$0xFFFFFE30] =	vst v3;
	v3 =	vmul.f32 v11, v6;
	v10 =	vld [tilespmem:s24+$0xFFFFFEA0]  }
0x1be: {  	[tilespmem:s24+$0xFFFFFE40] =	vst v5;
	v4 =	vmul.f32 v4, v6;
	v5 =	vld [tilespmem:s24+$0xFFFFFEB0]  }
0x1bf: {  	[tilespmem:s24+$0xFFFFFE50] =	vst v3;
	v3 =	vmul.f32 v12, v6;
	v11 =	vld [tilespmem:s24+$0xFFFFFEC0]  }
0x1c0: {  	[tilespmem:s24+$0xFFFFFE60] =	vst v4;
	v4 =	vmul.f32 v7, v6;
	v6 =	vld [tilespmem:s24+$0xFFFFFED0]  }
0x1c1: {  	[tilespmem:s24+$0xFFFFFE70] =	vst v3;
	v3 =	vmul.f32 v8, v9;
	v7 =	vld [tilespmem:s24+$0xFFFFFEE0]  }
0x1c2: {  	[tilespmem:s24+$0xFFFFFE80] =	vst v4;
	v4 =	vmul.f32 v10, v9;
	v8 =	vld [tilespmem:s24+$0xFFFFFEF0]  }
0x1c3: {  	[tilespmem:s24+$0xFFFFFE90] =	vst v3;
	v3 =	vmul.f32 v5, v9;
	v5 =	vld [tilespmem:s24+$0xFFFFFF00]  }
0x1c4: {  	[tilespmem:s24+$0xFFFFFEA0] =	vst v4;
	v4 =	vmul.f32 v11, v9;
	v10 =	vld [tilespmem:s24+$0xFFFFFF10]  }
0x1c5: {  	[tilespmem:s24+$0xFFFFFEB0] =	vst v3;
	v3 =	vmul.f32 v6, v9;
	v6 =	vld [tilespmem:s24+$0xFFFFFF20]  }
0x1c6: {  	[tilespmem:s24+$0xFFFFFEC0] =	vst v4;
	v4 =	vmul.f32 v7, v9;
	v7 =	vld [tilespmem:s24+$0xFFFFFF30]  }
0x1c7: {  	[tilespmem:s24+$0xFFFFFED0] =	vst v3;
	v8 =	vmul.f32 v8, v9;
	v13 =	vld [tilespmem:s24+$0xFFFFFF40]  }
.Ltmp3:
0x1c8: {  	s12 =	sadd.s32 $0x1, s20;
	v11 =	vmov s20;
	[tilespmem:s24+$0xFFFFFEE0] =	vst v4;
	v5 =	vmul.f32 v5, v9;
	v3 =	vld [tilespmem:s24+$0xFFFFFF50];
	(pc) =	sbr.rel @p1 .LBB2_9-.Ltmp3, $4  }
0x1c9: {  	v9 =	vand.u32 $0x7C, v11;
	v11 =	vmov s12;
	s12 =	sadd.s32 $0x2, s20;
	[tilespmem:s24+$0xFFFFFEF0] =	vst v8;
	v8 =	vmul.f32 v10, v2;
	v4 =	vld [tilespmem:s24+$0xFFFFFF60]  }
0x1ca: {  	v10 =	vor.u32 $0x100, v9;
	v9 =	vmov s12;
	[tilespmem:s24+$0xFFFFFF00] =	vst v5;
	v14 =	vmul.f32 v6, v2;
	v5 =	vld [tilespmem:s24+$0xFFFFFF70]  }
0x1cb: {  	v12 =	vand.u32 $0x7D, v11;
	v11 =	vand.u32 $0x7E, v9;
	[tilespmem:s24+$0xFFFFFF10] =	vst v8;
	v9 =	vmul.f32 v7, v2;
	v7 =	vld [tilespmem:s24+$0xFFFFFF80]  }
0x1cc: {  	s12 =	sadd.s32 $0x3, s20;
	s20 =	sadd.s32 $0x4, s20;
	v6 =	vbroadcast v10, $0x0;
	v12 =	vor.u32 $0x100, v12;
	[tilespmem:s24+$0xFFFFFF20] =	vst v14;
	v10 =	vmul.f32 v13, v2;
	v8 =	vld [tilespmem:s24+$0xFFFFFF90]  }
0x1cd: {  	v14 =	vld [tilespmem:s24+$0xFFFFFFA0]  }
0x1ce: {  	v15 =	vld [tilespmem:s24+$0xFFFFFFB0]  }
0x1cf: {  	v13 =	vmov s12;
	v11 =	vor.u32 $0x100, v11;
	v12 =	vbroadcast v12, $0x0;
	v16 =	vld [tilespmem:s24+$0xFFFFFFC0]  }
0x1d0: {  	v17 =	vld [tilespmem:s24+$0xFFFFFFD0];
	[tilespmem:s24+$0xFFFFFF30] =	vst v9;
	v3 =	vmul.f32 v3, v2;
	v13 =	vand.u32 $0x7F, v13;
	v11 =	vbroadcast v11, $0x0  }
0x1d1: {  	v9 =	vld [tilespmem:s24+$0xFFFFFFE0];
	[tilespmem:s24+$0xFFFFFF40] =	vst v10;
	v4 =	vmul.f32 v4, v2;
	v13 =	vor.u32 $0x100, v13  }
0x1d2: {  	v10 =	vld [tilespmem:s24+$0xFFFFFFF0];
	[tilespmem:s24+$0xFFFFFF50] =	vst v3;
	v3 =	vmul.f32 v5, v2;
	v13 =	vbroadcast v13, $0x0  }
0x1d3: {  	s20 =	sadd.s32 $0x200, s24;
	v5 =	vld.idx.msk [tilespmem:v6+s8+$0x0], $0xffff;
	[tilespmem:s24+$0xFFFFFF60] =	vst v4;
	v2 =	vmul.f32 v7, v2  }
0x1d4: {  	[tilespmem:s24+$0xFFFFFF70] =	vst v3;
	v3 =	vmul.f32 v8, v1;
	v8 =	vld [tilespmem:s20+$0x0]  }
0x1d5: {  	[tilespmem:s24+$0xFFFFFF80] =	vst v2;
	v2 =	vmul.f32 v14, v1;
	v4 =	vld.idx.msk [tilespmem:v12+s8+$0x0], $0xffff  }
0x1d6: {  	[tilespmem:s24+$0xFFFFFF90] =	vst v3;
	v3 =	vmul.f32 v15, v1;
	v6 =	vld.idx.msk [tilespmem:v11+s8+$0x0], $0xffff  }
0x1d7: {  	[tilespmem:s24+$0xFFFFFFA0] =	vst v2;
	v2 =	vmul.f32 v16, v1;
	v11 =	vld [tilespmem:s20+$0xFFFFFE10]  }
0x1d8: {  	[tilespmem:s24+$0xFFFFFFB0] =	vst v3;
	v3 =	vmul.f32 v17, v1;
	v7 =	vld.idx.msk [tilespmem:v13+s8+$0x0], $0xffff  }
0x1d9: {  	v12 =	vld [tilespmem:s20+$0xFFFFFE20];
	[tilespmem:s25+$0xFFFFFFC0] =	vst v2;
	v2 =	vmul.f32 v9, v1  }
0x1da: {  	v9 =	vld [tilespmem:s20+$0xFFFFFE30];
	v1 =	vmul.f32 v10, v1;
	[tilespmem:s25+$0xFFFFFFD0] =	vst v3  }
0x1db: {  	v3 =	vld [tilespmem:s20+$0xFFFFFE40];
	[tilespmem:s25+$0xFFFFFFE0] =	vst v2  }
0x1dc: {  	v2 =	vld [tilespmem:s20+$0xFFFFFE50];
	[tilespmem:s25+$0xFFFFFFF0] =	vst v1;
	v1 =	vmul.f32 v11, v5  }
0x1dd: {  	v10 =	vld [tilespmem:s20+$0xFFFFFE60];
	v8 =	vmul.f32 v8, v7  }
0x1de: {  	v11 =	vmul.f32 v12, v5;
	v12 =	vld [tilespmem:s20+$0xFFFFFE70];
	[tilespmem:s20+$0xFFFFFE10] =	vst v1  }
0x1df: {  	v1 =	vmul.f32 v9, v5;
	[tilespmem:s20+$0x0] =	vst v8;
	v8 =	vld [tilespmem:s20+$0xFFFFFE80]  }
0x1e0: {  	[tilespmem:s20+$0xFFFFFE20] =	vst v11;
	v9 =	vld [tilespmem:s20+$0xFFFFFE90];
	v3 =	vmul.f32 v3, v5  }
0x1e1: {  	[tilespmem:s20+$0xFFFFFE30] =	vst v1;
	v1 =	vmul.f32 v2, v5;
	v2 =	vld [tilespmem:s20+$0xFFFFFEA0]  }
0x1e2: {  	[tilespmem:s20+$0xFFFFFE40] =	vst v3;
	v3 =	vmul.f32 v10, v5;
	v10 =	vld [tilespmem:s20+$0xFFFFFEB0]  }
0x1e3: {  	v11 =	vld [tilespmem:s20+$0xFFFFFEC0];
	[tilespmem:s20+$0xFFFFFE50] =	vst v1;
	v1 =	vmul.f32 v12, v5  }
0x1e4: {  	[tilespmem:s20+$0xFFFFFE60] =	vst v3;
	v3 =	vmul.f32 v8, v5;
	v5 =	vld [tilespmem:s20+$0xFFFFFED0]  }
0x1e5: {  	[tilespmem:s20+$0xFFFFFE70] =	vst v1;
	v1 =	vmul.f32 v9, v4;
	v8 =	vld [tilespmem:s20+$0xFFFFFEE0]  }
0x1e6: {  	v2 =	vmul.f32 v2, v4;
	[tilespmem:s20+$0xFFFFFE80] =	vst v3;
	v3 =	vld [tilespmem:s20+$0xFFFFFEF0]  }
0x1e7: {  	v9 =	vld [tilespmem:s20+$0xFFFFFF00];
	[tilespmem:s20+$0xFFFFFE90] =	vst v1;
	v1 =	vmul.f32 v10, v4  }
0x1e8: {  	v10 =	vld [tilespmem:s20+$0xFFFFFF10];
	[tilespmem:s20+$0xFFFFFEA0] =	vst v2;
	v2 =	vmul.f32 v11, v4  }
0x1e9: {  	[tilespmem:s20+$0xFFFFFEB0] =	vst v1;
	v1 =	vmul.f32 v5, v4;
	v5 =	vld [tilespmem:s20+$0xFFFFFF20]  }
0x1ea: {  	[tilespmem:s20+$0xFFFFFEC0] =	vst v2;
	v2 =	vmul.f32 v8, v4;
	v8 =	vld [tilespmem:s20+$0xFFFFFF30]  }
0x1eb: {  	[tilespmem:s20+$0xFFFFFED0] =	vst v1;
	v1 =	vmul.f32 v3, v4;
	v3 =	vld [tilespmem:s20+$0xFFFFFF40]  }
0x1ec: {  	[tilespmem:s20+$0xFFFFFEE0] =	vst v2;
	v2 =	vmul.f32 v9, v4;
	v4 =	vld [tilespmem:s20+$0xFFFFFF50]  }
0x1ed: {  	v9 =	vld [tilespmem:s20+$0xFFFFFF60];
	[tilespmem:s20+$0xFFFFFEF0] =	vst v1;
	v1 =	vmul.f32 v10, v6  }
0x1ee: {  	[tilespmem:s20+$0xFFFFFF00] =	vst v2;
	v2 =	vmul.f32 v5, v6;
	v5 =	vld [tilespmem:s20+$0xFFFFFF70]  }
0x1ef: {  	[tilespmem:s20+$0xFFFFFF10] =	vst v1;
	v1 =	vmul.f32 v8, v6;
	v8 =	vld [tilespmem:s20+$0xFFFFFF80]  }
0x1f0: {  	[tilespmem:s20+$0xFFFFFF20] =	vst v2;
	v2 =	vmul.f32 v3, v6;
	v3 =	vld [tilespmem:s20+$0xFFFFFF90]  }
0x1f1: {  	[tilespmem:s20+$0xFFFFFF30] =	vst v1;
	v1 =	vmul.f32 v4, v6;
	v4 =	vld [tilespmem:s20+$0xFFFFFFA0]  }
0x1f2: {  	[tilespmem:s20+$0xFFFFFF40] =	vst v2;
	v2 =	vmul.f32 v9, v6;
	v9 =	vld [tilespmem:s20+$0xFFFFFFB0]  }
0x1f3: {  	[tilespmem:s20+$0xFFFFFF50] =	vst v1;
	v1 =	vmul.f32 v5, v6;
	v5 =	vld [tilespmem:s20+$0xFFFFFFC0]  }
0x1f4: {  	[tilespmem:s20+$0xFFFFFF60] =	vst v2;
	v2 =	vmul.f32 v8, v6;
	v6 =	vld [tilespmem:s20+$0xFFFFFFD0]  }
0x1f5: {  	[tilespmem:s20+$0xFFFFFF70] =	vst v1;
	v1 =	vmul.f32 v3, v7;
	v3 =	vld [tilespmem:s20+$0xFFFFFFE0]  }
0x1f6: {  	[tilespmem:s20+$0xFFFFFF80] =	vst v2;
	v2 =	vmul.f32 v4, v7;
	v4 =	vld [tilespmem:s20+$0xFFFFFFF0]  }
0x1f7: {  	[tilespmem:s20+$0xFFFFFF90] =	vst v1;
	v1 =	vmul.f32 v9, v7  }
0x1f8: {  	[tilespmem:s20+$0xFFFFFFA0] =	vst v2;
	v2 =	vmul.f32 v5, v7  }
0x1f9: {  	[tilespmem:s20+$0xFFFFFFB0] =	vst v1;
	v1 =	vmul.f32 v6, v7  }
0x1fa: {  	[tilespmem:s20+$0xFFFFFFC0] =	vst v2;
	v2 =	vmul.f32 v3, v7  }
0x1fb: {  	[tilespmem:s20+$0xFFFFFFD0] =	vst v1;
	v1 =	vmul.f32 v4, v7  }
0x1fc: {  	s12 =	sadd.s32 $0x140, s23;
	[tilespmem:s20+$0xFFFFFFE0] =	vst v2  }
0x1fd: {  	s24 =	sadd.s32 s6, s12;
	[tilespmem:s20+$0xFFFFFFF0] =	vst v1  }
0x1fe: {  	[spmem:s5] =	stream.indirect.scatter.add.f32 [tilespmem:s31], [sflag:$0x6], $0x80, s11, s29, $0xb8;
	[tilespmem:$0x1DC00] =	vst v63  }
0x1ff: {  	s20 =	sshrl.u32 s24, $0x3;
	_ =	swait.ge [sflag:s18], $0x2800  }
0x200: {  	s25 =	sadd.s32 s2, s20;
	[sflag:s18] =	ssyncset.done $0x0  }
0x201: {  	s24 =	sadd.s32 $0x9C40, s25;
	s25 =	simm.s32 $0x0;
	[sflag:s18] =	ssyncadd.s32 $0xFFFFD800  }
0x202: {  	[tilespmem:s9], [sflag:$0x8] =	stream.linear.gather [hbm4b:s24+s25], $0x50, $0x38;
	[tilespmem:$0x1DC00] =	vst v63  }
0x203: {  	s10 =	simm.s32 $0x2A00;
	s20 =	sadd.s32 s3, s20  }
0x204: {  	[tilespmem:s10], [sflag:$0x8] =	stream.linear.gather [hbm4b:s20+s25], $0x50, $0x38;
	[tilespmem:$0x1DC00] =	vst v63  }
0x205: {  	_ = 	snop  }
0x206: {  	[tilespmem:s30], [sflag:$0x2] =	stream.indirect.gather [hbm4b:s1+s29], $0x80, s12, s29, $0xb8;
	[tilespmem:$0x1DC00] =	vst v63  }
0x207: {  	_ =	swait.ge [sflag:s14], $0x2800  }
0x208: {  	v1 =	vmov s25;
	s10 =	simm.s32 $0x2;
	[sflag:s14] =	ssyncset.done $0x0  }
0x209: {  	v1 =	vand.u32 $0xFFFFFFFC, v1;
	v2 =	vmov s10;
	[sflag:s14] =	ssyncadd.s32 $0xFFFFD800  }
0x20a: {  	v1 =	vbroadcast v1, $0x0;
	v2 =	vand.u32 $0xFFFFFFFE, v2;
	_ =	swait.ge [sflag:s4], $0x50  }
0x20b: {  	v2 =	vbroadcast v2, $0x0;
	[sflag:s4] =	ssyncset.done $0x0  }
0x20c: {  	[sflag:s4] =	ssyncadd.s32 $0xFFFFFFB0  }
0x20d: {  	_ =	swait.ge [sflag:s4], $0x50  }
0x20e: {  	[sflag:s4] =	ssyncset.done $0x0  }
0x20f: {  	[sflag:s4] =	ssyncadd.s32 $0xFFFFFFB0  }
0x210: {  	v1 =	vld.idx.msk [tilespmem:v1+s8+$0x0], $0xffff  }
0x211: {  	s24 =	simm.s32 $0x2C80;
	s20 =	simm.s32 $0x1;
	v2 =	vld.idx.msk [tilespmem:v2+s8+$0x0], $0xffff  }
0x212: {  	v3 =	vmov s20;
	v4 =	vld [tilespmem:s24+$0x70]  }
0x213: {  	v3 =	vand.u32 $0xFFFFFFFD, v3;
	v5 =	vld [tilespmem:s24+$0xFFFFFF00]  }
0x214: {  	v3 =	vbroadcast v3, $0x0;
	v6 =	vld [tilespmem:s24+$0xFFFFFF10]  }
0x215: {  	v7 =	vld [tilespmem:s24+$0xFFFFFF20]  }
0x216: {  	v8 =	vld [tilespmem:s24+$0xFFFFFF30]  }
0x217: {  	v9 =	vld [tilespmem:s24+$0xFFFFFF40]  }
0x218: {  	v10 =	vld [tilespmem:s24+$0xFFFFFF50]  }
0x219: {  	v11 =	vld [tilespmem:s24+$0xFFFFFF60];
	v5 =	vmul.f32 v5, v1  }
0x21a: {  	v3 =	vld.idx.msk [tilespmem:v3+s8+$0x0], $0xffff;
	v4 =	vmul.f32 v4, v2  }
0x21b: {  	v13 =	vld [tilespmem:s24+$0x40];
	[tilespmem:s24+$0xFFFFFF00] =	vst v5;
	v5 =	vmul.f32 v6, v1  }
0x21c: {  	v6 =	vld [tilespmem:s24+$0xFFFFFF70];
	[tilespmem:s24+$0x70] =	vst v4;
	v4 =	vmul.f32 v7, v1  }
0x21d: {  	v7 =	vld [tilespmem:s24+$0xFFFFFF80];
	[tilespmem:s24+$0xFFFFFF10] =	vst v5;
	v5 =	vmul.f32 v8, v1  }
0x21e: {  	v8 =	vld [tilespmem:s24+$0xFFFFFF90];
	[tilespmem:s24+$0xFFFFFF20] =	vst v4;
	v4 =	vmul.f32 v9, v1  }
0x21f: {  	v9 =	vld [tilespmem:s24+$0xFFFFFFA0];
	[tilespmem:s24+$0xFFFFFF30] =	vst v5;
	v5 =	vmul.f32 v10, v1  }
0x220: {  	v10 =	vld [tilespmem:s24+$0xFFFFFFB0];
	[tilespmem:s24+$0xFFFFFF40] =	vst v4;
	v4 =	vmul.f32 v11, v1  }
0x221: {  	v11 =	vld [tilespmem:s24+$0xFFFFFFC0];
	v6 =	vmul.f32 v6, v1;
	[tilespmem:s24+$0xFFFFFF50] =	vst v5  }
0x222: {  	v5 =	vmul.f32 v7, v3;
	v7 =	vld [tilespmem:s24+$0xFFFFFFD0];
	[tilespmem:s24+$0xFFFFFF60] =	vst v4  }
0x223: {  	s25 =	simm.s32 $0x3;
	v4 =	vld [tilespmem:s24+$0xFFFFFFE0];
	v8 =	vmul.f32 v8, v3;
	[tilespmem:s24+$0xFFFFFF70] =	vst v6  }
0x224: {  	v12 =	vmov s25;
	v6 =	vld [tilespmem:s24+$0xFFFFFFF0];
	[tilespmem:s24+$0xFFFFFF80] =	vst v5;
	v5 =	vmul.f32 v9, v3  }
0x225: {  	v9 =	vld [tilespmem:s24+$0x0];
	[tilespmem:s24+$0xFFFFFF90] =	vst v8;
	v8 =	vmul.f32 v10, v3  }
0x226: {  	v10 =	vld [tilespmem:s24+$0x10];
	[tilespmem:s24+$0xFFFFFFA0] =	vst v5;
	v5 =	vmul.f32 v11, v3  }
0x227: {  	[tilespmem:s24+$0xFFFFFFB0] =	vst v8;
	v7 =	vmul.f32 v7, v3;
	v8 =	vld [tilespmem:s24+$0x20]  }
0x228: {  	v11 =	vld [tilespmem:s24+$0x30];
	v4 =	vmul.f32 v4, v3;
	[tilespmem:s24+$0xFFFFFFC0] =	vst v5  }
0x229: {  	v1 =	vld.idx.msk [tilespmem:v12+s8+$0x0], $0xffff;
	v3 =	vmul.f32 v6, v3;
	[tilespmem:s24+$0xFFFFFFD0] =	vst v7  }
0x22a: {  	[tilespmem:s24+$0xFFFFFFE0] =	vst v4;
	v5 =	vmul.f32 v9, v2;
	v4 =	vld [tilespmem:s24+$0x50]  }
0x22b: {  	s10 =	simm.s32 $0x4;
	[tilespmem:s24+$0xFFFFFFF0] =	vst v3;
	v6 =	vmul.f32 v10, v2;
	v3 =	vld [tilespmem:s24+$0x60]  }
0x22c: {  	s20 =	simm.s32 $0x7;
	v7 =	vmov s10;
	[tilespmem:s24+$0x0] =	vst v5;
	v9 =	vmul.f32 v8, v2;
	v8 =	vld [tilespmem:s24+$0x80]  }
0x22d: {  	s25 =	simm.s32 $0x5;
	v12 =	vand.u32 $0xFFFFFFFC, v7;
	v7 =	vld [tilespmem:s24+$0x90];
	v5 =	vmov s20;
	v10 =	vmul.f32 v11, v2;
	[tilespmem:s24+$0x10] =	vst v6  }
0x22e: {  	s12 =	simm.s32 $0x6;
	s20 =	simm.s32 $0x8;
	v11 =	vmul.f32 v13, v2;
	v6 =	vbroadcast v12, $0x0;
	v12 =	vmov s25;
	s25 =	simm.s32 $0x2C80;
	[tilespmem:s24+$0x20] =	vst v9;
	v9 =	vld [tilespmem:s24+$0xA0]  }
.LBB2_11:
0x22f: {  	p1 =	slt.u32 s20, $0x4C;
	v12 =	vand.u32 $0xFFFFFFFD, v12;
	v13 =	vmov s12;
	[tilespmem:s24+$0x30] =	vst v10;
	v4 =	vmul.f32 v4, v2;
	v10 =	vld [tilespmem:s24+$0xB0]  }
0x230: {  	v12 =	vbroadcast v12, $0x0;
	v13 =	vand.u32 $0xFFFFFFFE, v13;
	[tilespmem:s24+$0x40] =	vst v11;
	v2 =	vmul.f32 v3, v2;
	v3 =	vld [tilespmem:s24+$0xC0]  }
0x231: {  	v11 =	vbroadcast v13, $0x0;
	[tilespmem:s24+$0x50] =	vst v4;
	v4 =	vmul.f32 v8, v1;
	v8 =	vld [tilespmem:s24+$0xD0]  }
0x232: {  	[tilespmem:s24+$0x60] =	vst v2;
	v2 =	vmul.f32 v7, v1;
	v7 =	vld [tilespmem:s24+$0xE0]  }
0x233: {  	[tilespmem:s24+$0x80] =	vst v4;
	v4 =	vmul.f32 v9, v1;
	v9 =	vld [tilespmem:s24+$0xF0]  }
0x234: {  	v5 =	vld.idx.msk [tilespmem:v5+s8+$0x0], $0xffff;
	[tilespmem:s24+$0x90] =	vst v2;
	v2 =	vmul.f32 v10, v1  }
0x235: {  	v6 =	vld.idx.msk [tilespmem:v6+s8+$0x0], $0xffff;
	[tilespmem:s24+$0xA0] =	vst v4;
	v3 =	vmul.f32 v3, v1  }
0x236: {  	v4 =	vld.idx.msk [tilespmem:v12+s8+$0x0], $0xffff;
	[tilespmem:s24+$0xB0] =	vst v2;
	v8 =	vmul.f32 v8, v1  }
0x237: {  	s24 =	sadd.s32 $0x200, s24;
	v2 =	vld.idx.msk [tilespmem:v11+s8+$0x0], $0xffff;
	[tilespmem:s25+$0xC0] =	vst v3;
	v3 =	vmul.f32 v7, v1  }
0x238: {  	v7 =	vld [tilespmem:s24+$0x70];
	[tilespmem:s25+$0xD0] =	vst v8;
	v9 =	vmul.f32 v9, v1  }
0x239: {  	v8 =	vld [tilespmem:s24+$0xFFFFFF00];
	[tilespmem:s25+$0xE0] =	vst v3  }
0x23a: {  	v1 =	vmov v5;
	v3 =	vld [tilespmem:s24+$0xFFFFFF10];
	[tilespmem:s25+$0xF0] =	vst v9;
	s25 =	smov.u32 s24  }
0x23b: {  	v5 =	vld [tilespmem:s24+$0xFFFFFF20]  }
0x23c: {  	v9 =	vld [tilespmem:s24+$0xFFFFFF30]  }
0x23d: {  	v10 =	vld [tilespmem:s24+$0xFFFFFF40];
	v7 =	vmul.f32 v7, v2  }
0x23e: {  	v8 =	vmul.f32 v8, v6;
	v11 =	vld [tilespmem:s24+$0xFFFFFF50]  }
0x23f: {  	v3 =	vmul.f32 v3, v6;
	v12 =	vld [tilespmem:s24+$0xFFFFFF60];
	[tilespmem:s24+$0x70] =	vst v7  }
0x240: {  	[tilespmem:s24+$0xFFFFFF00] =	vst v8;
	v5 =	vmul.f32 v5, v6;
	v7 =	vld [tilespmem:s24+$0xFFFFFF70]  }
0x241: {  	[tilespmem:s24+$0xFFFFFF10] =	vst v3;
	v3 =	vmul.f32 v9, v6;
	v8 =	vld [tilespmem:s24+$0xFFFFFF80]  }
0x242: {  	[tilespmem:s24+$0xFFFFFF20] =	vst v5;
	v5 =	vmul.f32 v10, v6;
	v9 =	vld [tilespmem:s24+$0xFFFFFF90]  }
0x243: {  	[tilespmem:s24+$0xFFFFFF30] =	vst v3;
	v3 =	vmul.f32 v11, v6;
	v10 =	vld [tilespmem:s24+$0xFFFFFFA0]  }
0x244: {  	[tilespmem:s24+$0xFFFFFF40] =	vst v5;
	v5 =	vmul.f32 v12, v6;
	v11 =	vld [tilespmem:s24+$0xFFFFFFB0]  }
0x245: {  	[tilespmem:s24+$0xFFFFFF50] =	vst v3;
	v3 =	vmul.f32 v7, v6;
	v6 =	vld [tilespmem:s24+$0xFFFFFFC0]  }
0x246: {  	[tilespmem:s24+$0xFFFFFF60] =	vst v5;
	v5 =	vmul.f32 v8, v4;
	v7 =	vld [tilespmem:s24+$0xFFFFFFD0]  }
0x247: {  	[tilespmem:s24+$0xFFFFFF70] =	vst v3;
	v3 =	vmul.f32 v9, v4;
	v8 =	vld [tilespmem:s24+$0xFFFFFFE0]  }
0x248: {  	[tilespmem:s24+$0xFFFFFF80] =	vst v5;
	v5 =	vmul.f32 v10, v4;
	v9 =	vld [tilespmem:s24+$0xFFFFFFF0]  }
0x249: {  	[tilespmem:s24+$0xFFFFFF90] =	vst v3;
	v3 =	vmul.f32 v11, v4;
	v10 =	vld [tilespmem:s24+$0x0]  }
0x24a: {  	[tilespmem:s24+$0xFFFFFFA0] =	vst v5;
	v5 =	vmul.f32 v6, v4;
	v6 =	vld [tilespmem:s24+$0x10]  }
0x24b: {  	[tilespmem:s24+$0xFFFFFFB0] =	vst v3;
	v3 =	vmul.f32 v7, v4;
	v7 =	vld [tilespmem:s24+$0x20]  }
0x24c: {  	[tilespmem:s24+$0xFFFFFFC0] =	vst v5;
	v5 =	vmul.f32 v8, v4;
	v11 =	vld [tilespmem:s24+$0x30]  }
0x24d: {  	[tilespmem:s24+$0xFFFFFFD0] =	vst v3;
	v3 =	vmul.f32 v9, v4;
	v9 =	vld [tilespmem:s24+$0x40]  }
.Ltmp4:
0x24e: {  	[tilespmem:s24+$0xFFFFFFE0] =	vst v5;
	v5 =	vmul.f32 v10, v2;
	v4 =	vld [tilespmem:s24+$0x50];
	(pc) =	sbr.rel @p1 .LBB2_11-.Ltmp4, $4  }
0x24f: {  	[tilespmem:s24+$0xFFFFFFF0] =	vst v3;
	v6 =	vmul.f32 v6, v2;
	v3 =	vld [tilespmem:s24+$0x60]  }
0x250: {  	s12 =	sadd.s32 $0x3, s20;
	v10 =	vmov s20;
	[tilespmem:s24+$0x0] =	vst v5;
	v13 =	vmul.f32 v7, v2;
	v8 =	vld [tilespmem:s24+$0x80]  }
0x251: {  	s10 =	sadd.s32 $0x1, s20;
	v12 =	vand.u32 $0xFFFFFFFC, v10;
	v5 =	vmov s12;
	[tilespmem:s24+$0x10] =	vst v6;
	v10 =	vmul.f32 v11, v2;
	v7 =	vld [tilespmem:s24+$0x90]  }
0x252: {  	s12 =	sadd.s32 $0x2, s20;
	s20 =	sadd.s32 $0x4, s20;
	v6 =	vbroadcast v12, $0x0;
	v12 =	vmov s10;
	[tilespmem:s24+$0x20] =	vst v13;
	v11 =	vmul.f32 v9, v2;
	v9 =	vld [tilespmem:s24+$0xA0]  }
0x253: {  	v13 =	vld [tilespmem:s24+$0xB0]  }
0x254: {  	v15 =	vld [tilespmem:s24+$0xC0]  }
0x255: {  	v16 =	vld [tilespmem:s24+$0xD0]  }
0x256: {  	v17 =	vld [tilespmem:s24+$0xE0]  }
0x257: {  	v29 =	vld [tilespmem:s24+$0xF0];
	[tilespmem:s24+$0x30] =	vst v10;
	v4 =	vmul.f32 v4, v2  }
0x258: {  	v5 =	vld.idx.msk [tilespmem:v5+s8+$0x0], $0xffff;
	[tilespmem:s24+$0x40] =	vst v11;
	v2 =	vmul.f32 v3, v2  }
0x259: {  	s20 =	sadd.s32 $0x200, s24;
	v3 =	vld.idx.msk [tilespmem:v6+s8+$0x0], $0xffff;
	v8 =	vmul.f32 v8, v1;
	[tilespmem:s24+$0x50] =	vst v4  }
0x25a: {  	v14 =	vmov s12;
	v34 =	vld [tilespmem:s20+$0x70];
	v30 =	vmul.f32 v7, v1;
	[tilespmem:s24+$0x60] =	vst v2  }
0x25b: {  	v14 =	vand.u32 $0xFFFFFFFE, v14;
	v35 =	vld [tilespmem:s20+$0xFFFFFF00];
	[tilespmem:s24+$0x80] =	vst v8;
	v2 =	vmul.f32 v9, v1  }
0x25c: {  	v37 =	vld [tilespmem:s20+$0xFFFFFF10];
	v14 =	vbroadcast v14, $0x0;
	[tilespmem:s24+$0x90] =	vst v30;
	v33 =	vmul.f32 v13, v1  }
0x25d: {  	v38 =	vld [tilespmem:s20+$0xFFFFFF20];
	[tilespmem:s24+$0xA0] =	vst v2;
	v2 =	vmul.f32 v15, v1  }
0x25e: {  	v12 =	vand.u32 $0xFFFFFFFD, v12;
	v39 =	vld [tilespmem:s20+$0xFFFFFF30];
	v36 =	vmul.f32 v16, v1;
	[tilespmem:s24+$0xB0] =	vst v33  }
0x25f: {  	v12 =	vbroadcast v12, $0x0;
	v41 =	vld [tilespmem:s20+$0xFFFFFF50];
	[tilespmem:s25+$0xC0] =	vst v2;
	v2 =	vmul.f32 v17, v1  }
0x260: {  	v43 =	vld [tilespmem:s20+$0xFFFFFF60];
	[tilespmem:s25+$0xD0] =	vst v36;
	v1 =	vmul.f32 v29, v1  }
0x261: {  	v42 =	vmul.f32 v37, v3;
	[tilespmem:s25+$0xE0] =	vst v2;
	v2 =	vld [tilespmem:s20+$0xFFFFFF40]  }
0x262: {  	v32 =	vld.idx.msk [tilespmem:v14+s8+$0x0], $0xffff;
	[tilespmem:s25+$0xF0] =	vst v1;
	v1 =	vmul.f32 v35, v3  }
0x263: {  	v44 =	vld [tilespmem:s20+$0xFFFFFF70];
	v4 =	vmul.f32 v39, v3;
	[tilespmem:s20+$0xFFFFFF10] =	vst v42  }
0x264: {  	v45 =	vld [tilespmem:s20+$0xFFFFFF80];
	[tilespmem:s20+$0xFFFFFF00] =	vst v1;
	v1 =	vmul.f32 v38, v3  }
0x265: {  	v46 =	vmul.f32 v41, v3;
	v31 =	vld.idx.msk [tilespmem:v12+s8+$0x0], $0xffff;
	[tilespmem:s20+$0xFFFFFF30] =	vst v4  }
0x266: {  	[tilespmem:s20+$0xFFFFFF20] =	vst v1;
	v1 =	vmul.f32 v2, v3;
	v2 =	vld [tilespmem:s20+$0xFFFFFF90]  }
0x267: {  	v47 =	vld [tilespmem:s20+$0xFFFFFFA0];
	[tilespmem:s20+$0xFFFFFF50] =	vst v46;
	v40 =	vmul.f32 v34, v32  }
0x268: {  	v48 =	vld [tilespmem:s20+$0xFFFFFFB0];
	[tilespmem:s20+$0xFFFFFF40] =	vst v1;
	v1 =	vmul.f32 v43, v3  }
0x269: {  	v49 =	vld [tilespmem:s20+$0xFFFFFFC0];
	[tilespmem:s20+$0x70] =	vst v40;
	v3 =	vmul.f32 v44, v3  }
0x26a: {  	v50 =	vld [tilespmem:s20+$0xFFFFFFD0];
	[tilespmem:s20+$0xFFFFFF60] =	vst v1;
	v1 =	vmul.f32 v45, v31  }
0x26b: {  	[tilespmem:s20+$0xFFFFFF70] =	vst v3;
	v3 =	vld [tilespmem:s20+$0xFFFFFFE0];
	v2 =	vmul.f32 v2, v31  }
0x26c: {  	v51 =	vld [tilespmem:s20+$0xFFFFFFF0];
	[tilespmem:s20+$0xFFFFFF80] =	vst v1;
	v1 =	vmul.f32 v47, v31  }
0x26d: {  	v52 =	vld [tilespmem:s20+$0x0];
	[tilespmem:s20+$0xFFFFFF90] =	vst v2;
	v2 =	vmul.f32 v48, v31  }
0x26e: {  	v53 =	vld [tilespmem:s20+$0x10];
	[tilespmem:s20+$0xFFFFFFA0] =	vst v1;
	v1 =	vmul.f32 v49, v31  }
0x26f: {  	v54 =	vld [tilespmem:s20+$0x20];
	[tilespmem:s20+$0xFFFFFFB0] =	vst v2;
	v2 =	vmul.f32 v50, v31  }
0x270: {  	[tilespmem:s20+$0xFFFFFFC0] =	vst v1;
	v1 =	vmul.f32 v3, v31;
	v3 =	vld [tilespmem:s20+$0x30]  }
0x271: {  	v55 =	vld [tilespmem:s20+$0x40];
	[tilespmem:s20+$0xFFFFFFD0] =	vst v2;
	v2 =	vmul.f32 v51, v31  }
0x272: {  	v56 =	vld [tilespmem:s20+$0x50];
	[tilespmem:s20+$0xFFFFFFE0] =	vst v1;
	v1 =	vmul.f32 v52, v32  }
0x273: {  	v57 =	vld [tilespmem:s20+$0x60];
	[tilespmem:s20+$0xFFFFFFF0] =	vst v2;
	v2 =	vmul.f32 v53, v32  }
0x274: {  	v58 =	vld [tilespmem:s20+$0x80];
	[tilespmem:s20+$0x0] =	vst v1;
	v1 =	vmul.f32 v54, v32  }
0x275: {  	[tilespmem:s20+$0x10] =	vst v2;
	v2 =	vmul.f32 v3, v32;
	v3 =	vld [tilespmem:s20+$0x90]  }
0x276: {  	v59 =	vld [tilespmem:s20+$0xA0];
	[tilespmem:s20+$0x20] =	vst v1;
	v1 =	vmul.f32 v55, v32  }
0x277: {  	v60 =	vld [tilespmem:s20+$0xB0];
	[tilespmem:s20+$0x30] =	vst v2;
	v2 =	vmul.f32 v56, v32  }
0x278: {  	v61 =	vld [tilespmem:s20+$0xC0];
	[tilespmem:s20+$0x40] =	vst v1;
	v1 =	vmul.f32 v57, v32  }
0x279: {  	v62 =	vld [tilespmem:s20+$0xD0];
	[tilespmem:s20+$0x50] =	vst v2;
	v2 =	vmul.f32 v58, v5  }
0x27a: {  	[tilespmem:s20+$0x60] =	vst v1;
	v1 =	vmul.f32 v3, v5;
	v3 =	vld [tilespmem:s20+$0xE0]  }
0x27b: {  	v63 =	vld [tilespmem:s20+$0xF0];
	[tilespmem:s20+$0x80] =	vst v2;
	v2 =	vmul.f32 v59, v5  }
0x27c: {  	[tilespmem:s20+$0x90] =	vst v1;
	v1 =	vmul.f32 v60, v5  }
0x27d: {  	[tilespmem:s20+$0xA0] =	vst v2;
	v2 =	vmul.f32 v61, v5  }
0x27e: {  	[tilespmem:s20+$0xB0] =	vst v1;
	v1 =	vmul.f32 v62, v5  }
0x27f: {  	[tilespmem:s20+$0xC0] =	vst v2;
	v2 =	vmul.f32 v3, v5  }
0x280: {  	[tilespmem:s20+$0xD0] =	vst v1;
	v1 =	vmul.f32 v63, v5  }
0x281: {  	p1 =	seq.s32 s22, $0x28;
	[tilespmem:s20+$0xE0] =	vst v2  }
.Ltmp5:
0x282: {  	[tilespmem:s20+$0xF0] =	vst v1;
	(pc) =	sbr.rel @p1 .LBB2_14-.Ltmp5, $4  }
0x283: {  	[spmem:s5] =	stream.indirect.scatter.add.f32 [tilespmem:s13], [sflag:$0x4], $0x80, s0, s29, $0xb8;
	[tilespmem:$0x1DC00] =	vst v63  }
0x284: {  	_ =	swait.ge [sflag:s19], $0x2800  }
0x285: {  	[sflag:s19] =	ssyncset.done $0x0  }
0x286: {  	[sflag:s19] =	ssyncadd.s32 $0xFFFFD800  }
0x287: {  	s10 =	sadd.s32 $0x190, s23  }
0x288: {  	s12 =	sadd.s32 s6, s10  }
0x289: {  	s12 =	sshrl.u32 s12, $0x3  }
0x28a: {  	s20 =	sadd.s32 s2, s12  }
0x28b: {  	s20 =	sadd.s32 $0x9C40, s20  }
0x28c: {  	[tilespmem:s11], [sflag:$0x9] =	stream.linear.gather [hbm4b:s20+s7], $0x50, $0x38;
	[tilespmem:$0x1DC00] =	vst v63  }
.Ltmp6:
0x28d: {  	_ = 	snop;
	(pc) =	sbr.rel .LBB2_6-.Ltmp6, $4  }
0x28e: {  	s25 =	simm.s32 $0x2A80;
	s12 =	sadd.s32 s3, s12  }
0x28f: {  	[tilespmem:s25], [sflag:$0x9] =	stream.linear.gather [hbm4b:s12+s7], $0x50, $0x38;
	[tilespmem:$0x1DC00] =	vst v63  }
0x290: {  	s22 =	sadd.s32 $0x1, s22  }
0x291: {  	[tilespmem:s31], [sflag:$0x3] =	stream.indirect.gather [hbm4b:s1+s29], $0x80, s10, s29, $0xb8;
	[tilespmem:$0x1DC00] =	vst v63  }
.LBB2_14:
0x292: {  	_ =	swait.ge [sflag:s15], $0x2800  }
0x293: {  	s10 =	simm.s32 $0x0;
	[sflag:s15] =	ssyncset.done $0x0  }
0x294: {  	s12 =	simm.s32 $0x3;
	v1 =	vmov s10;
	[sflag:s15] =	ssyncadd.s32 $0xFFFFD800  }
0x295: {  	v2 =	vmov s12;
	v1 =	vand.u32 $0x7C, v1;
	_ =	swait.ge [sflag:s17], $0x50  }
0x296: {  	v2 =	vand.u32 $0x7F, v2;
	v1 =	vor.u32 $0x80, v1;
	[sflag:s17] =	ssyncset.done $0x0  }
0x297: {  	v2 =	vor.u32 $0x80, v2;
	v1 =	vbroadcast v1, $0x0;
	[sflag:s17] =	ssyncadd.s32 $0xFFFFFFB0  }
0x298: {  	v2 =	vbroadcast v2, $0x0;
	_ =	swait.ge [sflag:s17], $0x50  }
0x299: {  	[sflag:s17] =	ssyncset.done $0x0  }
0x29a: {  	s21 =	simm.s32 $0x5570;
	[sflag:s17] =	ssyncadd.s32 $0xFFFFFFB0  }
0x29b: {  	v5 =	vld [tilespmem:s21+$0xFFFFFE10]  }
0x29c: {  	s20 =	simm.s32 $0x1;
	v6 =	vld [tilespmem:s21+$0xFFFFFE20]  }
0x29d: {  	v4 =	vmov s20;
	v3 =	vld.idx.msk [tilespmem:v1+s8+$0x0], $0xffff  }
0x29e: {  	v1 =	vld.idx.msk [tilespmem:v2+s8+$0x0], $0xffff;
	v2 =	vand.u32 $0x7D, v4  }
0x29f: {  	v7 =	vld [tilespmem:s21+$0xFFFFFE30];
	v2 =	vor.u32 $0x80, v2  }
0x2a0: {  	v4 =	vld [tilespmem:s21+$0x0];
	v2 =	vbroadcast v2, $0x0  }
0x2a1: {  	v8 =	vld [tilespmem:s21+$0xFFFFFE40]  }
0x2a2: {  	v9 =	vld [tilespmem:s21+$0xFFFFFE50]  }
0x2a3: {  	v10 =	vld [tilespmem:s21+$0xFFFFFE60];
	v5 =	vmul.f32 v5, v3  }
0x2a4: {  	v11 =	vld [tilespmem:s21+$0xFFFFFE70]  }
0x2a5: {  	s22 =	simm.s32 $0x2;
	v4 =	vmul.f32 v4, v1;
	[tilespmem:s21+$0xFFFFFE10] =	vst v5;
	v5 =	vld [tilespmem:s21+$0xFFFFFE80]  }
0x2a6: {  	v12 =	vmov s22;
	v6 =	vmul.f32 v6, v3;
	v13 =	vld.idx.msk [tilespmem:v2+s8+$0x0], $0xffff  }
0x2a7: {  	[tilespmem:s21+$0x0] =	vst v4;
	v4 =	vmul.f32 v7, v3;
	v2 =	vand.u32 $0x7E, v12;
	v12 =	vld [tilespmem:s21+$0xFFFFFE90]  }
0x2a8: {  	v7 =	vld [tilespmem:s21+$0xFFFFFEA0];
	[tilespmem:s21+$0xFFFFFE20] =	vst v6;
	v6 =	vmul.f32 v8, v3;
	v2 =	vor.u32 $0x80, v2  }
0x2a9: {  	v8 =	vld [tilespmem:s21+$0xFFFFFEB0];
	[tilespmem:s21+$0xFFFFFE30] =	vst v4;
	v4 =	vmul.f32 v9, v3;
	v2 =	vbroadcast v2, $0x0  }
0x2aa: {  	v9 =	vld [tilespmem:s21+$0xFFFFFEC0];
	[tilespmem:s21+$0xFFFFFE40] =	vst v6;
	v6 =	vmul.f32 v10, v3  }
0x2ab: {  	v11 =	vmul.f32 v11, v3;
	v10 =	vld [tilespmem:s21+$0xFFFFFED0];
	[tilespmem:s21+$0xFFFFFE50] =	vst v4;
	v3 =	vmul.f32 v5, v3  }
0x2ac: {  	[tilespmem:s21+$0xFFFFFE60] =	vst v6;
	v6 =	vld [tilespmem:s21+$0xFFFFFEF0];
	v4 =	vmul.f32 v12, v13  }
0x2ad: {  	v12 =	vld [tilespmem:s21+$0xFFFFFEE0];
	[tilespmem:s21+$0xFFFFFE80] =	vst v3  }
0x2ae: {  	v3 =	vmul.f32 v8, v13;
	[tilespmem:s21+$0xFFFFFE90] =	vst v4;
	v4 =	vmul.f32 v7, v13;
	v7 =	vld [tilespmem:s21+$0xFFFFFF10]  }
0x2af: {  	[tilespmem:s21+$0xFFFFFE70] =	vst v11;
	v2 =	vld.idx.msk [tilespmem:v2+s8+$0x0], $0xffff  }
0x2b0: {  	v5 =	vld [tilespmem:s21+$0xFFFFFF00];
	[tilespmem:s21+$0xFFFFFEB0] =	vst v3;
	v3 =	vmul.f32 v10, v13  }
0x2b1: {  	v8 =	vld [tilespmem:s21+$0xFFFFFF20];
	[tilespmem:s21+$0xFFFFFEA0] =	vst v4;
	v4 =	vmul.f32 v9, v13  }
0x2b2: {  	s23 =	simm.s32 $0x4;
	v6 =	vmul.f32 v6, v13;
	v9 =	vld [tilespmem:s21+$0xFFFFFF30];
	[tilespmem:s21+$0xFFFFFED0] =	vst v3  }
0x2b3: {  	v11 =	vmov s23;
	v10 =	vld [tilespmem:s21+$0xFFFFFF40];
	[tilespmem:s21+$0xFFFFFEC0] =	vst v4;
	v4 =	vmul.f32 v12, v13  }
0x2b4: {  	v11 =	vand.u32 $0x7C, v11;
	v3 =	vld [tilespmem:s21+$0xFFFFFF50];
	[tilespmem:s21+$0xFFFFFEF0] =	vst v6;
	v7 =	vmul.f32 v7, v2  }
0x2b5: {  	s24 =	simm.s32 $0x5;
	s25 =	simm.s32 $0x6;
	v6 =	vor.u32 $0x80, v11;
	v12 =	vmul.f32 v5, v13;
	[tilespmem:s21+$0xFFFFFEE0] =	vst v4;
	v4 =	vld [tilespmem:s21+$0xFFFFFF60]  }
0x2b6: {  	v13 =	vmov s24;
	v5 =	vld [tilespmem:s21+$0xFFFFFF70];
	v8 =	vmul.f32 v8, v2;
	[tilespmem:s21+$0xFFFFFF10] =	vst v7;
	v7 =	vmov s25  }
0x2b7: {  	[tilespmem:s21+$0xFFFFFF00] =	vst v12;
	v12 =	vand.u32 $0x7D, v13;
	v9 =	vmul.f32 v9, v2;
	v11 =	vand.u32 $0x7E, v7;
	v7 =	vld [tilespmem:s21+$0xFFFFFF80]  }
0x2b8: {  	s12 =	simm.s32 $0x7;
	s20 =	simm.s32 $0x8;
	s22 =	simm.s32 $0x5570;
	v6 =	vbroadcast v6, $0x0;
	v10 =	vmul.f32 v10, v2;
	v12 =	vor.u32 $0x80, v12;
	[tilespmem:s21+$0xFFFFFF20] =	vst v8;
	v8 =	vld [tilespmem:s21+$0xFFFFFF90]  }
.LBB2_15:
0x2b9: {  	p1 =	slt.u32 s20, $0x4C;
	v11 =	vor.u32 $0x80, v11;
	v13 =	vmov s12;
	[tilespmem:s21+$0xFFFFFF30] =	vst v9;
	v3 =	vmul.f32 v3, v2;
	v9 =	vld [tilespmem:s21+$0xFFFFFFA0]  }
0x2ba: {  	v12 =	vbroadcast v12, $0x0;
	v13 =	vand.u32 $0x7F, v13;
	[tilespmem:s21+$0xFFFFFF40] =	vst v10;
	v4 =	vmul.f32 v4, v2;
	v10 =	vld [tilespmem:s21+$0xFFFFFFB0]  }
0x2bb: {  	v11 =	vbroadcast v11, $0x0;
	v13 =	vor.u32 $0x80, v13;
	[tilespmem:s21+$0xFFFFFF50] =	vst v3;
	v3 =	vmul.f32 v5, v2;
	v5 =	vld [tilespmem:s21+$0xFFFFFFC0]  }
0x2bc: {  	v13 =	vbroadcast v13, $0x0;
	[tilespmem:s21+$0xFFFFFF60] =	vst v4;
	v2 =	vmul.f32 v7, v2;
	v4 =	vld [tilespmem:s21+$0xFFFFFFD0]  }
0x2bd: {  	[tilespmem:s21+$0xFFFFFF70] =	vst v3;
	v3 =	vmul.f32 v8, v1;
	v7 =	vld [tilespmem:s21+$0xFFFFFFE0]  }
0x2be: {  	[tilespmem:s21+$0xFFFFFF80] =	vst v2;
	v2 =	vmul.f32 v9, v1;
	v8 =	vld [tilespmem:s21+$0xFFFFFFF0]  }
0x2bf: {  	v6 =	vld.idx.msk [tilespmem:v6+s8+$0x0], $0xffff;
	[tilespmem:s21+$0xFFFFFF90] =	vst v3;
	v3 =	vmul.f32 v10, v1  }
0x2c0: {  	v9 =	vld.idx.msk [tilespmem:v12+s8+$0x0], $0xffff;
	[tilespmem:s21+$0xFFFFFFA0] =	vst v2;
	v5 =	vmul.f32 v5, v1  }
0x2c1: {  	v2 =	vld.idx.msk [tilespmem:v11+s8+$0x0], $0xffff;
	[tilespmem:s21+$0xFFFFFFB0] =	vst v3;
	v3 =	vmul.f32 v4, v1  }
0x2c2: {  	s21 =	sadd.s32 $0x200, s21;
	v4 =	vld.idx.msk [tilespmem:v13+s8+$0x0], $0xffff;
	[tilespmem:s22+$0xFFFFFFC0] =	vst v5;
	v5 =	vmul.f32 v7, v1  }
0x2c3: {  	v7 =	vld [tilespmem:s21+$0x0];
	[tilespmem:s22+$0xFFFFFFD0] =	vst v3;
	v1 =	vmul.f32 v8, v1  }
0x2c4: {  	v3 =	vld [tilespmem:s21+$0xFFFFFE10];
	[tilespmem:s22+$0xFFFFFFE0] =	vst v5  }
0x2c5: {  	v5 =	vld [tilespmem:s21+$0xFFFFFE20];
	[tilespmem:s22+$0xFFFFFFF0] =	vst v1;
	s22 =	smov.u32 s21  }
0x2c6: {  	v8 =	vld [tilespmem:s21+$0xFFFFFE30]  }
0x2c7: {  	v10 =	vld [tilespmem:s21+$0xFFFFFE40]  }
0x2c8: {  	v1 =	vmov v4;
	v11 =	vld [tilespmem:s21+$0xFFFFFE50];
	v7 =	vmul.f32 v7, v4  }
0x2c9: {  	v3 =	vmul.f32 v3, v6;
	v4 =	vld [tilespmem:s21+$0xFFFFFE60]  }
0x2ca: {  	v5 =	vmul.f32 v5, v6;
	v12 =	vld [tilespmem:s21+$0xFFFFFE70];
	[tilespmem:s21+$0x0] =	vst v7  }
0x2cb: {  	[tilespmem:s21+$0xFFFFFE10] =	vst v3;
	v3 =	vmul.f32 v8, v6;
	v7 =	vld [tilespmem:s21+$0xFFFFFE80]  }
0x2cc: {  	[tilespmem:s21+$0xFFFFFE20] =	vst v5;
	v5 =	vmul.f32 v10, v6;
	v8 =	vld [tilespmem:s21+$0xFFFFFE90]  }
0x2cd: {  	[tilespmem:s21+$0xFFFFFE30] =	vst v3;
	v3 =	vmul.f32 v11, v6;
	v10 =	vld [tilespmem:s21+$0xFFFFFEA0]  }
0x2ce: {  	[tilespmem:s21+$0xFFFFFE40] =	vst v5;
	v4 =	vmul.f32 v4, v6;
	v5 =	vld [tilespmem:s21+$0xFFFFFEB0]  }
0x2cf: {  	[tilespmem:s21+$0xFFFFFE50] =	vst v3;
	v3 =	vmul.f32 v12, v6;
	v11 =	vld [tilespmem:s21+$0xFFFFFEC0]  }
0x2d0: {  	[tilespmem:s21+$0xFFFFFE60] =	vst v4;
	v4 =	vmul.f32 v7, v6;
	v6 =	vld [tilespmem:s21+$0xFFFFFED0]  }
0x2d1: {  	[tilespmem:s21+$0xFFFFFE70] =	vst v3;
	v3 =	vmul.f32 v8, v9;
	v7 =	vld [tilespmem:s21+$0xFFFFFEE0]  }
0x2d2: {  	[tilespmem:s21+$0xFFFFFE80] =	vst v4;
	v4 =	vmul.f32 v10, v9;
	v8 =	vld [tilespmem:s21+$0xFFFFFEF0]  }
0x2d3: {  	[tilespmem:s21+$0xFFFFFE90] =	vst v3;
	v3 =	vmul.f32 v5, v9;
	v5 =	vld [tilespmem:s21+$0xFFFFFF00]  }
0x2d4: {  	[tilespmem:s21+$0xFFFFFEA0] =	vst v4;
	v4 =	vmul.f32 v11, v9;
	v10 =	vld [tilespmem:s21+$0xFFFFFF10]  }
0x2d5: {  	[tilespmem:s21+$0xFFFFFEB0] =	vst v3;
	v3 =	vmul.f32 v6, v9;
	v6 =	vld [tilespmem:s21+$0xFFFFFF20]  }
0x2d6: {  	[tilespmem:s21+$0xFFFFFEC0] =	vst v4;
	v4 =	vmul.f32 v7, v9;
	v7 =	vld [tilespmem:s21+$0xFFFFFF30]  }
0x2d7: {  	[tilespmem:s21+$0xFFFFFED0] =	vst v3;
	v8 =	vmul.f32 v8, v9;
	v13 =	vld [tilespmem:s21+$0xFFFFFF40]  }
.Ltmp7:
0x2d8: {  	s10 =	sadd.s32 $0x1, s20;
	v11 =	vmov s20;
	[tilespmem:s21+$0xFFFFFEE0] =	vst v4;
	v5 =	vmul.f32 v5, v9;
	v3 =	vld [tilespmem:s21+$0xFFFFFF50];
	(pc) =	sbr.rel @p1 .LBB2_15-.Ltmp7, $4  }
0x2d9: {  	v9 =	vand.u32 $0x7C, v11;
	v11 =	vmov s10;
	s10 =	sadd.s32 $0x2, s20;
	[tilespmem:s21+$0xFFFFFEF0] =	vst v8;
	v8 =	vmul.f32 v10, v2;
	v4 =	vld [tilespmem:s21+$0xFFFFFF60]  }
0x2da: {  	v10 =	vor.u32 $0x80, v9;
	v9 =	vmov s10;
	[tilespmem:s21+$0xFFFFFF00] =	vst v5;
	v14 =	vmul.f32 v6, v2;
	v5 =	vld [tilespmem:s21+$0xFFFFFF70]  }
0x2db: {  	v12 =	vand.u32 $0x7D, v11;
	v11 =	vand.u32 $0x7E, v9;
	[tilespmem:s21+$0xFFFFFF10] =	vst v8;
	v9 =	vmul.f32 v7, v2;
	v7 =	vld [tilespmem:s21+$0xFFFFFF80]  }
0x2dc: {  	s12 =	sadd.s32 $0x3, s20;
	s20 =	sadd.s32 $0x4, s20;
	v6 =	vbroadcast v10, $0x0;
	v12 =	vor.u32 $0x80, v12;
	[tilespmem:s21+$0xFFFFFF20] =	vst v14;
	v10 =	vmul.f32 v13, v2;
	v8 =	vld [tilespmem:s21+$0xFFFFFF90]  }
0x2dd: {  	v14 =	vld [tilespmem:s21+$0xFFFFFFA0]  }
0x2de: {  	v15 =	vld [tilespmem:s21+$0xFFFFFFB0]  }
0x2df: {  	v16 =	vld [tilespmem:s21+$0xFFFFFFC0]  }
0x2e0: {  	v17 =	vld [tilespmem:s21+$0xFFFFFFD0];
	v3 =	vmul.f32 v3, v2  }
0x2e1: {  	v13 =	vmov s12;
	[tilespmem:s21+$0xFFFFFF30] =	vst v9;
	v32 =	vld [tilespmem:s21+$0xFFFFFFE0]  }
0x2e2: {  	v33 =	vld [tilespmem:s21+$0xFFFFFFF0];
	v13 =	vand.u32 $0x7F, v13;
	[tilespmem:s21+$0xFFFFFF50] =	vst v3;
	v3 =	vmul.f32 v5, v2  }
0x2e3: {  	s20 =	sadd.s32 $0x200, s21;
	[tilespmem:s21+$0xFFFFFF40] =	vst v10;
	v4 =	vmul.f32 v4, v2;
	v34 =	vld.idx.msk [tilespmem:v6+s8+$0x0], $0xffff;
	v13 =	vor.u32 $0x80, v13;
	v2 =	vmul.f32 v7, v2  }
0x2e4: {  	v38 =	vld [tilespmem:s20+$0x0];
	v13 =	vbroadcast v13, $0x0;
	[tilespmem:s21+$0xFFFFFF70] =	vst v3;
	v3 =	vmul.f32 v8, v1  }
0x2e5: {  	v39 =	vld [tilespmem:s20+$0xFFFFFE10];
	[tilespmem:s21+$0xFFFFFF80] =	vst v2;
	v2 =	vmul.f32 v14, v1  }
0x2e6: {  	v40 =	vld [tilespmem:s20+$0xFFFFFE20];
	[tilespmem:s21+$0xFFFFFF90] =	vst v3;
	v3 =	vmul.f32 v15, v1  }
0x2e7: {  	v41 =	vld [tilespmem:s20+$0xFFFFFE30];
	[tilespmem:s21+$0xFFFFFFA0] =	vst v2;
	v2 =	vmul.f32 v16, v1  }
0x2e8: {  	v42 =	vld [tilespmem:s20+$0xFFFFFE60];
	[tilespmem:s21+$0xFFFFFFB0] =	vst v3;
	v3 =	vmul.f32 v17, v1  }
0x2e9: {  	v44 =	vld [tilespmem:s20+$0xFFFFFE70];
	[tilespmem:s22+$0xFFFFFFC0] =	vst v2;
	v2 =	vmul.f32 v32, v1  }
0x2ea: {  	v12 =	vbroadcast v12, $0x0;
	v37 =	vld.idx.msk [tilespmem:v13+s8+$0x0], $0xffff;
	v1 =	vmul.f32 v33, v1;
	[tilespmem:s22+$0xFFFFFFD0] =	vst v3  }
0x2eb: {  	v3 =	vld [tilespmem:s20+$0xFFFFFE40];
	[tilespmem:s22+$0xFFFFFFE0] =	vst v2  }
0x2ec: {  	v2 =	vld [tilespmem:s20+$0xFFFFFE50];
	[tilespmem:s22+$0xFFFFFFF0] =	vst v1;
	v1 =	vmul.f32 v39, v34  }
0x2ed: {  	v45 =	vld [tilespmem:s20+$0xFFFFFE80];
	[tilespmem:s21+$0xFFFFFF60] =	vst v4;
	v43 =	vmul.f32 v40, v34  }
0x2ee: {  	v46 =	vld [tilespmem:s20+$0xFFFFFE90];
	[tilespmem:s20+$0xFFFFFE10] =	vst v1;
	v1 =	vmul.f32 v41, v34  }
0x2ef: {  	v47 =	vld [tilespmem:s20+$0xFFFFFEB0];
	[tilespmem:s20+$0xFFFFFE20] =	vst v43;
	v8 =	vmul.f32 v38, v37  }
0x2f0: {  	v35 =	vld.idx.msk [tilespmem:v12+s8+$0x0], $0xffff;
	v3 =	vmul.f32 v3, v34;
	[tilespmem:s20+$0xFFFFFE30] =	vst v1  }
0x2f1: {  	v11 =	vor.u32 $0x80, v11;
	[tilespmem:s20+$0x0] =	vst v8;
	v1 =	vmul.f32 v2, v34;
	v2 =	vld [tilespmem:s20+$0xFFFFFEA0]  }
0x2f2: {  	v11 =	vbroadcast v11, $0x0;
	v48 =	vld [tilespmem:s20+$0xFFFFFEC0];
	[tilespmem:s20+$0xFFFFFE40] =	vst v3;
	v3 =	vmul.f32 v42, v34  }
0x2f3: {  	v49 =	vld [tilespmem:s20+$0xFFFFFED0];
	[tilespmem:s20+$0xFFFFFE50] =	vst v1;
	v1 =	vmul.f32 v44, v34  }
0x2f4: {  	v50 =	vld [tilespmem:s20+$0xFFFFFEE0];
	[tilespmem:s20+$0xFFFFFE60] =	vst v3;
	v3 =	vmul.f32 v45, v34  }
0x2f5: {  	v51 =	vld [tilespmem:s20+$0xFFFFFF00];
	[tilespmem:s20+$0xFFFFFE70] =	vst v1;
	v1 =	vmul.f32 v46, v35  }
0x2f6: {  	[tilespmem:s20+$0xFFFFFE80] =	vst v3;
	v2 =	vmul.f32 v2, v35;
	v3 =	vld [tilespmem:s20+$0xFFFFFEF0]  }
0x2f7: {  	v52 =	vld [tilespmem:s20+$0xFFFFFF10];
	[tilespmem:s20+$0xFFFFFE90] =	vst v1;
	v1 =	vmul.f32 v47, v35  }
0x2f8: {  	v36 =	vld.idx.msk [tilespmem:v11+s8+$0x0], $0xffff;
	[tilespmem:s20+$0xFFFFFEA0] =	vst v2;
	v2 =	vmul.f32 v48, v35  }
0x2f9: {  	v53 =	vld [tilespmem:s20+$0xFFFFFF20];
	[tilespmem:s20+$0xFFFFFEB0] =	vst v1;
	v1 =	vmul.f32 v49, v35  }
0x2fa: {  	v54 =	vld [tilespmem:s20+$0xFFFFFF30];
	[tilespmem:s20+$0xFFFFFEC0] =	vst v2;
	v2 =	vmul.f32 v50, v35  }
0x2fb: {  	[tilespmem:s20+$0xFFFFFED0] =	vst v1;
	v1 =	vmul.f32 v3, v35;
	v3 =	vld [tilespmem:s20+$0xFFFFFF40]  }
0x2fc: {  	v55 =	vld [tilespmem:s20+$0xFFFFFF50];
	[tilespmem:s20+$0xFFFFFEE0] =	vst v2;
	v2 =	vmul.f32 v51, v35  }
0x2fd: {  	v56 =	vld [tilespmem:s20+$0xFFFFFF60];
	[tilespmem:s20+$0xFFFFFEF0] =	vst v1;
	v1 =	vmul.f32 v52, v36  }
0x2fe: {  	v57 =	vld [tilespmem:s20+$0xFFFFFF70];
	[tilespmem:s20+$0xFFFFFF00] =	vst v2;
	v2 =	vmul.f32 v53, v36  }
0x2ff: {  	v58 =	vld [tilespmem:s20+$0xFFFFFF80];
	[tilespmem:s20+$0xFFFFFF10] =	vst v1;
	v1 =	vmul.f32 v54, v36  }
0x300: {  	[tilespmem:s20+$0xFFFFFF20] =	vst v2;
	v2 =	vmul.f32 v3, v36;
	v3 =	vld [tilespmem:s20+$0xFFFFFF90]  }
0x301: {  	v59 =	vld [tilespmem:s20+$0xFFFFFFA0];
	[tilespmem:s20+$0xFFFFFF30] =	vst v1;
	v1 =	vmul.f32 v55, v36  }
0x302: {  	v60 =	vld [tilespmem:s20+$0xFFFFFFB0];
	[tilespmem:s20+$0xFFFFFF40] =	vst v2;
	v2 =	vmul.f32 v56, v36  }
0x303: {  	v61 =	vld [tilespmem:s20+$0xFFFFFFC0];
	[tilespmem:s20+$0xFFFFFF50] =	vst v1;
	v1 =	vmul.f32 v57, v36  }
0x304: {  	v62 =	vld [tilespmem:s20+$0xFFFFFFD0];
	[tilespmem:s20+$0xFFFFFF60] =	vst v2;
	v2 =	vmul.f32 v58, v36  }
0x305: {  	[tilespmem:s20+$0xFFFFFF70] =	vst v1;
	v1 =	vmul.f32 v3, v37;
	v3 =	vld [tilespmem:s20+$0xFFFFFFE0]  }
0x306: {  	v63 =	vld [tilespmem:s20+$0xFFFFFFF0];
	[tilespmem:s20+$0xFFFFFF80] =	vst v2;
	v2 =	vmul.f32 v59, v37  }
0x307: {  	[tilespmem:s20+$0xFFFFFF90] =	vst v1;
	v1 =	vmul.f32 v60, v37  }
0x308: {  	[tilespmem:s20+$0xFFFFFFA0] =	vst v2;
	v2 =	vmul.f32 v61, v37  }
0x309: {  	[tilespmem:s20+$0xFFFFFFB0] =	vst v1;
	v1 =	vmul.f32 v62, v37  }
0x30a: {  	[tilespmem:s20+$0xFFFFFFC0] =	vst v2;
	v2 =	vmul.f32 v3, v37  }
0x30b: {  	[tilespmem:s20+$0xFFFFFFD0] =	vst v1;
	v1 =	vmul.f32 v63, v37  }
0x30c: {  	[tilespmem:s20+$0xFFFFFFE0] =	vst v2  }
0x30d: {  	[tilespmem:s20+$0xFFFFFFF0] =	vst v1  }
0x30e: {  	[spmem:s5] =	stream.indirect.scatter.add.f32 [tilespmem:s30], [sflag:$0x5], $0x80, s9, s29, $0xb8;
	[tilespmem:$0x1DC00] =	vst v63  }
0x30f: {  	_ =	swait.ge [sflag:s28], $0x2800  }
0x310: {  	[sflag:s28] =	ssyncset.done $0x0  }
0x311: {  	[sflag:s28] =	ssyncadd.s32 $0xFFFFD800  }
0x312: {  	_ =	swait.ge [sflag:s18], $0x2800  }
0x313: {  	[sflag:s18] =	ssyncset.done $0x0  }
0x314: {  	[sflag:s18] =	ssyncadd.s32 $0xFFFFD800  }
0x315: {  	s10 =	stileid.u32;
	[bflag:$0x0] =	sbarrier.arrive $0xFFFF  }
0x316: {  	s10 =	sshll.u32 s10, $0x6;
	s23 =	rddreg [dreg:$0x10]  }
0x317: {  	s12 =	sor.u32 $0x1C01, s10;
	s25 =	rddreg [dreg:$0x6];
	s24 =	sshrl.u32 s23, $0x3  }
0x318: {  	[hbm:s25], [sflag:s12] =	dma.local [spmem:s24], $0x500  }
0x319: {  	s25 =	rddreg [dreg:$0x11]  }
0x31a: {  	s20 =	sor.u32 $0x1C02, s10;
	s24 =	rddreg [dreg:$0x7];
	s22 =	sshrl.u32 s25, $0x3  }
0x31b: {  	[hbm:s24], [sflag:s20] =	dma.local [spmem:s22], $0x500  }
0x31c: {  	s21 =	rddreg [dreg:$0x12]  }
0x31d: {  	s10 =	sor.u32 $0x1C03, s10;
	s22 =	rddreg [dreg:$0x8];
	s21 =	sshrl.u32 s21, $0x3  }
0x31e: {  	[hbm:s22], [sflag:s10] =	dma.local [spmem:s21], $0x500  }
0x31f: {  	s21 =	rddreg [dreg:$0x13]  }
0x320: {  	s22 =	rddreg [dreg:$0x9];
	s21 =	sshrl.u32 s21, $0x3  }
0x321: {  	[hbm:s22], [sflag:s12] =	dma.local [spmem:s21], $0x500  }
0x322: {  	s21 =	rddreg [dreg:$0x14]  }
0x323: {  	s22 =	rddreg [dreg:$0xa];
	s21 =	sshrl.u32 s21, $0x3  }
0x324: {  	[hbm:s22], [sflag:s20] =	dma.local [spmem:s21], $0x500  }
0x325: {  	s21 =	rddreg [dreg:$0x15]  }
0x326: {  	s22 =	rddreg [dreg:$0xb];
	s21 =	sshrl.u32 s21, $0x3  }
0x327: {  	[hbm:s22], [sflag:s10] =	dma.local [spmem:s21], $0x500  }
0x328: {  	s22 =	rddreg [dreg:$0x16]  }
0x329: {  	s21 =	rddreg [dreg:$0xc];
	s24 =	sshrl.u32 s22, $0x3  }
0x32a: {  	[hbm:s21], [sflag:s12] =	dma.local [spmem:s24], $0x500  }
0x32b: {  	s10 =	rddreg [dreg:$0x17]  }
0x32c: {  	s12 =	rddreg [dreg:$0xd];
	s10 =	sshrl.u32 @!p0 s10, $0x3  }
0x32d: {  	[hbm:s12], [sflag:s20] =	dma.local @!p0 [spmem:s10], $0x500  }
0x32e: {  	_ =	swait.ge [sflag:s14], $0x500  }
0x32f: {  	[sflag:s14] =	ssyncset.done $0x0  }
0x330: {  	[sflag:s14] =	ssyncadd.s32 $0xFFFFFB00  }
0x331: {  	_ =	swait.ge [sflag:s15], $0x500  }
0x332: {  	[sflag:s15] =	ssyncset.done $0x0  }
0x333: {  	[sflag:s15] =	ssyncadd.s32 $0xFFFFFB00  }
0x334: {  	_ =	swait.ge [sflag:s26], $0x500  }
0x335: {  	[sflag:s26] =	ssyncset.done $0x0  }
0x336: {  	[sflag:s26] =	ssyncadd.s32 $0xFFFFFB00  }
0x337: {  	_ =	swait.ge [sflag:s14], $0x500  }
0x338: {  	[sflag:s14] =	ssyncset.done $0x0  }
0x339: {  	[sflag:s14] =	ssyncadd.s32 $0xFFFFFB00  }
0x33a: {  	_ =	swait.ge [sflag:s15], $0x500  }
0x33b: {  	[sflag:s15] =	ssyncset.done $0x0  }
0x33c: {  	[sflag:s15] =	ssyncadd.s32 $0xFFFFFB00  }
0x33d: {  	_ =	swait.ge [sflag:s26], $0x500  }
0x33e: {  	[sflag:s26] =	ssyncset.done $0x0  }
0x33f: {  	[sflag:s26] =	ssyncadd.s32 $0xFFFFFB00  }
0x340: {  	_ =	swait.ge [sflag:s14], $0x500  }
0x341: {  	[sflag:s14] =	ssyncset.done $0x0  }
0x342: {  	s10 =	simm.s32 @!p0 $0x2;
	[sflag:s14] =	ssyncadd.s32 $0xFFFFFB00  }
0x343: {  	_ =	swait.ge @!p0 [sflag:s10], $0x500  }
0x344: {  	s21 =	rddreg [dreg:$0x1e]  }
0x345: {  	s24 =	rddreg [dreg:$0x18];
	s20 =	sadd.s32 $0x1, s21  }
0x346: {  	p1 =	sne.s32 s20, s24  }
.Ltmp8:
0x347: {  	_ = 	snop;
	(pc) =	sbr.rel @p1 .LBB2_1-.Ltmp8, $3  }
0x348: {  	_ =	sdelay $0x1  }
0x349: {  	[sflag:s10] =	ssyncset.done @!p0 $0x0  }
0x34a: {  	[sflag:s10] =	ssyncadd.s32 @!p0 $0xFFFFFB00  }
0x34b: {  	_ =	sfence.sel $0x180000  }
0x34c: {  	[bflag:$0x0] =	sbarrier.arrive $0xFFFF  }
0x34d: {  	_ =	strace $0x90000047  }
0x34e: {  	s0 =	stileid.u32;
	[bflag:$0x2] =	sbarrier.arrive $0xFFFF  }
0x34f: {  	p0 =	sne.s32 s0, $0x0;
	s0 =	rddreg [dreg:$0x5]  }
0x350: {  	s0 =	sadd.s32 @!p0 $0x100000, s0  }
0x351: {  	[sflag:s0] =	ssyncadd.tile.s32 @!p0 $0x1;
	_ =	shalt  }
.Lfunc_end2:
_tile_overlayer_lowered:
.L_overlay_start_2:
0x352: {  	(tag) =	ssettag $0x2  }
0x353: {  	s0 =	rddreg [dreg:$0x0];
	s2 =	stileid.u32  }
0x354: {  	s1 =	rddreg [dreg:$0x1];
	p0 =	sne.s32 s2, $0x0  }
0x355: {  	s3 =	rddreg [dreg:$0x2];
	[bflag:$0x3] =	sbarrier.arrive $0xFFFF;
	s2 =	simm.s32 @!p0 $0x1C0A  }
0x356: {  	[timem:s3], [sflag:s2] =	dma.local @!p0 [hbm:s0], s1  }
0x357: {  	s0 =	simm.s32 @!p0 $0xA  }
0x358: {  	_ =	swait.ge @!p0 [sflag:s0], s1  }
0x359: {  	s1 =	ssub.s32 @!p0 $0x0, s1;
	[sflag:s0] =	ssyncset.done @!p0 $0x0  }
0x35a: {  	[sflag:s0] =	ssyncadd.s32 @!p0 s1  }
0x35b: {  	[bflag:$0x3] =	sbarrier.arrive $0xFFFF  }
0x35c: {  	_ =	shalt  }

</sc_bundles>
